<compile_context>
chip_gen: v7x
topology: tpu7x:2x2x1
jax: 0.10.2.dev20260603
libtpu: 0.0.44.dev20260713+nightly
codegen_flags: <defaults>
</compile_context>

<pallas_src>
import functools

import jax
import jax.numpy as jnp
from jax import lax
from jax.experimental import pallas as pl
from jax.experimental.pallas import tpu as pltpu
from jax.experimental.pallas import tpu_sc as plsc

N_V = 10000
N_E = 5000
N_PAIRS = 160000
C = 256
H = 4
D_IN = C // 2
D_HEAD = D_IN // H
WID = 144

NC = 2
NS = 16
P_PAD = 163840
SPLIT_A = (64, 16)
SPLIT_B = (124, 36)

NE_ACC = 5120
NV_ACC = 10016


def _seg_sum_body(nacc, ch, n0, n1, data, gidx, sidx, zeros, out, acc, gi_v,
                  si_v, rows_v, sem):
    c = lax.axis_index("c")
    s = lax.axis_index("s")
    rpt = nacc // NS

    pltpu.sync_copy(zeros.at[pl.ds(0, rpt)], acc.at[pl.ds(s * rpt, rpt)])
    plsc.subcore_barrier()

    def run(base, n):
        pltpu.sync_copy(gidx.at[pl.ds(base, n)], gi_v.at[pl.ds(0, n)])
        pltpu.sync_copy(sidx.at[pl.ds(base, n)], si_v.at[pl.ds(0, n)])

        pltpu.async_copy(data.at[gi_v.at[0]], rows_v.at[0], sem)

        def chunk(j, carry):
            p = lax.rem(j, 2)
            pltpu.make_async_copy(data.at[gi_v.at[j]], rows_v.at[p],
                                  sem).wait()

            @pl.when(j + 1 < n)
            def _():
                pltpu.async_copy(data.at[gi_v.at[j + 1]], rows_v.at[1 - p],
                                 sem)

            pltpu.sync_copy(rows_v.at[p], acc.at[si_v.at[j]], add=True)
            return carry

        lax.fori_loop(0, n, chunk, 0)

    if n0:
        @pl.when(c == 0)
        def _():
            run(s * n0, n0)

    if n1:
        @pl.when(c == 1)
        def _():
            run(NS * n0 + s * n1, n1)

    plsc.subcore_barrier()

    r0 = s * rpt
    pltpu.sync_copy(acc.at[pl.ds(r0, rpt)],
                    out.at[pl.ds(c * nacc + r0, rpt)])


def _seg_sum(data, gidx, sidx, zeros, nacc, split):
    n0, n1 = split
    ch = P_PAD // ((n0 + n1) * NS)
    body = functools.partial(_seg_sum_body, nacc, ch, n0, n1)
    f = pl.kernel(
        body,
        out_type=jax.ShapeDtypeStruct((NC * nacc, WID), jnp.float32),
        mesh=plsc.VectorSubcoreMesh(core_axis_name="c", subcore_axis_name="s"),
        scratch_types=[
            pltpu.VMEM_SHARED((nacc, WID), jnp.float32),
            pltpu.VMEM((max(n0, n1), ch), jnp.int32),
            pltpu.VMEM((max(n0, n1), ch), jnp.int32),
            pltpu.VMEM((2, ch, WID), jnp.float32),
            pltpu.SemaphoreType.DMA,
        ],
        compiler_params=pltpu.CompilerParams(use_tc_tiling_on_sc=False),
    )
    return f(data, gidx.reshape(-1, ch), sidx.reshape(-1, ch), zeros)


def _theta_body(x_ref, w_ref, b_ref, o_ref):
    xt = jnp.dot(x_ref[...], w_ref[...],
                 preferred_element_type=jnp.float32) + b_ref[...]
    extra = jnp.broadcast_to(
        (lax.broadcasted_iota(jnp.int32, (1, 16), 1) == 0)
        .astype(jnp.float32), (xt.shape[0], 16))
    o_ref[...] = jnp.concatenate([xt, extra], axis=1)


def _theta(x, wcat, bcat):
    n = x.shape[0]
    blk = 2000
    return pl.pallas_call(
        _theta_body,
        grid=(n // blk,),
        in_specs=[
            pl.BlockSpec((blk, D_IN), lambda i: (i, 0)),
            pl.BlockSpec((D_IN, D_IN), lambda i: (0, 0)),
            pl.BlockSpec((1, D_IN), lambda i: (0, 0)),
        ],
        out_specs=pl.BlockSpec((blk, WID), lambda i: (i, 0)),
        out_shape=jax.ShapeDtypeStruct((n, WID), jnp.float32),
    )(x, wcat, bcat.reshape(1, D_IN))


def _edge_stage_body(agg_ref, ae_ref, bd_ref, sel_ref, z_ref):
    s = agg_ref[0] + agg_ref[1]
    deg = jnp.maximum(s[:, D_IN:D_IN + 1], 1.0)
    y = s[:, :D_IN] / deg
    p = y * ae_ref[...]
    alpha = jnp.dot(p, bd_ref[...],
                    preferred_element_type=jnp.float32)
    alpha = jnp.where(alpha > 0, alpha, 0.2 * alpha)
    m = jnp.max(alpha, axis=0, keepdims=True)
    e = jnp.exp(alpha - m)
    extra = jnp.dot(e, sel_ref[...],
                    preferred_element_type=jnp.float32)
    z_ref[...] = jnp.concatenate([y * e, extra], axis=1)


def _edge_stage(agg2, aecat, bd, sel):
    return pl.pallas_call(
        _edge_stage_body,
        in_specs=[
            pl.BlockSpec((2, N_E, WID), lambda: (0, 0, 0)),
            pl.BlockSpec((1, D_IN), lambda: (0, 0)),
            pl.BlockSpec((D_IN, D_IN), lambda: (0, 0)),
            pl.BlockSpec((D_IN, 16), lambda: (0, 0)),
        ],
        out_specs=pl.BlockSpec((N_E, WID), lambda: (0, 0)),
        out_shape=jax.ShapeDtypeStruct((N_E, WID), jnp.float32),
    )(agg2, aecat.reshape(1, D_IN), bd, sel)


def _vertex_theta_body(agg_ref, xres_ref, exp_ref, w_ref, b_ref, y_ref,
                       xt_ref):
    s = agg_ref[0] + agg_ref[1]
    den = jnp.dot(s[:, D_IN:], exp_ref[...],
                  preferred_element_type=jnp.float32)
    out = s[:, :D_IN] / jnp.maximum(den, 1e-12)
    out = jnp.where(out > 0, out, jnp.exp(out) - 1.0)
    y = xres_ref[...] + out
    y_ref[...] = y
    xt = jnp.dot(y, w_ref[...],
                 preferred_element_type=jnp.float32) + b_ref[...]
    extra = jnp.broadcast_to(
        (lax.broadcasted_iota(jnp.int32, (1, 16), 1) == 0)
        .astype(jnp.float32), (xt.shape[0], 16))
    xt_ref[...] = jnp.concatenate([xt, extra], axis=1)


def _vertex_theta(agg2, xres, expand, wcat, bcat):
    blk = 2000
    return pl.pallas_call(
        _vertex_theta_body,
        grid=(N_V // blk,),
        in_specs=[
            pl.BlockSpec((2, blk, WID), lambda i: (0, i, 0)),
            pl.BlockSpec((blk, D_IN), lambda i: (i, 0)),
            pl.BlockSpec((16, D_IN), lambda i: (0, 0)),
            pl.BlockSpec((D_IN, D_IN), lambda i: (0, 0)),
            pl.BlockSpec((1, D_IN), lambda i: (0, 0)),
        ],
        out_specs=[
            pl.BlockSpec((blk, D_IN), lambda i: (i, 0)),
            pl.BlockSpec((blk, WID), lambda i: (i, 0)),
        ],
        out_shape=[
            jax.ShapeDtypeStruct((N_V, D_IN), jnp.float32),
            jax.ShapeDtypeStruct((N_V, WID), jnp.float32),
        ],
    )(agg2, xres, expand, wcat, bcat.reshape(1, D_IN))


def _vertex_cat_body(agg_ref, xres_ref, exp_ref, y1_ref, o_ref):
    s = agg_ref[0] + agg_ref[1]
    den = jnp.dot(s[:, D_IN:], exp_ref[...],
                  preferred_element_type=jnp.float32)
    out = s[:, :D_IN] / jnp.maximum(den, 1e-12)
    out = jnp.where(out > 0, out, jnp.exp(out) - 1.0)
    o_ref[...] = jnp.concatenate([y1_ref[...], xres_ref[...] + out], axis=1)


def _vertex_cat(agg2, xres, expand, y1):
    blk = 2000
    return pl.pallas_call(
        _vertex_cat_body,
        grid=(N_V // blk,),
        in_specs=[
            pl.BlockSpec((2, blk, WID), lambda i: (0, i, 0)),
            pl.BlockSpec((blk, D_IN), lambda i: (i, 0)),
            pl.BlockSpec((16, D_IN), lambda i: (0, 0)),
            pl.BlockSpec((blk, D_IN), lambda i: (i, 0)),
        ],
        out_specs=pl.BlockSpec((blk, C), lambda i: (i, 0)),
        out_shape=jax.ShapeDtypeStruct((N_V, C), jnp.float32),
    )(agg2, xres, expand, y1)


def _vertex_stage_body(agg_ref, xres_ref, exp_ref, y_ref):
    s = agg_ref[0] + agg_ref[1]
    den = jnp.dot(s[:, D_IN:], exp_ref[...],
                  preferred_element_type=jnp.float32)
    out = s[:, :D_IN] / jnp.maximum(den, 1e-12)
    out = jnp.where(out > 0, out, jnp.exp(out) - 1.0)
    y_ref[...] = xres_ref[...] + out


def _vertex_stage(agg2, xres, expand):
    blk = 2000
    return pl.pallas_call(
        _vertex_stage_body,
        grid=(N_V // blk,),
        in_specs=[
            pl.BlockSpec((2, blk, WID), lambda i: (0, i, 0)),
            pl.BlockSpec((blk, D_IN), lambda i: (i, 0)),
            pl.BlockSpec((16, D_IN), lambda i: (0, 0)),
        ],
        out_specs=pl.BlockSpec((blk, D_IN), lambda i: (i, 0)),
        out_shape=jax.ShapeDtypeStruct((N_V, D_IN), jnp.float32),
    )(agg2, xres, expand)


def _gather_scatter(xt, aecat, consts):
    bd, sel, expand, zeros, vg, es, eg, vs = consts
    agg_e = _seg_sum(xt, vg, es, zeros, NE_ACC, SPLIT_A)
    agg_e = agg_e.reshape(NC, NE_ACC, WID)[:, :N_E, :]
    z = _edge_stage(agg_e, aecat, bd, sel)
    agg_v = _seg_sum(z, eg, vs, zeros, NV_ACC, SPLIT_B)
    return agg_v.reshape(NC, NV_ACC, WID)[:, :N_V, :]


def kernel(x, v_idx, e_idx, W1, b1, ae1, W2, b2, ae2):
    f32 = jnp.float32
    x1, x2 = x[:, :D_IN], x[:, D_IN:]
    w1c = jnp.transpose(W1, (1, 0, 2)).reshape(D_IN, D_IN)
    w2c = jnp.transpose(W2, (1, 0, 2)).reshape(D_IN, D_IN)
    b1c, b2c = b1.reshape(D_IN), b2.reshape(D_IN)
    ae1c, ae2c = ae1.reshape(D_IN), ae2.reshape(D_IN)

    heads = jnp.arange(D_IN, dtype=jnp.int32) // D_HEAD
    bd = (heads[:, None] == heads[None, :]).astype(f32)
    col = jnp.arange(16, dtype=jnp.int32)
    sel = ((jnp.arange(D_IN)[:, None] == col[None, :] * D_HEAD)
           & (col[None, :] < H)).astype(f32)
    expand = (col[:, None] == heads[None, :]).astype(f32)

    zeros = jnp.zeros((NV_ACC // NS, WID), f32)
    npad = P_PAD - N_PAIRS
    v32 = v_idx.astype(jnp.int32)
    e32 = e_idx.astype(jnp.int32)
    pad0 = jnp.zeros((npad,), jnp.int32)
    vg = jnp.concatenate([v32, pad0])
    eg = jnp.concatenate([e32, pad0])
    es = jnp.concatenate([e32, jnp.full((npad,), N_E, jnp.int32)])
    vs = jnp.concatenate([v32, jnp.full((npad,), N_V, jnp.int32)])

    consts = (bd, sel, expand, zeros, vg, es, eg, vs)
    xt1 = _theta(x2, w1c, b1c)
    agg_v1 = _gather_scatter(xt1, ae1c, consts)
    y1, xt2 = _vertex_theta(agg_v1, x1, expand, w2c, b2c)
    agg_v2 = _gather_scatter(xt2, ae2c, consts)
    return _vertex_cat(agg_v2, x2, expand, y1)

# --- scband reference (transcript-rebuilt; emitter-appended) ---
"""Pipeline reference for scband-attention-conv-block-54700703482420 (READ-ONLY COPY).

The authoritative reference and input builder live on the scoring server;
editing this copy changes nothing except your own understanding.
"""

import jax, jax.numpy as jnp
import numpy as np

N_V = 10000      # vertices
N_E = 5000       # hyperedges
N_PAIRS = 160000 # vertex-hyperedge incidence pairs
C = 256          # channels
H = 4            # num_heads
D_IN = C // 2          # 128, input to each UniGATConv
D_HEAD = (C // 2) // H # 32, out_channels per head


def setup_inputs(seed: int = 0) -> dict:
    key = jax.random.key(seed)
    ks = jax.random.split(key, 12)
    x = jax.random.normal(ks[0], (N_V, C), dtype=jnp.float32)
    v_idx = jax.random.randint(ks[1], (N_PAIRS,), 0, N_V)
    e_idx = jax.random.randint(ks[2], (N_PAIRS,), 0, N_E)
    s_in = 1.0 / np.sqrt(D_IN)
    s_h = 1.0 / np.sqrt(D_HEAD)
    # per-head UniGATConv params, stacked along head dim
    W1 = jax.random.normal(ks[3], (H, D_IN, D_HEAD), dtype=jnp.float32) * s_in
    b1 = jax.random.normal(ks[4], (H, D_HEAD), dtype=jnp.float32) * s_in
    ae1 = jax.random.normal(ks[5], (H, D_HEAD), dtype=jnp.float32) * s_h
    W2 = jax.random.normal(ks[6], (H, D_IN, D_HEAD), dtype=jnp.float32) * s_in
    b2 = jax.random.normal(ks[7], (H, D_HEAD), dtype=jnp.float32) * s_in
    ae2 = jax.random.normal(ks[8], (H, D_HEAD), dtype=jnp.float32) * s_h
    return {"x": x, "v_idx": v_idx, "e_idx": e_idx,
            "W1": W1, "b1": b1, "ae1": ae1,
            "W2": W2, "b2": b2, "ae2": ae2}


def _unigat_head(X, v_idx, e_idx, W, b, ae):
    # theta linear
    Xt = X @ W + b                                   # [N_V, D_HEAD]
    # v2e mean aggregation: hyperedge features
    ones = jnp.ones((e_idx.shape[0],), dtype=Xt.dtype)
    deg_e = jax.ops.segment_sum(ones, e_idx, num_segments=N_E)
    Ysum = jax.ops.segment_sum(Xt[v_idx], e_idx, num_segments=N_E)
    Y = Ysum / jnp.clip(deg_e, 1.0)[:, None]         # [N_E, D_HEAD]
    # attention score per hyperedge, gathered per incidence pair
    alpha_e = Y @ ae                                 # [N_E]
    score = jax.nn.leaky_relu(alpha_e[e_idx], 0.2)   # [N_PAIRS] (dropout = identity in eval)
    # e2v softmax_then_sum: softmax over incident hyperedges per vertex
    m = jax.ops.segment_max(score, v_idx, num_segments=N_V)
    m = jnp.where(jnp.isfinite(m), m, 0.0)
    ex = jnp.exp(score - m[v_idx])
    den = jax.ops.segment_sum(ex, v_idx, num_segments=N_V)
    w = ex / jnp.clip(den, 1e-12)[v_idx]
    out = jax.ops.segment_sum(w[:, None] * Y[e_idx], v_idx, num_segments=N_V)
    # is_last=False -> ELU activation; use_bn=False
    return jax.nn.elu(out)


def _multihead(X, v_idx, e_idx, W, b, ae):
    # MultiHeadWrapper with 'concat' readout; input dropout = identity in eval
    outs = [_unigat_head(X, v_idx, e_idx, W[h], b[h], ae[h]) for h in range(H)]
    return jnp.concatenate(outs, axis=1)             # [N_V, D_IN]


def reference(x, v_idx, e_idx, W1, b1, ae1, W2, b2, ae2):
    # prev_col1 = prev_col2 = None -> skip NonLinearResidualBlock / ReversibleScalingLayer
    x1 = x[:, :D_IN]
    x2 = x[:, D_IN:]
    y1 = x1 + _multihead(x2, v_idx, e_idx, W1, b1, ae1)
    y2 = x2 + _multihead(y1, v_idx, e_idx, W2, b2, ae2)
    return jnp.concatenate([y1, y2], axis=1)

if __name__ == "__main__":
    import jax
    _d = setup_inputs()
    print(jax.jit(kernel)(*tuple(_d.values())))

</pallas_src>

<mosaic_0001>
#map = affine_map<(d0, d1) -> (0, 0)>
module attributes {stable_mosaic.version = 14 : i64} {
  func.func @_seg_sum_body(%arg0: i32, %arg1: i32, %arg2: memref<10000x144xf32, #tpu.memory_space<hbm>>, %arg3: memref<1280x128xi32, #tpu.memory_space<hbm>>, %arg4: memref<1280x128xi32, #tpu.memory_space<hbm>>, %arg5: memref<626x144xf32, #tpu.memory_space<hbm>>, %arg6: memref<10240x144xf32, #tpu.memory_space<hbm>>, %arg7: memref<5120x144xf32, #tpu.memory_space<vmem_shared>>, %arg8: memref<64x128xi32, #tpu.memory_space<vmem>>, %arg9: memref<64x128xi32, #tpu.memory_space<vmem>>, %arg10: memref<2x128x144xf32, #tpu.memory_space<vmem>>, %arg11: memref<!tpu.dma_semaphore, #tpu.memory_space<semaphore_mem>>) attributes {dimension_semantics = [#tpu.dimension_semantics<core_parallel>, #tpu.dimension_semantics<subcore_parallel>], iteration_bounds = array<i64: 2, 16>, scalar_prefetch = 0 : i64, scratch_operands = 5 : i64, tpu.core_type = #tpu.core_type<sc_vector_subcore>, window_params = [{transform_indices = #map}, {transform_indices = #map}, {transform_indices = #map}, {transform_indices = #map}, {transform_indices = #map}]} {
    %mul3A = arith.constant 320 : i32
    %mul3A_0 = arith.muli %arg1, %mul3A : i32
    "tpu.region"() ({
      %run_scoped3A = tpu.sem_alloc : memref<!tpu.dma_semaphore, #tpu.memory_space<semaphore_mem>>
      %dma_start3A = arith.constant 0 : i32
      %dma_start3A_13 = tpu.memref_slice %arg7[%mul3A_0, %dma_start3A] : memref<5120x144xf32, #tpu.memory_space<vmem_shared>> -> memref<320x144xf32, #tpu.memory_space<vmem_shared>>
      %dma_start3A_14 = arith.constant 0 : i32
      %dma_start3A_15 = arith.constant 0 : i32
      %dma_start3A_16 = tpu.memref_slice %arg5[%dma_start3A_14, %dma_start3A_15] : memref<626x144xf32, #tpu.memory_space<hbm>> -> memref<320x144xf32, #tpu.memory_space<hbm>>
      tpu.enqueue_dma source(%dma_start3A_16 : memref<320x144xf32, #tpu.memory_space<hbm>>) target(%dma_start3A_13 : memref<320x144xf32, #tpu.memory_space<vmem_shared>>) target_semaphore(%run_scoped3A : memref<!tpu.dma_semaphore, #tpu.memory_space<semaphore_mem>>)
      %dma_wait3A = arith.constant 0 : i32
      %dma_wait3A_17 = tpu.memref_slice %arg7[%mul3A_0, %dma_wait3A] : memref<5120x144xf32, #tpu.memory_space<vmem_shared>> -> memref<320x144xf32, #tpu.memory_space<vmem_shared>>
      %dma_wait3A_18 = arith.constant 0 : i32
      %dma_wait3A_19 = arith.constant 0 : i32
      %dma_wait3A_20 = tpu.memref_slice %arg5[%dma_wait3A_18, %dma_wait3A_19] : memref<626x144xf32, #tpu.memory_space<hbm>> -> memref<320x144xf32, #tpu.memory_space<hbm>>
      tpu.wait_dma2 semaphore(%run_scoped3A : memref<!tpu.dma_semaphore, #tpu.memory_space<semaphore_mem>>) src(%dma_wait3A_20 : memref<320x144xf32, #tpu.memory_space<hbm>>) dst(%dma_wait3A_17 : memref<320x144xf32, #tpu.memory_space<vmem_shared>>)
      tpu.yield
    }) : () -> ()
    %barrier3A = arith.constant 0 : index
    tpu.barrier barrier_id(%barrier3A)
    %eq3A = arith.constant 0 : i32
    %eq3A_1 = arith.cmpi eq, %arg0, %eq3A : i32
    %convert_element_type3A = arith.extui %eq3A_1 : i1 to i32
    %cond3A = arith.constant 0 : i32
    %cond3A_2 = arith.cmpi ne, %convert_element_type3A, %cond3A : i32
    scf.if %cond3A_2 {
      %mul3A_13 = arith.constant 64 : i32
      %mul3A_14 = arith.muli %arg1, %mul3A_13 : i32
      "tpu.region"() ({
        %run_scoped3A = tpu.sem_alloc : memref<!tpu.dma_semaphore, #tpu.memory_space<semaphore_mem>>
        %dma_start3A_31 = arith.constant 0 : i32
        %dma_start3A_32 = arith.constant 0 : i32
        %dma_start3A_33 = tpu.memref_slice %arg8[%dma_start3A_31, %dma_start3A_32] : memref<64x128xi32, #tpu.memory_space<vmem>> -> memref<64x128xi32, #tpu.memory_space<vmem>>
        %dma_start3A_34 = arith.constant 0 : i32
        %dma_start3A_35 = tpu.memref_slice %arg3[%mul3A_14, %dma_start3A_34] : memref<1280x128xi32, #tpu.memory_space<hbm>> -> memref<64x128xi32, #tpu.memory_space<hbm>>
        %dma_start3A_36 = arith.constant 0 : i32
        %dma_start3A_37 = arith.constant 0 : i32
        %dma_start3A_38 = tpu.memref_slice %arg8[%dma_start3A_36, %dma_start3A_37] : memref<64x128xi32, #tpu.memory_space<vmem>> -> memref<64x128xi32, #tpu.memory_space<vmem>>
        %dma_start3A_39 = arith.constant 0 : i32
        %dma_start3A_40 = tpu.memref_slice %arg3[%mul3A_14, %dma_start3A_39] : memref<1280x128xi32, #tpu.memory_space<hbm>> -> memref<64x128xi32, #tpu.memory_space<hbm>>
        tpu.enqueue_dma source(%dma_start3A_40 : memref<64x128xi32, #tpu.memory_space<hbm>>) target(%dma_start3A_38 : memref<64x128xi32, #tpu.memory_space<vmem>>) target_semaphore(%run_scoped3A : memref<!tpu.dma_semaphore, #tpu.memory_space<semaphore_mem>>)
        %dma_wait3A = arith.constant 0 : i32
        %dma_wait3A_41 = arith.constant 0 : i32
        %dma_wait3A_42 = tpu.memref_slice %arg8[%dma_wait3A, %dma_wait3A_41] : memref<64x128xi32, #tpu.memory_space<vmem>> -> memref<64x128xi32, #tpu.memory_space<vmem>>
        %dma_wait3A_43 = arith.constant 0 : i32
        %dma_wait3A_44 = tpu.memref_slice %arg3[%mul3A_14, %dma_wait3A_43] : memref<1280x128xi32, #tpu.memory_space<hbm>> -> memref<64x128xi32, #tpu.memory_space<hbm>>
        %dma_wait3A_45 = arith.constant 0 : i32
        %dma_wait3A_46 = arith.constant 0 : i32
        %dma_wait3A_47 = tpu.memref_slice %arg8[%dma_wait3A_45, %dma_wait3A_46] : memref<64x128xi32, #tpu.memory_space<vmem>> -> memref<64x128xi32, #tpu.memory_space<vmem>>
        %dma_wait3A_48 = arith.constant 0 : i32
        %dma_wait3A_49 = tpu.memref_slice %arg3[%mul3A_14, %dma_wait3A_48] : memref<1280x128xi32, #tpu.memory_space<hbm>> -> memref<64x128xi32, #tpu.memory_space<hbm>>
        tpu.wait_dma2 semaphore(%run_scoped3A : memref<!tpu.dma_semaphore, #tpu.memory_space<semaphore_mem>>) src(%dma_wait3A_49 : memref<64x128xi32, #tpu.memory_space<hbm>>) dst(%dma_wait3A_47 : memref<64x128xi32, #tpu.memory_space<vmem>>)
        tpu.yield
      }) : () -> ()
      "tpu.region"() ({
        %run_scoped3A = tpu.sem_alloc : memref<!tpu.dma_semaphore, #tpu.memory_space<semaphore_mem>>
        %dma_start3A_31 = arith.constant 0 : i32
        %dma_start3A_32 = arith.constant 0 : i32
        %dma_start3A_33 = tpu.memref_slice %arg9[%dma_start3A_31, %dma_start3A_32] : memref<64x128xi32, #tpu.memory_space<vmem>> -> memref<64x128xi32, #tpu.memory_space<vmem>>
        %dma_start3A_34 = arith.constant 0 : i32
        %dma_start3A_35 = tpu.memref_slice %arg4[%mul3A_14, %dma_start3A_34] : memref<1280x128xi32, #tpu.memory_space<hbm>> -> memref<64x128xi32, #tpu.memory_space<hbm>>
        %dma_start3A_36 = arith.constant 0 : i32
        %dma_start3A_37 = arith.constant 0 : i32
        %dma_start3A_38 = tpu.memref_slice %arg9[%dma_start3A_36, %dma_start3A_37] : memref<64x128xi32, #tpu.memory_space<vmem>> -> memref<64x128xi32, #tpu.memory_space<vmem>>
        %dma_start3A_39 = arith.constant 0 : i32
        %dma_start3A_40 = tpu.memref_slice %arg4[%mul3A_14, %dma_start3A_39] : memref<1280x128xi32, #tpu.memory_space<hbm>> -> memref<64x128xi32, #tpu.memory_space<hbm>>
        tpu.enqueue_dma source(%dma_start3A_40 : memref<64x128xi32, #tpu.memory_space<hbm>>) target(%dma_start3A_38 : memref<64x128xi32, #tpu.memory_space<vmem>>) target_semaphore(%run_scoped3A : memref<!tpu.dma_semaphore, #tpu.memory_space<semaphore_mem>>)
        %dma_wait3A = arith.constant 0 : i32
        %dma_wait3A_41 = arith.constant 0 : i32
        %dma_wait3A_42 = tpu.memref_slice %arg9[%dma_wait3A, %dma_wait3A_41] : memref<64x128xi32, #tpu.memory_space<vmem>> -> memref<64x128xi32, #tpu.memory_space<vmem>>
        %dma_wait3A_43 = arith.constant 0 : i32
        %dma_wait3A_44 = tpu.memref_slice %arg4[%mul3A_14, %dma_wait3A_43] : memref<1280x128xi32, #tpu.memory_space<hbm>> -> memref<64x128xi32, #tpu.memory_space<hbm>>
        %dma_wait3A_45 = arith.constant 0 : i32
        %dma_wait3A_46 = arith.constant 0 : i32
        %dma_wait3A_47 = tpu.memref_slice %arg9[%dma_wait3A_45, %dma_wait3A_46] : memref<64x128xi32, #tpu.memory_space<vmem>> -> memref<64x128xi32, #tpu.memory_space<vmem>>
        %dma_wait3A_48 = arith.constant 0 : i32
        %dma_wait3A_49 = tpu.memref_slice %arg4[%mul3A_14, %dma_wait3A_48] : memref<1280x128xi32, #tpu.memory_space<hbm>> -> memref<64x128xi32, #tpu.memory_space<hbm>>
        tpu.wait_dma2 semaphore(%run_scoped3A : memref<!tpu.dma_semaphore, #tpu.memory_space<semaphore_mem>>) src(%dma_wait3A_49 : memref<64x128xi32, #tpu.memory_space<hbm>>) dst(%dma_wait3A_47 : memref<64x128xi32, #tpu.memory_space<vmem>>)
        tpu.yield
      }) : () -> ()
      %dma_start3A = arith.constant 0 : i32
      %dma_start3A_15 = arith.constant 0 : i32
      %dma_start3A_16 = arith.constant 0 : i32
      %dma_start3A_17 = arith.constant 0 : i32
      %dma_start3A_18 = tpu.memref_slice %arg10[%dma_start3A_15, %dma_start3A_16, %dma_start3A_17] : memref<2x128x144xf32, #tpu.memory_space<vmem>> -> memref<1x128x144xf32, #tpu.memory_space<vmem>>
      %dma_start3A_19 = tpu.memref_squeeze %dma_start3A_18 : memref<1x128x144xf32, #tpu.memory_space<vmem>> -> memref<128x144xf32, #tpu.memory_space<vmem>>
      %dma_start3A_20 = arith.constant 0 : i32
      %dma_start3A_21 = tpu.memref_slice %arg8[%dma_start3A, %dma_start3A_20] : memref<64x128xi32, #tpu.memory_space<vmem>> -> memref<1x128xi32, #tpu.memory_space<vmem>>
      %dma_start3A_22 = tpu.memref_squeeze %dma_start3A_21 : memref<1x128xi32, #tpu.memory_space<vmem>> -> memref<128xi32, #tpu.memory_space<vmem>>
      %dma_start3A_23 = arith.constant 0 : i32
      %dma_start3A_24 = arith.constant 0 : i32
      %dma_start3A_25 = tpu.memref_slice %arg2[%dma_start3A_23, %dma_start3A_24] : memref<10000x144xf32, #tpu.memory_space<hbm>> -> memref<10000x144xf32, #tpu.memory_space<hbm>>
      tpu.enqueue_indirect_dma source(%dma_start3A_25 : memref<10000x144xf32, #tpu.memory_space<hbm>>) target(%dma_start3A_19 : memref<128x144xf32, #tpu.memory_space<vmem>>) offsets(%dma_start3A_22 : memref<128xi32, #tpu.memory_space<vmem>>) semaphore(%arg11 : memref<!tpu.dma_semaphore, #tpu.memory_space<semaphore_mem>>)
      %scan3A = arith.constant 0 : i32
      %scan3A_26 = arith.constant 0 : i32
      %scan3A_27 = arith.constant 64 : i32
      %scan3A_28 = arith.addi %scan3A_26, %scan3A_27 : i32
      %scan3A_29 = arith.constant 1 : i32
      scf.for %scan3A_31 = %scan3A_26 to %scan3A_28 step %scan3A_29  : i32 {
        %rem3A = arith.constant 2 : i32
        %rem3A_32 = arith.remsi %scan3A_31, %rem3A : i32
        %dma_wait3A = arith.constant 0 : i32
        %dma_wait3A_33 = arith.constant 0 : i32
        %dma_wait3A_34 = tpu.memref_slice %arg10[%rem3A_32, %dma_wait3A, %dma_wait3A_33] : memref<2x128x144xf32, #tpu.memory_space<vmem>> -> memref<1x128x144xf32, #tpu.memory_space<vmem>>
        %dma_wait3A_35 = tpu.memref_squeeze %dma_wait3A_34 : memref<1x128x144xf32, #tpu.memory_space<vmem>> -> memref<128x144xf32, #tpu.memory_space<vmem>>
        %dma_wait3A_36 = arith.constant 0 : i32
        %dma_wait3A_37 = tpu.memref_slice %arg8[%scan3A_31, %dma_wait3A_36] : memref<64x128xi32, #tpu.memory_space<vmem>> -> memref<1x128xi32, #tpu.memory_space<vmem>>
        %dma_wait3A_38 = tpu.memref_squeeze %dma_wait3A_37 : memref<1x128xi32, #tpu.memory_space<vmem>> -> memref<128xi32, #tpu.memory_space<vmem>>
        %dma_wait3A_39 = arith.constant 0 : i32
        %dma_wait3A_40 = arith.constant 0 : i32
        %dma_wait3A_41 = tpu.memref_slice %arg2[%dma_wait3A_39, %dma_wait3A_40] : memref<10000x144xf32, #tpu.memory_space<hbm>> -> memref<10000x144xf32, #tpu.memory_space<hbm>>
        tpu.wait_indirect_dma semaphore(%arg11 : memref<!tpu.dma_semaphore, #tpu.memory_space<semaphore_mem>>) src(%dma_wait3A_41 : memref<10000x144xf32, #tpu.memory_space<hbm>>) dst(%dma_wait3A_35 : memref<128x144xf32, #tpu.memory_space<vmem>>)
        %add3A_42 = arith.constant 1 : i32
        %add3A_43 = arith.addi %scan3A_31, %add3A_42 : i32
        %lt3A = arith.constant 64 : i32
        %lt3A_44 = arith.cmpi slt, %add3A_43, %lt3A : i32
        %convert_element_type3A_45 = arith.extui %lt3A_44 : i1 to i32
        %cond3A_46 = arith.constant 0 : i32
        %cond3A_47 = arith.cmpi ne, %convert_element_type3A_45, %cond3A_46 : i32
        scf.if %cond3A_47 {
          %add3A_48 = arith.constant 1 : i32
          %add3A_49 = arith.addi %scan3A_31, %add3A_48 : i32
          %sub3A = arith.constant 1 : i32
          %sub3A_50 = arith.subi %sub3A, %rem3A_32 : i32
          %dma_start3A_51 = arith.constant 0 : i32
          %dma_start3A_52 = arith.constant 0 : i32
          %dma_start3A_53 = tpu.memref_slice %arg10[%sub3A_50, %dma_start3A_51, %dma_start3A_52] : memref<2x128x144xf32, #tpu.memory_space<vmem>> -> memref<1x128x144xf32, #tpu.memory_space<vmem>>
          %dma_start3A_54 = tpu.memref_squeeze %dma_start3A_53 : memref<1x128x144xf32, #tpu.memory_space<vmem>> -> memref<128x144xf32, #tpu.memory_space<vmem>>
          %dma_start3A_55 = arith.constant 0 : i32
          %dma_start3A_56 = tpu.memref_slice %arg8[%add3A_49, %dma_start3A_55] : memref<64x128xi32, #tpu.memory_space<vmem>> -> memref<1x128xi32, #tpu.memory_space<vmem>>
          %dma_start3A_57 = tpu.memref_squeeze %dma_start3A_56 : memref<1x128xi32, #tpu.memory_space<vmem>> -> memref<128xi32, #tpu.memory_space<vmem>>
          %dma_start3A_58 = arith.constant 0 : i32
          %dma_start3A_59 = arith.constant 0 : i32
          %dma_start3A_60 = tpu.memref_slice %arg2[%dma_start3A_58, %dma_start3A_59] : memref<10000x144xf32, #tpu.memory_space<hbm>> -> memref<10000x144xf32, #tpu.memory_space<hbm>>
          tpu.enqueue_indirect_dma source(%dma_start3A_60 : memref<10000x144xf32, #tpu.memory_space<hbm>>) target(%dma_start3A_54 : memref<128x144xf32, #tpu.memory_space<vmem>>) offsets(%dma_start3A_57 : memref<128xi32, #tpu.memory_space<vmem>>) semaphore(%arg11 : memref<!tpu.dma_semaphore, #tpu.memory_space<semaphore_mem>>)
        } else {
        }
        "tpu.region"() ({
          %run_scoped3A = tpu.sem_alloc : memref<!tpu.dma_semaphore, #tpu.memory_space<semaphore_mem>>
          %dma_start3A_48 = arith.constant 0 : i32
          %dma_start3A_49 = arith.constant 0 : i32
          %dma_start3A_50 = tpu.memref_slice %arg10[%rem3A_32, %dma_start3A_48, %dma_start3A_49] : memref<2x128x144xf32, #tpu.memory_space<vmem>> -> memref<1x128x144xf32, #tpu.memory_space<vmem>>
          %dma_start3A_51 = tpu.memref_squeeze %dma_start3A_50 : memref<1x128x144xf32, #tpu.memory_space<vmem>> -> memref<128x144xf32, #tpu.memory_space<vmem>>
          %dma_start3A_52 = arith.constant 0 : i32
          %dma_start3A_53 = tpu.memref_slice %arg9[%scan3A_31, %dma_start3A_52] : memref<64x128xi32, #tpu.memory_space<vmem>> -> memref<1x128xi32, #tpu.memory_space<vmem>>
          %dma_start3A_54 = tpu.memref_squeeze %dma_start3A_53 : memref<1x128xi32, #tpu.memory_space<vmem>> -> memref<128xi32, #tpu.memory_space<vmem>>
          %dma_start3A_55 = arith.constant 0 : i32
          %dma_start3A_56 = arith.constant 0 : i32
          %dma_start3A_57 = tpu.memref_slice %arg7[%dma_start3A_55, %dma_start3A_56] : memref<5120x144xf32, #tpu.memory_space<vmem_shared>> -> memref<5120x144xf32, #tpu.memory_space<vmem_shared>>
          tpu.enqueue_indirect_dma source(%dma_start3A_51 : memref<128x144xf32, #tpu.memory_space<vmem>>) target(%dma_start3A_57 : memref<5120x144xf32, #tpu.memory_space<vmem_shared>>) offsets(%dma_start3A_54 : memref<128xi32, #tpu.memory_space<vmem>>) semaphore(%run_scoped3A : memref<!tpu.dma_semaphore, #tpu.memory_space<semaphore_mem>>) {add = true}
          %dma_wait3A_58 = arith.constant 0 : i32
          %dma_wait3A_59 = arith.constant 0 : i32
          %dma_wait3A_60 = tpu.memref_slice %arg10[%rem3A_32, %dma_wait3A_58, %dma_wait3A_59] : memref<2x128x144xf32, #tpu.memory_space<vmem>> -> memref<1x128x144xf32, #tpu.memory_space<vmem>>
          %dma_wait3A_61 = tpu.memref_squeeze %dma_wait3A_60 : memref<1x128x144xf32, #tpu.memory_space<vmem>> -> memref<128x144xf32, #tpu.memory_space<vmem>>
          %dma_wait3A_62 = arith.constant 0 : i32
          %dma_wait3A_63 = tpu.memref_slice %arg9[%scan3A_31, %dma_wait3A_62] : memref<64x128xi32, #tpu.memory_space<vmem>> -> memref<1x128xi32, #tpu.memory_space<vmem>>
          %dma_wait3A_64 = tpu.memref_squeeze %dma_wait3A_63 : memref<1x128xi32, #tpu.memory_space<vmem>> -> memref<128xi32, #tpu.memory_space<vmem>>
          %dma_wait3A_65 = arith.constant 0 : i32
          %dma_wait3A_66 = arith.constant 0 : i32
          %dma_wait3A_67 = tpu.memref_slice %arg7[%dma_wait3A_65, %dma_wait3A_66] : memref<5120x144xf32, #tpu.memory_space<vmem_shared>> -> memref<5120x144xf32, #tpu.memory_space<vmem_shared>>
          tpu.wait_indirect_dma semaphore(%run_scoped3A : memref<!tpu.dma_semaphore, #tpu.memory_space<semaphore_mem>>) src(%dma_wait3A_61 : memref<128x144xf32, #tpu.memory_space<vmem>>) dst(%dma_wait3A_67 : memref<5120x144xf32, #tpu.memory_space<vmem_shared>>)
          tpu.yield
        }) : () -> ()
      }
      %scan3A_30 = arith.constant 64 : i32
    } else {
    }
    %eq3A_3 = arith.constant 1 : i32
    %eq3A_4 = arith.cmpi eq, %arg0, %eq3A_3 : i32
    %convert_element_type3A_5 = arith.extui %eq3A_4 : i1 to i32
    %cond3A_6 = arith.constant 0 : i32
    %cond3A_7 = arith.cmpi ne, %convert_element_type3A_5, %cond3A_6 : i32
    scf.if %cond3A_7 {
      %mul3A_13 = arith.constant 16 : i32
      %mul3A_14 = arith.muli %arg1, %mul3A_13 : i32
      %add3A_15 = arith.constant 1024 : i32
      %add3A_16 = arith.addi %add3A_15, %mul3A_14 : i32
      "tpu.region"() ({
        %run_scoped3A = tpu.sem_alloc : memref<!tpu.dma_semaphore, #tpu.memory_space<semaphore_mem>>
        %dma_start3A_33 = arith.constant 0 : i32
        %dma_start3A_34 = arith.constant 0 : i32
        %dma_start3A_35 = tpu.memref_slice %arg8[%dma_start3A_33, %dma_start3A_34] : memref<64x128xi32, #tpu.memory_space<vmem>> -> memref<16x128xi32, #tpu.memory_space<vmem>>
        %dma_start3A_36 = arith.constant 0 : i32
        %dma_start3A_37 = tpu.memref_slice %arg3[%add3A_16, %dma_start3A_36] : memref<1280x128xi32, #tpu.memory_space<hbm>> -> memref<16x128xi32, #tpu.memory_space<hbm>>
        %dma_start3A_38 = arith.constant 0 : i32
        %dma_start3A_39 = arith.constant 0 : i32
        %dma_start3A_40 = tpu.memref_slice %arg8[%dma_start3A_38, %dma_start3A_39] : memref<64x128xi32, #tpu.memory_space<vmem>> -> memref<16x128xi32, #tpu.memory_space<vmem>>
        %dma_start3A_41 = arith.constant 0 : i32
        %dma_start3A_42 = tpu.memref_slice %arg3[%add3A_16, %dma_start3A_41] : memref<1280x128xi32, #tpu.memory_space<hbm>> -> memref<16x128xi32, #tpu.memory_space<hbm>>
        tpu.enqueue_dma source(%dma_start3A_42 : memref<16x128xi32, #tpu.memory_space<hbm>>) target(%dma_start3A_40 : memref<16x128xi32, #tpu.memory_space<vmem>>) target_semaphore(%run_scoped3A : memref<!tpu.dma_semaphore, #tpu.memory_space<semaphore_mem>>)
        %dma_wait3A = arith.constant 0 : i32
        %dma_wait3A_43 = arith.constant 0 : i32
        %dma_wait3A_44 = tpu.memref_slice %arg8[%dma_wait3A, %dma_wait3A_43] : memref<64x128xi32, #tpu.memory_space<vmem>> -> memref<16x128xi32, #tpu.memory_space<vmem>>
        %dma_wait3A_45 = arith.constant 0 : i32
        %dma_wait3A_46 = tpu.memref_slice %arg3[%add3A_16, %dma_wait3A_45] : memref<1280x128xi32, #tpu.memory_space<hbm>> -> memref<16x128xi32, #tpu.memory_space<hbm>>
        %dma_wait3A_47 = arith.constant 0 : i32
        %dma_wait3A_48 = arith.constant 0 : i32
        %dma_wait3A_49 = tpu.memref_slice %arg8[%dma_wait3A_47, %dma_wait3A_48] : memref<64x128xi32, #tpu.memory_space<vmem>> -> memref<16x128xi32, #tpu.memory_space<vmem>>
        %dma_wait3A_50 = arith.constant 0 : i32
        %dma_wait3A_51 = tpu.memref_slice %arg3[%add3A_16, %dma_wait3A_50] : memref<1280x128xi32, #tpu.memory_space<hbm>> -> memref<16x128xi32, #tpu.memory_space<hbm>>
        tpu.wait_dma2 semaphore(%run_scoped3A : memref<!tpu.dma_semaphore, #tpu.memory_space<semaphore_mem>>) src(%dma_wait3A_51 : memref<16x128xi32, #tpu.memory_space<hbm>>) dst(%dma_wait3A_49 : memref<16x128xi32, #tpu.memory_space<vmem>>)
        tpu.yield
      }) : () -> ()
      "tpu.region"() ({
        %run_scoped3A = tpu.sem_alloc : memref<!tpu.dma_semaphore, #tpu.memory_space<semaphore_mem>>
        %dma_start3A_33 = arith.constant 0 : i32
        %dma_start3A_34 = arith.constant 0 : i32
        %dma_start3A_35 = tpu.memref_slice %arg9[%dma_start3A_33, %dma_start3A_34] : memref<64x128xi32, #tpu.memory_space<vmem>> -> memref<16x128xi32, #tpu.memory_space<vmem>>
        %dma_start3A_36 = arith.constant 0 : i32
        %dma_start3A_37 = tpu.memref_slice %arg4[%add3A_16, %dma_start3A_36] : memref<1280x128xi32, #tpu.memory_space<hbm>> -> memref<16x128xi32, #tpu.memory_space<hbm>>
        %dma_start3A_38 = arith.constant 0 : i32
        %dma_start3A_39 = arith.constant 0 : i32
        %dma_start3A_40 = tpu.memref_slice %arg9[%dma_start3A_38, %dma_start3A_39] : memref<64x128xi32, #tpu.memory_space<vmem>> -> memref<16x128xi32, #tpu.memory_space<vmem>>
        %dma_start3A_41 = arith.constant 0 : i32
        %dma_start3A_42 = tpu.memref_slice %arg4[%add3A_16, %dma_start3A_41] : memref<1280x128xi32, #tpu.memory_space<hbm>> -> memref<16x128xi32, #tpu.memory_space<hbm>>
        tpu.enqueue_dma source(%dma_start3A_42 : memref<16x128xi32, #tpu.memory_space<hbm>>) target(%dma_start3A_40 : memref<16x128xi32, #tpu.memory_space<vmem>>) target_semaphore(%run_scoped3A : memref<!tpu.dma_semaphore, #tpu.memory_space<semaphore_mem>>)
        %dma_wait3A = arith.constant 0 : i32
        %dma_wait3A_43 = arith.constant 0 : i32
        %dma_wait3A_44 = tpu.memref_slice %arg9[%dma_wait3A, %dma_wait3A_43] : memref<64x128xi32, #tpu.memory_space<vmem>> -> memref<16x128xi32, #tpu.memory_space<vmem>>
        %dma_wait3A_45 = arith.constant 0 : i32
        %dma_wait3A_46 = tpu.memref_slice %arg4[%add3A_16, %dma_wait3A_45] : memref<1280x128xi32, #tpu.memory_space<hbm>> -> memref<16x128xi32, #tpu.memory_space<hbm>>
        %dma_wait3A_47 = arith.constant 0 : i32
        %dma_wait3A_48 = arith.constant 0 : i32
        %dma_wait3A_49 = tpu.memref_slice %arg9[%dma_wait3A_47, %dma_wait3A_48] : memref<64x128xi32, #tpu.memory_space<vmem>> -> memref<16x128xi32, #tpu.memory_space<vmem>>
        %dma_wait3A_50 = arith.constant 0 : i32
        %dma_wait3A_51 = tpu.memref_slice %arg4[%add3A_16, %dma_wait3A_50] : memref<1280x128xi32, #tpu.memory_space<hbm>> -> memref<16x128xi32, #tpu.memory_space<hbm>>
        tpu.wait_dma2 semaphore(%run_scoped3A : memref<!tpu.dma_semaphore, #tpu.memory_space<semaphore_mem>>) src(%dma_wait3A_51 : memref<16x128xi32, #tpu.memory_space<hbm>>) dst(%dma_wait3A_49 : memref<16x128xi32, #tpu.memory_space<vmem>>)
        tpu.yield
      }) : () -> ()
      %dma_start3A = arith.constant 0 : i32
      %dma_start3A_17 = arith.constant 0 : i32
      %dma_start3A_18 = arith.constant 0 : i32
      %dma_start3A_19 = arith.constant 0 : i32
      %dma_start3A_20 = tpu.memref_slice %arg10[%dma_start3A_17, %dma_start3A_18, %dma_start3A_19] : memref<2x128x144xf32, #tpu.memory_space<vmem>> -> memref<1x128x144xf32, #tpu.memory_space<vmem>>
      %dma_start3A_21 = tpu.memref_squeeze %dma_start3A_20 : memref<1x128x144xf32, #tpu.memory_space<vmem>> -> memref<128x144xf32, #tpu.memory_space<vmem>>
      %dma_start3A_22 = arith.constant 0 : i32
      %dma_start3A_23 = tpu.memref_slice %arg8[%dma_start3A, %dma_start3A_22] : memref<64x128xi32, #tpu.memory_space<vmem>> -> memref<1x128xi32, #tpu.memory_space<vmem>>
      %dma_start3A_24 = tpu.memref_squeeze %dma_start3A_23 : memref<1x128xi32, #tpu.memory_space<vmem>> -> memref<128xi32, #tpu.memory_space<vmem>>
      %dma_start3A_25 = arith.constant 0 : i32
      %dma_start3A_26 = arith.constant 0 : i32
      %dma_start3A_27 = tpu.memref_slice %arg2[%dma_start3A_25, %dma_start3A_26] : memref<10000x144xf32, #tpu.memory_space<hbm>> -> memref<10000x144xf32, #tpu.memory_space<hbm>>
      tpu.enqueue_indirect_dma source(%dma_start3A_27 : memref<10000x144xf32, #tpu.memory_space<hbm>>) target(%dma_start3A_21 : memref<128x144xf32, #tpu.memory_space<vmem>>) offsets(%dma_start3A_24 : memref<128xi32, #tpu.memory_space<vmem>>) semaphore(%arg11 : memref<!tpu.dma_semaphore, #tpu.memory_space<semaphore_mem>>)
      %scan3A = arith.constant 0 : i32
      %scan3A_28 = arith.constant 0 : i32
      %scan3A_29 = arith.constant 16 : i32
      %scan3A_30 = arith.addi %scan3A_28, %scan3A_29 : i32
      %scan3A_31 = arith.constant 1 : i32
      scf.for %scan3A_33 = %scan3A_28 to %scan3A_30 step %scan3A_31  : i32 {
        %rem3A = arith.constant 2 : i32
        %rem3A_34 = arith.remsi %scan3A_33, %rem3A : i32
        %dma_wait3A = arith.constant 0 : i32
        %dma_wait3A_35 = arith.constant 0 : i32
        %dma_wait3A_36 = tpu.memref_slice %arg10[%rem3A_34, %dma_wait3A, %dma_wait3A_35] : memref<2x128x144xf32, #tpu.memory_space<vmem>> -> memref<1x128x144xf32, #tpu.memory_space<vmem>>
        %dma_wait3A_37 = tpu.memref_squeeze %dma_wait3A_36 : memref<1x128x144xf32, #tpu.memory_space<vmem>> -> memref<128x144xf32, #tpu.memory_space<vmem>>
        %dma_wait3A_38 = arith.constant 0 : i32
        %dma_wait3A_39 = tpu.memref_slice %arg8[%scan3A_33, %dma_wait3A_38] : memref<64x128xi32, #tpu.memory_space<vmem>> -> memref<1x128xi32, #tpu.memory_space<vmem>>
        %dma_wait3A_40 = tpu.memref_squeeze %dma_wait3A_39 : memref<1x128xi32, #tpu.memory_space<vmem>> -> memref<128xi32, #tpu.memory_space<vmem>>
        %dma_wait3A_41 = arith.constant 0 : i32
        %dma_wait3A_42 = arith.constant 0 : i32
        %dma_wait3A_43 = tpu.memref_slice %arg2[%dma_wait3A_41, %dma_wait3A_42] : memref<10000x144xf32, #tpu.memory_space<hbm>> -> memref<10000x144xf32, #tpu.memory_space<hbm>>
        tpu.wait_indirect_dma semaphore(%arg11 : memref<!tpu.dma_semaphore, #tpu.memory_space<semaphore_mem>>) src(%dma_wait3A_43 : memref<10000x144xf32, #tpu.memory_space<hbm>>) dst(%dma_wait3A_37 : memref<128x144xf32, #tpu.memory_space<vmem>>)
        %add3A_44 = arith.constant 1 : i32
        %add3A_45 = arith.addi %scan3A_33, %add3A_44 : i32
        %lt3A = arith.constant 16 : i32
        %lt3A_46 = arith.cmpi slt, %add3A_45, %lt3A : i32
        %convert_element_type3A_47 = arith.extui %lt3A_46 : i1 to i32
        %cond3A_48 = arith.constant 0 : i32
        %cond3A_49 = arith.cmpi ne, %convert_element_type3A_47, %cond3A_48 : i32
        scf.if %cond3A_49 {
          %add3A_50 = arith.constant 1 : i32
          %add3A_51 = arith.addi %scan3A_33, %add3A_50 : i32
          %sub3A = arith.constant 1 : i32
          %sub3A_52 = arith.subi %sub3A, %rem3A_34 : i32
          %dma_start3A_53 = arith.constant 0 : i32
          %dma_start3A_54 = arith.constant 0 : i32
          %dma_start3A_55 = tpu.memref_slice %arg10[%sub3A_52, %dma_start3A_53, %dma_start3A_54] : memref<2x128x144xf32, #tpu.memory_space<vmem>> -> memref<1x128x144xf32, #tpu.memory_space<vmem>>
          %dma_start3A_56 = tpu.memref_squeeze %dma_start3A_55 : memref<1x128x144xf32, #tpu.memory_space<vmem>> -> memref<128x144xf32, #tpu.memory_space<vmem>>
          %dma_start3A_57 = arith.constant 0 : i32
          %dma_start3A_58 = tpu.memref_slice %arg8[%add3A_51, %dma_start3A_57] : memref<64x128xi32, #tpu.memory_space<vmem>> -> memref<1x128xi32, #tpu.memory_space<vmem>>
          %dma_start3A_59 = tpu.memref_squeeze %dma_start3A_58 : memref<1x128xi32, #tpu.memory_space<vmem>> -> memref<128xi32, #tpu.memory_space<vmem>>
          %dma_start3A_60 = arith.constant 0 : i32
          %dma_start3A_61 = arith.constant 0 : i32
          %dma_start3A_62 = tpu.memref_slice %arg2[%dma_start3A_60, %dma_start3A_61] : memref<10000x144xf32, #tpu.memory_space<hbm>> -> memref<10000x144xf32, #tpu.memory_space<hbm>>
          tpu.enqueue_indirect_dma source(%dma_start3A_62 : memref<10000x144xf32, #tpu.memory_space<hbm>>) target(%dma_start3A_56 : memref<128x144xf32, #tpu.memory_space<vmem>>) offsets(%dma_start3A_59 : memref<128xi32, #tpu.memory_space<vmem>>) semaphore(%arg11 : memref<!tpu.dma_semaphore, #tpu.memory_space<semaphore_mem>>)
        } else {
        }
        "tpu.region"() ({
          %run_scoped3A = tpu.sem_alloc : memref<!tpu.dma_semaphore, #tpu.memory_space<semaphore_mem>>
          %dma_start3A_50 = arith.constant 0 : i32
          %dma_start3A_51 = arith.constant 0 : i32
          %dma_start3A_52 = tpu.memref_slice %arg10[%rem3A_34, %dma_start3A_50, %dma_start3A_51] : memref<2x128x144xf32, #tpu.memory_space<vmem>> -> memref<1x128x144xf32, #tpu.memory_space<vmem>>
          %dma_start3A_53 = tpu.memref_squeeze %dma_start3A_52 : memref<1x128x144xf32, #tpu.memory_space<vmem>> -> memref<128x144xf32, #tpu.memory_space<vmem>>
          %dma_start3A_54 = arith.constant 0 : i32
          %dma_start3A_55 = tpu.memref_slice %arg9[%scan3A_33, %dma_start3A_54] : memref<64x128xi32, #tpu.memory_space<vmem>> -> memref<1x128xi32, #tpu.memory_space<vmem>>
          %dma_start3A_56 = tpu.memref_squeeze %dma_start3A_55 : memref<1x128xi32, #tpu.memory_space<vmem>> -> memref<128xi32, #tpu.memory_space<vmem>>
          %dma_start3A_57 = arith.constant 0 : i32
          %dma_start3A_58 = arith.constant 0 : i32
          %dma_start3A_59 = tpu.memref_slice %arg7[%dma_start3A_57, %dma_start3A_58] : memref<5120x144xf32, #tpu.memory_space<vmem_shared>> -> memref<5120x144xf32, #tpu.memory_space<vmem_shared>>
          tpu.enqueue_indirect_dma source(%dma_start3A_53 : memref<128x144xf32, #tpu.memory_space<vmem>>) target(%dma_start3A_59 : memref<5120x144xf32, #tpu.memory_space<vmem_shared>>) offsets(%dma_start3A_56 : memref<128xi32, #tpu.memory_space<vmem>>) semaphore(%run_scoped3A : memref<!tpu.dma_semaphore, #tpu.memory_space<semaphore_mem>>) {add = true}
          %dma_wait3A_60 = arith.constant 0 : i32
          %dma_wait3A_61 = arith.constant 0 : i32
          %dma_wait3A_62 = tpu.memref_slice %arg10[%rem3A_34, %dma_wait3A_60, %dma_wait3A_61] : memref<2x128x144xf32, #tpu.memory_space<vmem>> -> memref<1x128x144xf32, #tpu.memory_space<vmem>>
          %dma_wait3A_63 = tpu.memref_squeeze %dma_wait3A_62 : memref<1x128x144xf32, #tpu.memory_space<vmem>> -> memref<128x144xf32, #tpu.memory_space<vmem>>
          %dma_wait3A_64 = arith.constant 0 : i32
          %dma_wait3A_65 = tpu.memref_slice %arg9[%scan3A_33, %dma_wait3A_64] : memref<64x128xi32, #tpu.memory_space<vmem>> -> memref<1x128xi32, #tpu.memory_space<vmem>>
          %dma_wait3A_66 = tpu.memref_squeeze %dma_wait3A_65 : memref<1x128xi32, #tpu.memory_space<vmem>> -> memref<128xi32, #tpu.memory_space<vmem>>
          %dma_wait3A_67 = arith.constant 0 : i32
          %dma_wait3A_68 = arith.constant 0 : i32
          %dma_wait3A_69 = tpu.memref_slice %arg7[%dma_wait3A_67, %dma_wait3A_68] : memref<5120x144xf32, #tpu.memory_space<vmem_shared>> -> memref<5120x144xf32, #tpu.memory_space<vmem_shared>>
          tpu.wait_indirect_dma semaphore(%run_scoped3A : memref<!tpu.dma_semaphore, #tpu.memory_space<semaphore_mem>>) src(%dma_wait3A_63 : memref<128x144xf32, #tpu.memory_space<vmem>>) dst(%dma_wait3A_69 : memref<5120x144xf32, #tpu.memory_space<vmem_shared>>)
          tpu.yield
        }) : () -> ()
      }
      %scan3A_32 = arith.constant 16 : i32
    } else {
    }
    %barrier3A_8 = arith.constant 0 : index
    tpu.barrier barrier_id(%barrier3A_8)
    %mul3A_9 = arith.constant 320 : i32
    %mul3A_10 = arith.muli %arg1, %mul3A_9 : i32
    %mul3A_11 = arith.constant 5120 : i32
    %mul3A_12 = arith.muli %arg0, %mul3A_11 : i32
    %add3A = arith.addi %mul3A_12, %mul3A_10 : i32
    "tpu.region"() ({
      %run_scoped3A = tpu.sem_alloc : memref<!tpu.dma_semaphore, #tpu.memory_space<semaphore_mem>>
      %dma_start3A = arith.constant 0 : i32
      %dma_start3A_13 = tpu.memref_slice %arg6[%add3A, %dma_start3A] : memref<10240x144xf32, #tpu.memory_space<hbm>> -> memref<320x144xf32, #tpu.memory_space<hbm>>
      %dma_start3A_14 = arith.constant 0 : i32
      %dma_start3A_15 = tpu.memref_slice %arg7[%mul3A_10, %dma_start3A_14] : memref<5120x144xf32, #tpu.memory_space<vmem_shared>> -> memref<320x144xf32, #tpu.memory_space<vmem_shared>>
      tpu.enqueue_dma source(%dma_start3A_15 : memref<320x144xf32, #tpu.memory_space<vmem_shared>>) target(%dma_start3A_13 : memref<320x144xf32, #tpu.memory_space<hbm>>) target_semaphore(%run_scoped3A : memref<!tpu.dma_semaphore, #tpu.memory_space<semaphore_mem>>)
      %dma_wait3A = arith.constant 0 : i32
      %dma_wait3A_16 = tpu.memref_slice %arg6[%add3A, %dma_wait3A] : memref<10240x144xf32, #tpu.memory_space<hbm>> -> memref<320x144xf32, #tpu.memory_space<hbm>>
      %dma_wait3A_17 = arith.constant 0 : i32
      %dma_wait3A_18 = tpu.memref_slice %arg7[%mul3A_10, %dma_wait3A_17] : memref<5120x144xf32, #tpu.memory_space<vmem_shared>> -> memref<320x144xf32, #tpu.memory_space<vmem_shared>>
      tpu.wait_dma2 semaphore(%run_scoped3A : memref<!tpu.dma_semaphore, #tpu.memory_space<semaphore_mem>>) src(%dma_wait3A_18 : memref<320x144xf32, #tpu.memory_space<vmem_shared>>) dst(%dma_wait3A_16 : memref<320x144xf32, #tpu.memory_space<hbm>>)
      tpu.yield
    }) : () -> ()
    return
  }
}

#map = affine_map<(d0, d1) -> (0, 0)>
module attributes {stable_mosaic.version = 14 : i64} {
  func.func @_seg_sum_body(%arg0: i32, %arg1: i32, %arg2: memref<10000x144xf32, #tpu.memory_space<hbm>>, %arg3: memref<1280x128xi32, #tpu.memory_space<hbm>>, %arg4: memref<1280x128xi32, #tpu.memory_space<hbm>>, %arg5: memref<626x144xf32, #tpu.memory_space<hbm>>, %arg6: memref<10240x144xf32, #tpu.memory_space<hbm>>, %arg7: memref<5120x144xf32, #tpu.memory_space<vmem_shared>>, %arg8: memref<64x128xi32, #tpu.memory_space<vmem>>, %arg9: memref<64x128xi32, #tpu.memory_space<vmem>>, %arg10: memref<2x128x144xf32, #tpu.memory_space<vmem>>, %arg11: memref<!tpu.dma_semaphore, #tpu.memory_space<semaphore_mem>>) attributes {dimension_semantics = [#tpu.dimension_semantics<core_parallel>, #tpu.dimension_semantics<subcore_parallel>], iteration_bounds = array<i64: 2, 16>, scalar_prefetch = 0 : i64, scratch_operands = 5 : i64, tpu.core_type = #tpu.core_type<sc_vector_subcore>, window_params = [{transform_indices = #map}, {transform_indices = #map}, {transform_indices = #map}, {transform_indices = #map}, {transform_indices = #map}]} {
    %mul3A = arith.constant 320 : i32
    %mul3A_0 = arith.muli %arg1, %mul3A : i32
    "tpu.region"() ({
      %run_scoped3A = tpu.sem_alloc : memref<!tpu.dma_semaphore, #tpu.memory_space<semaphore_mem>>
      %dma_start3A = arith.constant 0 : i32
      %dma_start3A_13 = tpu.memref_slice %arg7[%mul3A_0, %dma_start3A] : memref<5120x144xf32, #tpu.memory_space<vmem_shared>> -> memref<320x144xf32, #tpu.memory_space<vmem_shared>>
      %dma_start3A_14 = arith.constant 0 : i32
      %dma_start3A_15 = arith.constant 0 : i32
      %dma_start3A_16 = tpu.memref_slice %arg5[%dma_start3A_14, %dma_start3A_15] : memref<626x144xf32, #tpu.memory_space<hbm>> -> memref<320x144xf32, #tpu.memory_space<hbm>>
      tpu.enqueue_dma source(%dma_start3A_16 : memref<320x144xf32, #tpu.memory_space<hbm>>) target(%dma_start3A_13 : memref<320x144xf32, #tpu.memory_space<vmem_shared>>) target_semaphore(%run_scoped3A : memref<!tpu.dma_semaphore, #tpu.memory_space<semaphore_mem>>)
      %dma_wait3A = arith.constant 0 : i32
      %dma_wait3A_17 = tpu.memref_slice %arg7[%mul3A_0, %dma_wait3A] : memref<5120x144xf32, #tpu.memory_space<vmem_shared>> -> memref<320x144xf32, #tpu.memory_space<vmem_shared>>
      %dma_wait3A_18 = arith.constant 0 : i32
      %dma_wait3A_19 = arith.constant 0 : i32
      %dma_wait3A_20 = tpu.memref_slice %arg5[%dma_wait3A_18, %dma_wait3A_19] : memref<626x144xf32, #tpu.memory_space<hbm>> -> memref<320x144xf32, #tpu.memory_space<hbm>>
      tpu.wait_dma2 semaphore(%run_scoped3A : memref<!tpu.dma_semaphore, #tpu.memory_space<semaphore_mem>>) src(%dma_wait3A_20 : memref<320x144xf32, #tpu.memory_space<hbm>>) dst(%dma_wait3A_17 : memref<320x144xf32, #tpu.memory_space<vmem_shared>>)
      tpu.yield
    }) : () -> ()
    %barrier3A = arith.constant 0 : index
    tpu.barrier barrier_id(%barrier3A)
    %eq3A = arith.constant 0 : i32
    %eq3A_1 = arith.cmpi eq, %arg0, %eq3A : i32
    %convert_element_type3A = arith.extui %eq3A_1 : i1 to i32
    %cond3A = arith.constant 0 : i32
    %cond3A_2 = arith.cmpi ne, %convert_element_type3A, %cond3A : i32
    scf.if %cond3A_2 {
      %mul3A_13 = arith.constant 64 : i32
      %mul3A_14 = arith.muli %arg1, %mul3A_13 : i32
      "tpu.region"() ({
        %run_scoped3A = tpu.sem_alloc : memref<!tpu.dma_semaphore, #tpu.memory_space<semaphore_mem>>
        %dma_start3A_31 = arith.constant 0 : i32
        %dma_start3A_32 = arith.constant 0 : i32
        %dma_start3A_33 = tpu.memref_slice %arg8[%dma_start3A_31, %dma_start3A_32] : memref<64x128xi32, #tpu.memory_space<vmem>> -> memref<64x128xi32, #tpu.memory_space<vmem>>
        %dma_start3A_34 = arith.constant 0 : i32
        %dma_start3A_35 = tpu.memref_slice %arg3[%mul3A_14, %dma_start3A_34] : memref<1280x128xi32, #tpu.memory_space<hbm>> -> memref<64x128xi32, #tpu.memory_space<hbm>>
        %dma_start3A_36 = arith.constant 0 : i32
        %dma_start3A_37 = arith.constant 0 : i32
        %dma_start3A_38 = tpu.memref_slice %arg8[%dma_start3A_36, %dma_start3A_37] : memref<64x128xi32, #tpu.memory_space<vmem>> -> memref<64x128xi32, #tpu.memory_space<vmem>>
        %dma_start3A_39 = arith.constant 0 : i32
        %dma_start3A_40 = tpu.memref_slice %arg3[%mul3A_14, %dma_start3A_39] : memref<1280x128xi32, #tpu.memory_space<hbm>> -> memref<64x128xi32, #tpu.memory_space<hbm>>
        tpu.enqueue_dma source(%dma_start3A_40 : memref<64x128xi32, #tpu.memory_space<hbm>>) target(%dma_start3A_38 : memref<64x128xi32, #tpu.memory_space<vmem>>) target_semaphore(%run_scoped3A : memref<!tpu.dma_semaphore, #tpu.memory_space<semaphore_mem>>)
        %dma_wait3A = arith.constant 0 : i32
        %dma_wait3A_41 = arith.constant 0 : i32
        %dma_wait3A_42 = tpu.memref_slice %arg8[%dma_wait3A, %dma_wait3A_41] : memref<64x128xi32, #tpu.memory_space<vmem>> -> memref<64x128xi32, #tpu.memory_space<vmem>>
        %dma_wait3A_43 = arith.constant 0 : i32
        %dma_wait3A_44 = tpu.memref_slice %arg3[%mul3A_14, %dma_wait3A_43] : memref<1280x128xi32, #tpu.memory_space<hbm>> -> memref<64x128xi32, #tpu.memory_space<hbm>>
        %dma_wait3A_45 = arith.constant 0 : i32
        %dma_wait3A_46 = arith.constant 0 : i32
        %dma_wait3A_47 = tpu.memref_slice %arg8[%dma_wait3A_45, %dma_wait3A_46] : memref<64x128xi32, #tpu.memory_space<vmem>> -> memref<64x128xi32, #tpu.memory_space<vmem>>
        %dma_wait3A_48 = arith.constant 0 : i32
        %dma_wait3A_49 = tpu.memref_slice %arg3[%mul3A_14, %dma_wait3A_48] : memref<1280x128xi32, #tpu.memory_space<hbm>> -> memref<64x128xi32, #tpu.memory_space<hbm>>
        tpu.wait_dma2 semaphore(%run_scoped3A : memref<!tpu.dma_semaphore, #tpu.memory_space<semaphore_mem>>) src(%dma_wait3A_49 : memref<64x128xi32, #tpu.memory_space<hbm>>) dst(%dma_wait3A_47 : memref<64x128xi32, #tpu.memory_space<vmem>>)
        tpu.yield
      }) : () -> ()
      "tpu.region"() ({
        %run_scoped3A = tpu.sem_alloc : memref<!tpu.dma_semaphore, #tpu.memory_space<semaphore_mem>>
        %dma_start3A_31 = arith.constant 0 : i32
        %dma_start3A_32 = arith.constant 0 : i32
        %dma_start3A_33 = tpu.memref_slice %arg9[%dma_start3A_31, %dma_start3A_32] : memref<64x128xi32, #tpu.memory_space<vmem>> -> memref<64x128xi32, #tpu.memory_space<vmem>>
        %dma_start3A_34 = arith.constant 0 : i32
        %dma_start3A_35 = tpu.memref_slice %arg4[%mul3A_14, %dma_start3A_34] : memref<1280x128xi32, #tpu.memory_space<hbm>> -> memref<64x128xi32, #tpu.memory_space<hbm>>
        %dma_start3A_36 = arith.constant 0 : i32
        %dma_start3A_37 = arith.constant 0 : i32
        %dma_start3A_38 = tpu.memref_slice %arg9[%dma_start3A_36, %dma_start3A_37] : memref<64x128xi32, #tpu.memory_space<vmem>> -> memref<64x128xi32, #tpu.memory_space<vmem>>
        %dma_start3A_39 = arith.constant 0 : i32
        %dma_start3A_40 = tpu.memref_slice %arg4[%mul3A_14, %dma_start3A_39] : memref<1280x128xi32, #tpu.memory_space<hbm>> -> memref<64x128xi32, #tpu.memory_space<hbm>>
        tpu.enqueue_dma source(%dma_start3A_40 : memref<64x128xi32, #tpu.memory_space<hbm>>) target(%dma_start3A_38 : memref<64x128xi32, #tpu.memory_space<vmem>>) target_semaphore(%run_scoped3A : memref<!tpu.dma_semaphore, #tpu.memory_space<semaphore_mem>>)
        %dma_wait3A = arith.constant 0 : i32
        %dma_wait3A_41 = arith.constant 0 : i32
        %dma_wait3A_42 = tpu.memref_slice %arg9[%dma_wait3A, %dma_wait3A_41] : memref<64x128xi32, #tpu.memory_space<vmem>> -> memref<64x128xi32, #tpu.memory_space<vmem>>
        %dma_wait3A_43 = arith.constant 0 : i32
        %dma_wait3A_44 = tpu.memref_slice %arg4[%mul3A_14, %dma_wait3A_43] : memref<1280x128xi32, #tpu.memory_space<hbm>> -> memref<64x128xi32, #tpu.memory_space<hbm>>
        %dma_wait3A_45 = arith.constant 0 : i32
        %dma_wait3A_46 = arith.constant 0 : i32
        %dma_wait3A_47 = tpu.memref_slice %arg9[%dma_wait3A_45, %dma_wait3A_46] : memref<64x128xi32, #tpu.memory_space<vmem>> -> memref<64x128xi32, #tpu.memory_space<vmem>>
        %dma_wait3A_48 = arith.constant 0 : i32
        %dma_wait3A_49 = tpu.memref_slice %arg4[%mul3A_14, %dma_wait3A_48] : memref<1280x128xi32, #tpu.memory_space<hbm>> -> memref<64x128xi32, #tpu.memory_space<hbm>>
        tpu.wait_dma2 semaphore(%run_scoped3A : memref<!tpu.dma_semaphore, #tpu.memory_space<semaphore_mem>>) src(%dma_wait3A_49 : memref<64x128xi32, #tpu.memory_space<hbm>>) dst(%dma_wait3A_47 : memref<64x128xi32, #tpu.memory_space<vmem>>)
        tpu.yield
      }) : () -> ()
      %dma_start3A = arith.constant 0 : i32
      %dma_start3A_15 = arith.constant 0 : i32
      %dma_start3A_16 = arith.constant 0 : i32
      %dma_start3A_17 = arith.constant 0 : i32
      %dma_start3A_18 = tpu.memref_slice %arg10[%dma_start3A_15, %dma_start3A_16, %dma_start3A_17] : memref<2x128x144xf32, #tpu.memory_space<vmem>> -> memref<1x128x144xf32, #tpu.memory_space<vmem>>
      %dma_start3A_19 = tpu.memref_squeeze %dma_start3A_18 : memref<1x128x144xf32, #tpu.memory_space<vmem>> -> memref<128x144xf32, #tpu.memory_space<vmem>>
      %dma_start3A_20 = arith.constant 0 : i32
      %dma_start3A_21 = tpu.memref_slice %arg8[%dma_start3A, %dma_start3A_20] : memref<64x128xi32, #tpu.memory_space<vmem>> -> memref<1x128xi32, #tpu.memory_space<vmem>>
      %dma_start3A_22 = tpu.memref_squeeze %dma_start3A_21 : memref<1x128xi32, #tpu.memory_space<vmem>> -> memref<128xi32, #tpu.memory_space<vmem>>
      %dma_start3A_23 = arith.constant 0 : i32
      %dma_start3A_24 = arith.constant 0 : i32
      %dma_start3A_25 = tpu.memref_slice %arg2[%dma_start3A_23, %dma_start3A_24] : memref<10000x144xf32, #tpu.memory_space<hbm>> -> memref<10000x144xf32, #tpu.memory_space<hbm>>
      tpu.enqueue_indirect_dma source(%dma_start3A_25 : memref<10000x144xf32, #tpu.memory_space<hbm>>) target(%dma_start3A_19 : memref<128x144xf32, #tpu.memory_space<vmem>>) offsets(%dma_start3A_22 : memref<128xi32, #tpu.memory_space<vmem>>) semaphore(%arg11 : memref<!tpu.dma_semaphore, #tpu.memory_space<semaphore_mem>>)
      %scan3A = arith.constant 0 : i32
      %scan3A_26 = arith.constant 0 : i32
      %scan3A_27 = arith.constant 64 : i32
      %scan3A_28 = arith.addi %scan3A_26, %scan3A_27 : i32
      %scan3A_29 = arith.constant 1 : i32
      scf.for %scan3A_31 = %scan3A_26 to %scan3A_28 step %scan3A_29  : i32 {
        %rem3A = arith.constant 2 : i32
        %rem3A_32 = arith.remsi %scan3A_31, %rem3A : i32
        %dma_wait3A = arith.constant 0 : i32
        %dma_wait3A_33 = arith.constant 0 : i32
        %dma_wait3A_34 = tpu.memref_slice %arg10[%rem3A_32, %dma_wait3A, %dma_wait3A_33] : memref<2x128x144xf32, #tpu.memory_space<vmem>> -> memref<1x128x144xf32, #tpu.memory_space<vmem>>
        %dma_wait3A_35 = tpu.memref_squeeze %dma_wait3A_34 : memref<1x128x144xf32, #tpu.memory_space<vmem>> -> memref<128x144xf32, #tpu.memory_space<vmem>>
        %dma_wait3A_36 = arith.constant 0 : i32
        %dma_wait3A_37 = tpu.memref_slice %arg8[%scan3A_31, %dma_wait3A_36] : memref<64x128xi32, #tpu.memory_space<vmem>> -> memref<1x128xi32, #tpu.memory_space<vmem>>
        %dma_wait3A_38 = tpu.memref_squeeze %dma_wait3A_37 : memref<1x128xi32, #tpu.memory_space<vmem>> -> memref<128xi32, #tpu.memory_space<vmem>>
        %dma_wait3A_39 = arith.constant 0 : i32
        %dma_wait3A_40 = arith.constant 0 : i32
        %dma_wait3A_41 = tpu.memref_slice %arg2[%dma_wait3A_39, %dma_wait3A_40] : memref<10000x144xf32, #tpu.memory_space<hbm>> -> memref<10000x144xf32, #tpu.memory_space<hbm>>
        tpu.wait_indirect_dma semaphore(%arg11 : memref<!tpu.dma_semaphore, #tpu.memory_space<semaphore_mem>>) src(%dma_wait3A_41 : memref<10000x144xf32, #tpu.memory_space<hbm>>) dst(%dma_wait3A_35 : memref<128x144xf32, #tpu.memory_space<vmem>>)
        %add3A_42 = arith.constant 1 : i32
        %add3A_43 = arith.addi %scan3A_31, %add3A_42 : i32
        %lt3A = arith.constant 64 : i32
        %lt3A_44 = arith.cmpi slt, %add3A_43, %lt3A : i32
        %convert_element_type3A_45 = arith.extui %lt3A_44 : i1 to i32
        %cond3A_46 = arith.constant 0 : i32
        %cond3A_47 = arith.cmpi ne, %convert_element_type3A_45, %cond3A_46 : i32
        scf.if %cond3A_47 {
          %add3A_48 = arith.constant 1 : i32
          %add3A_49 = arith.addi %scan3A_31, %add3A_48 : i32
          %sub3A = arith.constant 1 : i32
          %sub3A_50 = arith.subi %sub3A, %rem3A_32 : i32
          %dma_start3A_51 = arith.constant 0 : i32
          %dma_start3A_52 = arith.constant 0 : i32
          %dma_start3A_53 = tpu.memref_slice %arg10[%sub3A_50, %dma_start3A_51, %dma_start3A_52] : memref<2x128x144xf32, #tpu.memory_space<vmem>> -> memref<1x128x144xf32, #tpu.memory_space<vmem>>
          %dma_start3A_54 = tpu.memref_squeeze %dma_start3A_53 : memref<1x128x144xf32, #tpu.memory_space<vmem>> -> memref<128x144xf32, #tpu.memory_space<vmem>>
          %dma_start3A_55 = arith.constant 0 : i32
          %dma_start3A_56 = tpu.memref_slice %arg8[%add3A_49, %dma_start3A_55] : memref<64x128xi32, #tpu.memory_space<vmem>> -> memref<1x128xi32, #tpu.memory_space<vmem>>
          %dma_start3A_57 = tpu.memref_squeeze %dma_start3A_56 : memref<1x128xi32, #tpu.memory_space<vmem>> -> memref<128xi32, #tpu.memory_space<vmem>>
          %dma_start3A_58 = arith.constant 0 : i32
          %dma_start3A_59 = arith.constant 0 : i32
          %dma_start3A_60 = tpu.memref_slice %arg2[%dma_start3A_58, %dma_start3A_59] : memref<10000x144xf32, #tpu.memory_space<hbm>> -> memref<10000x144xf32, #tpu.memory_space<hbm>>
          tpu.enqueue_indirect_dma source(%dma_start3A_60 : memref<10000x144xf32, #tpu.memory_space<hbm>>) target(%dma_start3A_54 : memref<128x144xf32, #tpu.memory_space<vmem>>) offsets(%dma_start3A_57 : memref<128xi32, #tpu.memory_space<vmem>>) semaphore(%arg11 : memref<!tpu.dma_semaphore, #tpu.memory_space<semaphore_mem>>)
        } else {
        }
        "tpu.region"() ({
          %run_scoped3A = tpu.sem_alloc : memref<!tpu.dma_semaphore, #tpu.memory_space<semaphore_mem>>
          %dma_start3A_48 = arith.constant 0 : i32
          %dma_start3A_49 = arith.constant 0 : i32
          %dma_start3A_50 = tpu.memref_slice %arg10[%rem3A_32, %dma_start3A_48, %dma_start3A_49] : memref<2x128x144xf32, #tpu.memory_space<vmem>> -> memref<1x128x144xf32, #tpu.memory_space<vmem>>
          %dma_start3A_51 = tpu.memref_squeeze %dma_start3A_50 : memref<1x128x144xf32, #tpu.memory_space<vmem>> -> memref<128x144xf32, #tpu.memory_space<vmem>>
          %dma_start3A_52 = arith.constant 0 : i32
          %dma_start3A_53 = tpu.memref_slice %arg9[%scan3A_31, %dma_start3A_52] : memref<64x128xi32, #tpu.memory_space<vmem>> -> memref<1x128xi32, #tpu.memory_space<vmem>>
          %dma_start3A_54 = tpu.memref_squeeze %dma_start3A_53 : memref<1x128xi32, #tpu.memory_space<vmem>> -> memref<128xi32, #tpu.memory_space<vmem>>
          %dma_start3A_55 = arith.constant 0 : i32
          %dma_start3A_56 = arith.constant 0 : i32
          %dma_start3A_57 = tpu.memref_slice %arg7[%dma_start3A_55, %dma_start3A_56] : memref<5120x144xf32, #tpu.memory_space<vmem_shared>> -> memref<5120x144xf32, #tpu.memory_space<vmem_shared>>
          tpu.enqueue_indirect_dma source(%dma_start3A_51 : memref<128x144xf32, #tpu.memory_space<vmem>>) target(%dma_start3A_57 : memref<5120x144xf32, #tpu.memory_space<vmem_shared>>) offsets(%dma_start3A_54 : memref<128xi32, #tpu.memory_space<vmem>>) semaphore(%run_scoped3A : memref<!tpu.dma_semaphore, #tpu.memory_space<semaphore_mem>>) {add = true}
          %dma_wait3A_58 = arith.constant 0 : i32
          %dma_wait3A_59 = arith.constant 0 : i32
          %dma_wait3A_60 = tpu.memref_slice %arg10[%rem3A_32, %dma_wait3A_58, %dma_wait3A_59] : memref<2x128x144xf32, #tpu.memory_space<vmem>> -> memref<1x128x144xf32, #tpu.memory_space<vmem>>
          %dma_wait3A_61 = tpu.memref_squeeze %dma_wait3A_60 : memref<1x128x144xf32, #tpu.memory_space<vmem>> -> memref<128x144xf32, #tpu.memory_space<vmem>>
          %dma_wait3A_62 = arith.constant 0 : i32
          %dma_wait3A_63 = tpu.memref_slice %arg9[%scan3A_31, %dma_wait3A_62] : memref<64x128xi32, #tpu.memory_space<vmem>> -> memref<1x128xi32, #tpu.memory_space<vmem>>
          %dma_wait3A_64 = tpu.memref_squeeze %dma_wait3A_63 : memref<1x128xi32, #tpu.memory_space<vmem>> -> memref<128xi32, #tpu.memory_space<vmem>>
          %dma_wait3A_65 = arith.constant 0 : i32
          %dma_wait3A_66 = arith.constant 0 : i32
          %dma_wait3A_67 = tpu.memref_slice %arg7[%dma_wait3A_65, %dma_wait3A_66] : memref<5120x144xf32, #tpu.memory_space<vmem_shared>> -> memref<5120x144xf32, #tpu.memory_space<vmem_shared>>
          tpu.wait_indirect_dma semaphore(%run_scoped3A : memref<!tpu.dma_semaphore, #tpu.memory_space<semaphore_mem>>) src(%dma_wait3A_61 : memref<128x144xf32, #tpu.memory_space<vmem>>) dst(%dma_wait3A_67 : memref<5120x144xf32, #tpu.memory_space<vmem_shared>>)
          tpu.yield
        }) : () -> ()
      }
      %scan3A_30 = arith.constant 64 : i32
    } else {
    }
    %eq3A_3 = arith.constant 1 : i32
    %eq3A_4 = arith.cmpi eq, %arg0, %eq3A_3 : i32
    %convert_element_type3A_5 = arith.extui %eq3A_4 : i1 to i32
    %cond3A_6 = arith.constant 0 : i32
    %cond3A_7 = arith.cmpi ne, %convert_element_type3A_5, %cond3A_6 : i32
    scf.if %cond3A_7 {
      %mul3A_13 = arith.constant 16 : i32
      %mul3A_14 = arith.muli %arg1, %mul3A_13 : i32
      %add3A_15 = arith.constant 1024 : i32
      %add3A_16 = arith.addi %add3A_15, %mul3A_14 : i32
      "tpu.region"() ({
        %run_scoped3A = tpu.sem_alloc : memref<!tpu.dma_semaphore, #tpu.memory_space<semaphore_mem>>
        %dma_start3A_33 = arith.constant 0 : i32
        %dma_start3A_34 = arith.constant 0 : i32
        %dma_start3A_35 = tpu.memref_slice %arg8[%dma_start3A_33, %dma_start3A_34] : memref<64x128xi32, #tpu.memory_space<vmem>> -> memref<16x128xi32, #tpu.memory_space<vmem>>
        %dma_start3A_36 = arith.constant 0 : i32
        %dma_start3A_37 = tpu.memref_slice %arg3[%add3A_16, %dma_start3A_36] : memref<1280x128xi32, #tpu.memory_space<hbm>> -> memref<16x128xi32, #tpu.memory_space<hbm>>
        %dma_start3A_38 = arith.constant 0 : i32
        %dma_start3A_39 = arith.constant 0 : i32
        %dma_start3A_40 = tpu.memref_slice %arg8[%dma_start3A_38, %dma_start3A_39] : memref<64x128xi32, #tpu.memory_space<vmem>> -> memref<16x128xi32, #tpu.memory_space<vmem>>
        %dma_start3A_41 = arith.constant 0 : i32
        %dma_start3A_42 = tpu.memref_slice %arg3[%add3A_16, %dma_start3A_41] : memref<1280x128xi32, #tpu.memory_space<hbm>> -> memref<16x128xi32, #tpu.memory_space<hbm>>
        tpu.enqueue_dma source(%dma_start3A_42 : memref<16x128xi32, #tpu.memory_space<hbm>>) target(%dma_start3A_40 : memref<16x128xi32, #tpu.memory_space<vmem>>) target_semaphore(%run_scoped3A : memref<!tpu.dma_semaphore, #tpu.memory_space<semaphore_mem>>)
        %dma_wait3A = arith.constant 0 : i32
        %dma_wait3A_43 = arith.constant 0 : i32
        %dma_wait3A_44 = tpu.memref_slice %arg8[%dma_wait3A, %dma_wait3A_43] : memref<64x128xi32, #tpu.memory_space<vmem>> -> memref<16x128xi32, #tpu.memory_space<vmem>>
        %dma_wait3A_45 = arith.constant 0 : i32
        %dma_wait3A_46 = tpu.memref_slice %arg3[%add3A_16, %dma_wait3A_45] : memref<1280x128xi32, #tpu.memory_space<hbm>> -> memref<16x128xi32, #tpu.memory_space<hbm>>
        %dma_wait3A_47 = arith.constant 0 : i32
        %dma_wait3A_48 = arith.constant 0 : i32
        %dma_wait3A_49 = tpu.memref_slice %arg8[%dma_wait3A_47, %dma_wait3A_48] : memref<64x128xi32, #tpu.memory_space<vmem>> -> memref<16x128xi32, #tpu.memory_space<vmem>>
        %dma_wait3A_50 = arith.constant 0 : i32
        %dma_wait3A_51 = tpu.memref_slice %arg3[%add3A_16, %dma_wait3A_50] : memref<1280x128xi32, #tpu.memory_space<hbm>> -> memref<16x128xi32, #tpu.memory_space<hbm>>
        tpu.wait_dma2 semaphore(%run_scoped3A : memref<!tpu.dma_semaphore, #tpu.memory_space<semaphore_mem>>) src(%dma_wait3A_51 : memref<16x128xi32, #tpu.memory_space<hbm>>) dst(%dma_wait3A_49 : memref<16x128xi32, #tpu.memory_space<vmem>>)
        tpu.yield
      }) : () -> ()
      "tpu.region"() ({
        %run_scoped3A = tpu.sem_alloc : memref<!tpu.dma_semaphore, #tpu.memory_space<semaphore_mem>>
        %dma_start3A_33 = arith.constant 0 : i32
        %dma_start3A_34 = arith.constant 0 : i32
        %dma_start3A_35 = tpu.memref_slice %arg9[%dma_start3A_33, %dma_start3A_34] : memref<64x128xi32, #tpu.memory_space<vmem>> -> memref<16x128xi32, #tpu.memory_space<vmem>>
        %dma_start3A_36 = arith.constant 0 : i32
        %dma_start3A_37 = tpu.memref_slice %arg4[%add3A_16, %dma_start3A_36] : memref<1280x128xi32, #tpu.memory_space<hbm>> -> memref<16x128xi32, #tpu.memory_space<hbm>>
        %dma_start3A_38 = arith.constant 0 : i32
        %dma_start3A_39 = arith.constant 0 : i32
        %dma_start3A_40 = tpu.memref_slice %arg9[%dma_start3A_38, %dma_start3A_39] : memref<64x128xi32, #tpu.memory_space<vmem>> -> memref<16x128xi32, #tpu.memory_space<vmem>>
        %dma_start3A_41 = arith.constant 0 : i32
        %dma_start3A_42 = tpu.memref_slice %arg4[%add3A_16, %dma_start3A_41] : memref<1280x128xi32, #tpu.memory_space<hbm>> -> memref<16x128xi32, #tpu.memory_space<hbm>>
        tpu.enqueue_dma source(%dma_start3A_42 : memref<16x128xi32, #tpu.memory_space<hbm>>) target(%dma_start3A_40 : memref<16x128xi32, #tpu.memory_space<vmem>>) target_semaphore(%run_scoped3A : memref<!tpu.dma_semaphore, #tpu.memory_space<semaphore_mem>>)
        %dma_wait3A = arith.constant 0 : i32
        %dma_wait3A_43 = arith.constant 0 : i32
        %dma_wait3A_44 = tpu.memref_slice %arg9[%dma_wait3A, %dma_wait3A_43] : memref<64x128xi32, #tpu.memory_space<vmem>> -> memref<16x128xi32, #tpu.memory_space<vmem>>
        %dma_wait3A_45 = arith.constant 0 : i32
        %dma_wait3A_46 = tpu.memref_slice %arg4[%add3A_16, %dma_wait3A_45] : memref<1280x128xi32, #tpu.memory_space<hbm>> -> memref<16x128xi32, #tpu.memory_space<hbm>>
        %dma_wait3A_47 = arith.constant 0 : i32
        %dma_wait3A_48 = arith.constant 0 : i32
        %dma_wait3A_49 = tpu.memref_slice %arg9[%dma_wait3A_47, %dma_wait3A_48] : memref<64x128xi32, #tpu.memory_space<vmem>> -> memref<16x128xi32, #tpu.memory_space<vmem>>
        %dma_wait3A_50 = arith.constant 0 : i32
        %dma_wait3A_51 = tpu.memref_slice %arg4[%add3A_16, %dma_wait3A_50] : memref<1280x128xi32, #tpu.memory_space<hbm>> -> memref<16x128xi32, #tpu.memory_space<hbm>>
        tpu.wait_dma2 semaphore(%run_scoped3A : memref<!tpu.dma_semaphore, #tpu.memory_space<semaphore_mem>>) src(%dma_wait3A_51 : memref<16x128xi32, #tpu.memory_space<hbm>>) dst(%dma_wait3A_49 : memref<16x128xi32, #tpu.memory_space<vmem>>)
        tpu.yield
      }) : () -> ()
      %dma_start3A = arith.constant 0 : i32
      %dma_start3A_17 = arith.constant 0 : i32
      %dma_start3A_18 = arith.constant 0 : i32
      %dma_start3A_19 = arith.constant 0 : i32
      %dma_start3A_20 = tpu.memref_slice %arg10[%dma_start3A_17, %dma_start3A_18, %dma_start3A_19] : memref<2x128x144xf32, #tpu.memory_space<vmem>> -> memref<1x128x144xf32, #tpu.memory_space<vmem>>
      %dma_start3A_21 = tpu.memref_squeeze %dma_start3A_20 : memref<1x128x144xf32, #tpu.memory_space<vmem>> -> memref<128x144xf32, #tpu.memory_space<vmem>>
      %dma_start3A_22 = arith.constant 0 : i32
      %dma_start3A_23 = tpu.memref_slice %arg8[%dma_start3A, %dma_start3A_22] : memref<64x128xi32, #tpu.memory_space<vmem>> -> memref<1x128xi32, #tpu.memory_space<vmem>>
      %dma_start3A_24 = tpu.memref_squeeze %dma_start3A_23 : memref<1x128xi32, #tpu.memory_space<vmem>> -> memref<128xi32, #tpu.memory_space<vmem>>
      %dma_start3A_25 = arith.constant 0 : i32
      %dma_start3A_26 = arith.constant 0 : i32
      %dma_start3A_27 = tpu.memref_slice %arg2[%dma_start3A_25, %dma_start3A_26] : memref<10000x144xf32, #tpu.memory_space<hbm>> -> memref<10000x144xf32, #tpu.memory_space<hbm>>
      tpu.enqueue_indirect_dma source(%dma_start3A_27 : memref<10000x144xf32, #tpu.memory_space<hbm>>) target(%dma_start3A_21 : memref<128x144xf32, #tpu.memory_space<vmem>>) offsets(%dma_start3A_24 : memref<128xi32, #tpu.memory_space<vmem>>) semaphore(%arg11 : memref<!tpu.dma_semaphore, #tpu.memory_space<semaphore_mem>>)
      %scan3A = arith.constant 0 : i32
      %scan3A_28 = arith.constant 0 : i32
      %scan3A_29 = arith.constant 16 : i32
      %scan3A_30 = arith.addi %scan3A_28, %scan3A_29 : i32
      %scan3A_31 = arith.constant 1 : i32
      scf.for %scan3A_33 = %scan3A_28 to %scan3A_30 step %scan3A_31  : i32 {
        %rem3A = arith.constant 2 : i32
        %rem3A_34 = arith.remsi %scan3A_33, %rem3A : i32
        %dma_wait3A = arith.constant 0 : i32
        %dma_wait3A_35 = arith.constant 0 : i32
        %dma_wait3A_36 = tpu.memref_slice %arg10[%rem3A_34, %dma_wait3A, %dma_wait3A_35] : memref<2x128x144xf32, #tpu.memory_space<vmem>> -> memref<1x128x144xf32, #tpu.memory_space<vmem>>
        %dma_wait3A_37 = tpu.memref_squeeze %dma_wait3A_36 : memref<1x128x144xf32, #tpu.memory_space<vmem>> -> memref<128x144xf32, #tpu.memory_space<vmem>>
        %dma_wait3A_38 = arith.constant 0 : i32
        %dma_wait3A_39 = tpu.memref_slice %arg8[%scan3A_33, %dma_wait3A_38] : memref<64x128xi32, #tpu.memory_space<vmem>> -> memref<1x128xi32, #tpu.memory_space<vmem>>
        %dma_wait3A_40 = tpu.memref_squeeze %dma_wait3A_39 : memref<1x128xi32, #tpu.memory_space<vmem>> -> memref<128xi32, #tpu.memory_space<vmem>>
        %dma_wait3A_41 = arith.constant 0 : i32
        %dma_wait3A_42 = arith.constant 0 : i32
        %dma_wait3A_43 = tpu.memref_slice %arg2[%dma_wait3A_41, %dma_wait3A_42] : memref<10000x144xf32, #tpu.memory_space<hbm>> -> memref<10000x144xf32, #tpu.memory_space<hbm>>
        tpu.wait_indirect_dma semaphore(%arg11 : memref<!tpu.dma_semaphore, #tpu.memory_space<semaphore_mem>>) src(%dma_wait3A_43 : memref<10000x144xf32, #tpu.memory_space<hbm>>) dst(%dma_wait3A_37 : memref<128x144xf32, #tpu.memory_space<vmem>>)
        %add3A_44 = arith.constant 1 : i32
        %add3A_45 = arith.addi %scan3A_33, %add3A_44 : i32
        %lt3A = arith.constant 16 : i32
        %lt3A_46 = arith.cmpi slt, %add3A_45, %lt3A : i32
        %convert_element_type3A_47 = arith.extui %lt3A_46 : i1 to i32
        %cond3A_48 = arith.constant 0 : i32
        %cond3A_49 = arith.cmpi ne, %convert_element_type3A_47, %cond3A_48 : i32
        scf.if %cond3A_49 {
          %add3A_50 = arith.constant 1 : i32
          %add3A_51 = arith.addi %scan3A_33, %add3A_50 : i32
          %sub3A = arith.constant 1 : i32
          %sub3A_52 = arith.subi %sub3A, %rem3A_34 : i32
          %dma_start3A_53 = arith.constant 0 : i32
          %dma_start3A_54 = arith.constant 0 : i32
          %dma_start3A_55 = tpu.memref_slice %arg10[%sub3A_52, %dma_start3A_53, %dma_start3A_54] : memref<2x128x144xf32, #tpu.memory_space<vmem>> -> memref<1x128x144xf32, #tpu.memory_space<vmem>>
          %dma_start3A_56 = tpu.memref_squeeze %dma_start3A_55 : memref<1x128x144xf32, #tpu.memory_space<vmem>> -> memref<128x144xf32, #tpu.memory_space<vmem>>
          %dma_start3A_57 = arith.constant 0 : i32
          %dma_start3A_58 = tpu.memref_slice %arg8[%add3A_51, %dma_start3A_57] : memref<64x128xi32, #tpu.memory_space<vmem>> -> memref<1x128xi32, #tpu.memory_space<vmem>>
          %dma_start3A_59 = tpu.memref_squeeze %dma_start3A_58 : memref<1x128xi32, #tpu.memory_space<vmem>> -> memref<128xi32, #tpu.memory_space<vmem>>
          %dma_start3A_60 = arith.constant 0 : i32
          %dma_start3A_61 = arith.constant 0 : i32
          %dma_start3A_62 = tpu.memref_slice %arg2[%dma_start3A_60, %dma_start3A_61] : memref<10000x144xf32, #tpu.memory_space<hbm>> -> memref<10000x144xf32, #tpu.memory_space<hbm>>
          tpu.enqueue_indirect_dma source(%dma_start3A_62 : memref<10000x144xf32, #tpu.memory_space<hbm>>) target(%dma_start3A_56 : memref<128x144xf32, #tpu.memory_space<vmem>>) offsets(%dma_start3A_59 : memref<128xi32, #tpu.memory_space<vmem>>) semaphore(%arg11 : memref<!tpu.dma_semaphore, #tpu.memory_space<semaphore_mem>>)
        } else {
        }
        "tpu.region"() ({
          %run_scoped3A = tpu.sem_alloc : memref<!tpu.dma_semaphore, #tpu.memory_space<semaphore_mem>>
          %dma_start3A_50 = arith.constant 0 : i32
          %dma_start3A_51 = arith.constant 0 : i32
          %dma_start3A_52 = tpu.memref_slice %arg10[%rem3A_34, %dma_start3A_50, %dma_start3A_51] : memref<2x128x144xf32, #tpu.memory_space<vmem>> -> memref<1x128x144xf32, #tpu.memory_space<vmem>>
          %dma_start3A_53 = tpu.memref_squeeze %dma_start3A_52 : memref<1x128x144xf32, #tpu.memory_space<vmem>> -> memref<128x144xf32, #tpu.memory_space<vmem>>
          %dma_start3A_54 = arith.constant 0 : i32
          %dma_start3A_55 = tpu.memref_slice %arg9[%scan3A_33, %dma_start3A_54] : memref<64x128xi32, #tpu.memory_space<vmem>> -> memref<1x128xi32, #tpu.memory_space<vmem>>
          %dma_start3A_56 = tpu.memref_squeeze %dma_start3A_55 : memref<1x128xi32, #tpu.memory_space<vmem>> -> memref<128xi32, #tpu.memory_space<vmem>>
          %dma_start3A_57 = arith.constant 0 : i32
          %dma_start3A_58 = arith.constant 0 : i32
          %dma_start3A_59 = tpu.memref_slice %arg7[%dma_start3A_57, %dma_start3A_58] : memref<5120x144xf32, #tpu.memory_space<vmem_shared>> -> memref<5120x144xf32, #tpu.memory_space<vmem_shared>>
          tpu.enqueue_indirect_dma source(%dma_start3A_53 : memref<128x144xf32, #tpu.memory_space<vmem>>) target(%dma_start3A_59 : memref<5120x144xf32, #tpu.memory_space<vmem_shared>>) offsets(%dma_start3A_56 : memref<128xi32, #tpu.memory_space<vmem>>) semaphore(%run_scoped3A : memref<!tpu.dma_semaphore, #tpu.memory_space<semaphore_mem>>) {add = true}
          %dma_wait3A_60 = arith.constant 0 : i32
          %dma_wait3A_61 = arith.constant 0 : i32
          %dma_wait3A_62 = tpu.memref_slice %arg10[%rem3A_34, %dma_wait3A_60, %dma_wait3A_61] : memref<2x128x144xf32, #tpu.memory_space<vmem>> -> memref<1x128x144xf32, #tpu.memory_space<vmem>>
          %dma_wait3A_63 = tpu.memref_squeeze %dma_wait3A_62 : memref<1x128x144xf32, #tpu.memory_space<vmem>> -> memref<128x144xf32, #tpu.memory_space<vmem>>
          %dma_wait3A_64 = arith.constant 0 : i32
          %dma_wait3A_65 = tpu.memref_slice %arg9[%scan3A_33, %dma_wait3A_64] : memref<64x128xi32, #tpu.memory_space<vmem>> -> memref<1x128xi32, #tpu.memory_space<vmem>>
          %dma_wait3A_66 = tpu.memref_squeeze %dma_wait3A_65 : memref<1x128xi32, #tpu.memory_space<vmem>> -> memref<128xi32, #tpu.memory_space<vmem>>
          %dma_wait3A_67 = arith.constant 0 : i32
          %dma_wait3A_68 = arith.constant 0 : i32
          %dma_wait3A_69 = tpu.memref_slice %arg7[%dma_wait3A_67, %dma_wait3A_68] : memref<5120x144xf32, #tpu.memory_space<vmem_shared>> -> memref<5120x144xf32, #tpu.memory_space<vmem_shared>>
          tpu.wait_indirect_dma semaphore(%run_scoped3A : memref<!tpu.dma_semaphore, #tpu.memory_space<semaphore_mem>>) src(%dma_wait3A_63 : memref<128x144xf32, #tpu.memory_space<vmem>>) dst(%dma_wait3A_69 : memref<5120x144xf32, #tpu.memory_space<vmem_shared>>)
          tpu.yield
        }) : () -> ()
      }
      %scan3A_32 = arith.constant 16 : i32
    } else {
    }
    %barrier3A_8 = arith.constant 0 : index
    tpu.barrier barrier_id(%barrier3A_8)
    %mul3A_9 = arith.constant 320 : i32
    %mul3A_10 = arith.muli %arg1, %mul3A_9 : i32
    %mul3A_11 = arith.constant 5120 : i32
    %mul3A_12 = arith.muli %arg0, %mul3A_11 : i32
    %add3A = arith.addi %mul3A_12, %mul3A_10 : i32
    "tpu.region"() ({
      %run_scoped3A = tpu.sem_alloc : memref<!tpu.dma_semaphore, #tpu.memory_space<semaphore_mem>>
      %dma_start3A = arith.constant 0 : i32
      %dma_start3A_13 = tpu.memref_slice %arg6[%add3A, %dma_start3A] : memref<10240x144xf32, #tpu.memory_space<hbm>> -> memref<320x144xf32, #tpu.memory_space<hbm>>
      %dma_start3A_14 = arith.constant 0 : i32
      %dma_start3A_15 = tpu.memref_slice %arg7[%mul3A_10, %dma_start3A_14] : memref<5120x144xf32, #tpu.memory_space<vmem_shared>> -> memref<320x144xf32, #tpu.memory_space<vmem_shared>>
      tpu.enqueue_dma source(%dma_start3A_15 : memref<320x144xf32, #tpu.memory_space<vmem_shared>>) target(%dma_start3A_13 : memref<320x144xf32, #tpu.memory_space<hbm>>) target_semaphore(%run_scoped3A : memref<!tpu.dma_semaphore, #tpu.memory_space<semaphore_mem>>)
      %dma_wait3A = arith.constant 0 : i32
      %dma_wait3A_16 = tpu.memref_slice %arg6[%add3A, %dma_wait3A] : memref<10240x144xf32, #tpu.memory_space<hbm>> -> memref<320x144xf32, #tpu.memory_space<hbm>>
      %dma_wait3A_17 = arith.constant 0 : i32
      %dma_wait3A_18 = tpu.memref_slice %arg7[%mul3A_10, %dma_wait3A_17] : memref<5120x144xf32, #tpu.memory_space<vmem_shared>> -> memref<320x144xf32, #tpu.memory_space<vmem_shared>>
      tpu.wait_dma2 semaphore(%run_scoped3A : memref<!tpu.dma_semaphore, #tpu.memory_space<semaphore_mem>>) src(%dma_wait3A_18 : memref<320x144xf32, #tpu.memory_space<vmem_shared>>) dst(%dma_wait3A_16 : memref<320x144xf32, #tpu.memory_space<hbm>>)
      tpu.yield
    }) : () -> ()
    return
  }
}

#map = affine_map<(d0, d1) -> (0, 0)>
module attributes {stable_mosaic.version = 14 : i64} {
  func.func @_seg_sum_body(%arg0: i32, %arg1: i32, %arg2: memref<5000x144xf32, #tpu.memory_space<hbm>>, %arg3: memref<2560x64xi32, #tpu.memory_space<hbm>>, %arg4: memref<2560x64xi32, #tpu.memory_space<hbm>>, %arg5: memref<626x144xf32, #tpu.memory_space<hbm>>, %arg6: memref<20032x144xf32, #tpu.memory_space<hbm>>, %arg7: memref<10016x144xf32, #tpu.memory_space<vmem_shared>>, %arg8: memref<124x64xi32, #tpu.memory_space<vmem>>, %arg9: memref<124x64xi32, #tpu.memory_space<vmem>>, %arg10: memref<2x64x144xf32, #tpu.memory_space<vmem>>, %arg11: memref<!tpu.dma_semaphore, #tpu.memory_space<semaphore_mem>>) attributes {dimension_semantics = [#tpu.dimension_semantics<core_parallel>, #tpu.dimension_semantics<subcore_parallel>], iteration_bounds = array<i64: 2, 16>, scalar_prefetch = 0 : i64, scratch_operands = 5 : i64, tpu.core_type = #tpu.core_type<sc_vector_subcore>, window_params = [{transform_indices = #map}, {transform_indices = #map}, {transform_indices = #map}, {transform_indices = #map}, {transform_indices = #map}]} {
    %mul3A = arith.constant 626 : i32
    %mul3A_0 = arith.muli %arg1, %mul3A : i32
    "tpu.region"() ({
      %run_scoped3A = tpu.sem_alloc : memref<!tpu.dma_semaphore, #tpu.memory_space<semaphore_mem>>
      %dma_start3A = arith.constant 0 : i32
      %dma_start3A_13 = tpu.memref_slice %arg7[%mul3A_0, %dma_start3A] : memref<10016x144xf32, #tpu.memory_space<vmem_shared>> -> memref<626x144xf32, #tpu.memory_space<vmem_shared>>
      %dma_start3A_14 = arith.constant 0 : i32
      %dma_start3A_15 = arith.constant 0 : i32
      %dma_start3A_16 = tpu.memref_slice %arg5[%dma_start3A_14, %dma_start3A_15] : memref<626x144xf32, #tpu.memory_space<hbm>> -> memref<626x144xf32, #tpu.memory_space<hbm>>
      tpu.enqueue_dma source(%dma_start3A_16 : memref<626x144xf32, #tpu.memory_space<hbm>>) target(%dma_start3A_13 : memref<626x144xf32, #tpu.memory_space<vmem_shared>>) target_semaphore(%run_scoped3A : memref<!tpu.dma_semaphore, #tpu.memory_space<semaphore_mem>>)
      %dma_wait3A = arith.constant 0 : i32
      %dma_wait3A_17 = tpu.memref_slice %arg7[%mul3A_0, %dma_wait3A] : memref<10016x144xf32, #tpu.memory_space<vmem_shared>> -> memref<626x144xf32, #tpu.memory_space<vmem_shared>>
      %dma_wait3A_18 = arith.constant 0 : i32
      %dma_wait3A_19 = arith.constant 0 : i32
      %dma_wait3A_20 = tpu.memref_slice %arg5[%dma_wait3A_18, %dma_wait3A_19] : memref<626x144xf32, #tpu.memory_space<hbm>> -> memref<626x144xf32, #tpu.memory_space<hbm>>
      tpu.wait_dma2 semaphore(%run_scoped3A : memref<!tpu.dma_semaphore, #tpu.memory_space<semaphore_mem>>) src(%dma_wait3A_20 : memref<626x144xf32, #tpu.memory_space<hbm>>) dst(%dma_wait3A_17 : memref<626x144xf32, #tpu.memory_space<vmem_shared>>)
      tpu.yield
    }) : () -> ()
    %barrier3A = arith.constant 0 : index
    tpu.barrier barrier_id(%barrier3A)
    %eq3A = arith.constant 0 : i32
    %eq3A_1 = arith.cmpi eq, %arg0, %eq3A : i32
    %convert_element_type3A = arith.extui %eq3A_1 : i1 to i32
    %cond3A = arith.constant 0 : i32
    %cond3A_2 = arith.cmpi ne, %convert_element_type3A, %cond3A : i32
    scf.if %cond3A_2 {
      %mul3A_13 = arith.constant 124 : i32
      %mul3A_14 = arith.muli %arg1, %mul3A_13 : i32
      "tpu.region"() ({
        %run_scoped3A = tpu.sem_alloc : memref<!tpu.dma_semaphore, #tpu.memory_space<semaphore_mem>>
        %dma_start3A_31 = arith.constant 0 : i32
        %dma_start3A_32 = arith.constant 0 : i32
        %dma_start3A_33 = tpu.memref_slice %arg8[%dma_start3A_31, %dma_start3A_32] : memref<124x64xi32, #tpu.memory_space<vmem>> -> memref<124x64xi32, #tpu.memory_space<vmem>>
        %dma_start3A_34 = arith.constant 0 : i32
        %dma_start3A_35 = tpu.memref_slice %arg3[%mul3A_14, %dma_start3A_34] : memref<2560x64xi32, #tpu.memory_space<hbm>> -> memref<124x64xi32, #tpu.memory_space<hbm>>
        %dma_start3A_36 = arith.constant 0 : i32
        %dma_start3A_37 = arith.constant 0 : i32
        %dma_start3A_38 = tpu.memref_slice %arg8[%dma_start3A_36, %dma_start3A_37] : memref<124x64xi32, #tpu.memory_space<vmem>> -> memref<124x64xi32, #tpu.memory_space<vmem>>
        %dma_start3A_39 = arith.constant 0 : i32
        %dma_start3A_40 = tpu.memref_slice %arg3[%mul3A_14, %dma_start3A_39] : memref<2560x64xi32, #tpu.memory_space<hbm>> -> memref<124x64xi32, #tpu.memory_space<hbm>>
        tpu.enqueue_dma source(%dma_start3A_40 : memref<124x64xi32, #tpu.memory_space<hbm>>) target(%dma_start3A_38 : memref<124x64xi32, #tpu.memory_space<vmem>>) target_semaphore(%run_scoped3A : memref<!tpu.dma_semaphore, #tpu.memory_space<semaphore_mem>>)
        %dma_wait3A = arith.constant 0 : i32
        %dma_wait3A_41 = arith.constant 0 : i32
        %dma_wait3A_42 = tpu.memref_slice %arg8[%dma_wait3A, %dma_wait3A_41] : memref<124x64xi32, #tpu.memory_space<vmem>> -> memref<124x64xi32, #tpu.memory_space<vmem>>
        %dma_wait3A_43 = arith.constant 0 : i32
        %dma_wait3A_44 = tpu.memref_slice %arg3[%mul3A_14, %dma_wait3A_43] : memref<2560x64xi32, #tpu.memory_space<hbm>> -> memref<124x64xi32, #tpu.memory_space<hbm>>
        %dma_wait3A_45 = arith.constant 0 : i32
        %dma_wait3A_46 = arith.constant 0 : i32
        %dma_wait3A_47 = tpu.memref_slice %arg8[%dma_wait3A_45, %dma_wait3A_46] : memref<124x64xi32, #tpu.memory_space<vmem>> -> memref<124x64xi32, #tpu.memory_space<vmem>>
        %dma_wait3A_48 = arith.constant 0 : i32
        %dma_wait3A_49 = tpu.memref_slice %arg3[%mul3A_14, %dma_wait3A_48] : memref<2560x64xi32, #tpu.memory_space<hbm>> -> memref<124x64xi32, #tpu.memory_space<hbm>>
        tpu.wait_dma2 semaphore(%run_scoped3A : memref<!tpu.dma_semaphore, #tpu.memory_space<semaphore_mem>>) src(%dma_wait3A_49 : memref<124x64xi32, #tpu.memory_space<hbm>>) dst(%dma_wait3A_47 : memref<124x64xi32, #tpu.memory_space<vmem>>)
        tpu.yield
      }) : () -> ()
      "tpu.region"() ({
        %run_scoped3A = tpu.sem_alloc : memref<!tpu.dma_semaphore, #tpu.memory_space<semaphore_mem>>
        %dma_start3A_31 = arith.constant 0 : i32
        %dma_start3A_32 = arith.constant 0 : i32
        %dma_start3A_33 = tpu.memref_slice %arg9[%dma_start3A_31, %dma_start3A_32] : memref<124x64xi32, #tpu.memory_space<vmem>> -> memref<124x64xi32, #tpu.memory_space<vmem>>
        %dma_start3A_34 = arith.constant 0 : i32
        %dma_start3A_35 = tpu.memref_slice %arg4[%mul3A_14, %dma_start3A_34] : memref<2560x64xi32, #tpu.memory_space<hbm>> -> memref<124x64xi32, #tpu.memory_space<hbm>>
        %dma_start3A_36 = arith.constant 0 : i32
        %dma_start3A_37 = arith.constant 0 : i32
        %dma_start3A_38 = tpu.memref_slice %arg9[%dma_start3A_36, %dma_start3A_37] : memref<124x64xi32, #tpu.memory_space<vmem>> -> memref<124x64xi32, #tpu.memory_space<vmem>>
        %dma_start3A_39 = arith.constant 0 : i32
        %dma_start3A_40 = tpu.memref_slice %arg4[%mul3A_14, %dma_start3A_39] : memref<2560x64xi32, #tpu.memory_space<hbm>> -> memref<124x64xi32, #tpu.memory_space<hbm>>
        tpu.enqueue_dma source(%dma_start3A_40 : memref<124x64xi32, #tpu.memory_space<hbm>>) target(%dma_start3A_38 : memref<124x64xi32, #tpu.memory_space<vmem>>) target_semaphore(%run_scoped3A : memref<!tpu.dma_semaphore, #tpu.memory_space<semaphore_mem>>)
        %dma_wait3A = arith.constant 0 : i32
        %dma_wait3A_41 = arith.constant 0 : i32
        %dma_wait3A_42 = tpu.memref_slice %arg9[%dma_wait3A, %dma_wait3A_41] : memref<124x64xi32, #tpu.memory_space<vmem>> -> memref<124x64xi32, #tpu.memory_space<vmem>>
        %dma_wait3A_43 = arith.constant 0 : i32
        %dma_wait3A_44 = tpu.memref_slice %arg4[%mul3A_14, %dma_wait3A_43] : memref<2560x64xi32, #tpu.memory_space<hbm>> -> memref<124x64xi32, #tpu.memory_space<hbm>>
        %dma_wait3A_45 = arith.constant 0 : i32
        %dma_wait3A_46 = arith.constant 0 : i32
        %dma_wait3A_47 = tpu.memref_slice %arg9[%dma_wait3A_45, %dma_wait3A_46] : memref<124x64xi32, #tpu.memory_space<vmem>> -> memref<124x64xi32, #tpu.memory_space<vmem>>
        %dma_wait3A_48 = arith.constant 0 : i32
        %dma_wait3A_49 = tpu.memref_slice %arg4[%mul3A_14, %dma_wait3A_48] : memref<2560x64xi32, #tpu.memory_space<hbm>> -> memref<124x64xi32, #tpu.memory_space<hbm>>
        tpu.wait_dma2 semaphore(%run_scoped3A : memref<!tpu.dma_semaphore, #tpu.memory_space<semaphore_mem>>) src(%dma_wait3A_49 : memref<124x64xi32, #tpu.memory_space<hbm>>) dst(%dma_wait3A_47 : memref<124x64xi32, #tpu.memory_space<vmem>>)
        tpu.yield
      }) : () -> ()
      %dma_start3A = arith.constant 0 : i32
      %dma_start3A_15 = arith.constant 0 : i32
      %dma_start3A_16 = arith.constant 0 : i32
      %dma_start3A_17 = arith.constant 0 : i32
      %dma_start3A_18 = tpu.memref_slice %arg10[%dma_start3A_15, %dma_start3A_16, %dma_start3A_17] : memref<2x64x144xf32, #tpu.memory_space<vmem>> -> memref<1x64x144xf32, #tpu.memory_space<vmem>>
      %dma_start3A_19 = tpu.memref_squeeze %dma_start3A_18 : memref<1x64x144xf32, #tpu.memory_space<vmem>> -> memref<64x144xf32, #tpu.memory_space<vmem>>
      %dma_start3A_20 = arith.constant 0 : i32
      %dma_start3A_21 = tpu.memref_slice %arg8[%dma_start3A, %dma_start3A_20] : memref<124x64xi32, #tpu.memory_space<vmem>> -> memref<1x64xi32, #tpu.memory_space<vmem>>
      %dma_start3A_22 = tpu.memref_squeeze %dma_start3A_21 : memref<1x64xi32, #tpu.memory_space<vmem>> -> memref<64xi32, #tpu.memory_space<vmem>>
      %dma_start3A_23 = arith.constant 0 : i32
      %dma_start3A_24 = arith.constant 0 : i32
      %dma_start3A_25 = tpu.memref_slice %arg2[%dma_start3A_23, %dma_start3A_24] : memref<5000x144xf32, #tpu.memory_space<hbm>> -> memref<5000x144xf32, #tpu.memory_space<hbm>>
      tpu.enqueue_indirect_dma source(%dma_start3A_25 : memref<5000x144xf32, #tpu.memory_space<hbm>>) target(%dma_start3A_19 : memref<64x144xf32, #tpu.memory_space<vmem>>) offsets(%dma_start3A_22 : memref<64xi32, #tpu.memory_space<vmem>>) semaphore(%arg11 : memref<!tpu.dma_semaphore, #tpu.memory_space<semaphore_mem>>)
      %scan3A = arith.constant 0 : i32
      %scan3A_26 = arith.constant 0 : i32
      %scan3A_27 = arith.constant 124 : i32
      %scan3A_28 = arith.addi %scan3A_26, %scan3A_27 : i32
      %scan3A_29 = arith.constant 1 : i32
      scf.for %scan3A_31 = %scan3A_26 to %scan3A_28 step %scan3A_29  : i32 {
        %rem3A = arith.constant 2 : i32
        %rem3A_32 = arith.remsi %scan3A_31, %rem3A : i32
        %dma_wait3A = arith.constant 0 : i32
        %dma_wait3A_33 = arith.constant 0 : i32
        %dma_wait3A_34 = tpu.memref_slice %arg10[%rem3A_32, %dma_wait3A, %dma_wait3A_33] : memref<2x64x144xf32, #tpu.memory_space<vmem>> -> memref<1x64x144xf32, #tpu.memory_space<vmem>>
        %dma_wait3A_35 = tpu.memref_squeeze %dma_wait3A_34 : memref<1x64x144xf32, #tpu.memory_space<vmem>> -> memref<64x144xf32, #tpu.memory_space<vmem>>
        %dma_wait3A_36 = arith.constant 0 : i32
        %dma_wait3A_37 = tpu.memref_slice %arg8[%scan3A_31, %dma_wait3A_36] : memref<124x64xi32, #tpu.memory_space<vmem>> -> memref<1x64xi32, #tpu.memory_space<vmem>>
        %dma_wait3A_38 = tpu.memref_squeeze %dma_wait3A_37 : memref<1x64xi32, #tpu.memory_space<vmem>> -> memref<64xi32, #tpu.memory_space<vmem>>
        %dma_wait3A_39 = arith.constant 0 : i32
        %dma_wait3A_40 = arith.constant 0 : i32
        %dma_wait3A_41 = tpu.memref_slice %arg2[%dma_wait3A_39, %dma_wait3A_40] : memref<5000x144xf32, #tpu.memory_space<hbm>> -> memref<5000x144xf32, #tpu.memory_space<hbm>>
        tpu.wait_indirect_dma semaphore(%arg11 : memref<!tpu.dma_semaphore, #tpu.memory_space<semaphore_mem>>) src(%dma_wait3A_41 : memref<5000x144xf32, #tpu.memory_space<hbm>>) dst(%dma_wait3A_35 : memref<64x144xf32, #tpu.memory_space<vmem>>)
        %add3A_42 = arith.constant 1 : i32
        %add3A_43 = arith.addi %scan3A_31, %add3A_42 : i32
        %lt3A = arith.constant 124 : i32
        %lt3A_44 = arith.cmpi slt, %add3A_43, %lt3A : i32
        %convert_element_type3A_45 = arith.extui %lt3A_44 : i1 to i32
        %cond3A_46 = arith.constant 0 : i32
        %cond3A_47 = arith.cmpi ne, %convert_element_type3A_45, %cond3A_46 : i32
        scf.if %cond3A_47 {
          %add3A_48 = arith.constant 1 : i32
          %add3A_49 = arith.addi %scan3A_31, %add3A_48 : i32
          %sub3A = arith.constant 1 : i32
          %sub3A_50 = arith.subi %sub3A, %rem3A_32 : i32
          %dma_start3A_51 = arith.constant 0 : i32
          %dma_start3A_52 = arith.constant 0 : i32
          %dma_start3A_53 = tpu.memref_slice %arg10[%sub3A_50, %dma_start3A_51, %dma_start3A_52] : memref<2x64x144xf32, #tpu.memory_space<vmem>> -> memref<1x64x144xf32, #tpu.memory_space<vmem>>
          %dma_start3A_54 = tpu.memref_squeeze %dma_start3A_53 : memref<1x64x144xf32, #tpu.memory_space<vmem>> -> memref<64x144xf32, #tpu.memory_space<vmem>>
          %dma_start3A_55 = arith.constant 0 : i32
          %dma_start3A_56 = tpu.memref_slice %arg8[%add3A_49, %dma_start3A_55] : memref<124x64xi32, #tpu.memory_space<vmem>> -> memref<1x64xi32, #tpu.memory_space<vmem>>
          %dma_start3A_57 = tpu.memref_squeeze %dma_start3A_56 : memref<1x64xi32, #tpu.memory_space<vmem>> -> memref<64xi32, #tpu.memory_space<vmem>>
          %dma_start3A_58 = arith.constant 0 : i32
          %dma_start3A_59 = arith.constant 0 : i32
          %dma_start3A_60 = tpu.memref_slice %arg2[%dma_start3A_58, %dma_start3A_59] : memref<5000x144xf32, #tpu.memory_space<hbm>> -> memref<5000x144xf32, #tpu.memory_space<hbm>>
          tpu.enqueue_indirect_dma source(%dma_start3A_60 : memref<5000x144xf32, #tpu.memory_space<hbm>>) target(%dma_start3A_54 : memref<64x144xf32, #tpu.memory_space<vmem>>) offsets(%dma_start3A_57 : memref<64xi32, #tpu.memory_space<vmem>>) semaphore(%arg11 : memref<!tpu.dma_semaphore, #tpu.memory_space<semaphore_mem>>)
        } else {
        }
        "tpu.region"() ({
          %run_scoped3A = tpu.sem_alloc : memref<!tpu.dma_semaphore, #tpu.memory_space<semaphore_mem>>
          %dma_start3A_48 = arith.constant 0 : i32
          %dma_start3A_49 = arith.constant 0 : i32
          %dma_start3A_50 = tpu.memref_slice %arg10[%rem3A_32, %dma_start3A_48, %dma_start3A_49] : memref<2x64x144xf32, #tpu.memory_space<vmem>> -> memref<1x64x144xf32, #tpu.memory_space<vmem>>
          %dma_start3A_51 = tpu.memref_squeeze %dma_start3A_50 : memref<1x64x144xf32, #tpu.memory_space<vmem>> -> memref<64x144xf32, #tpu.memory_space<vmem>>
          %dma_start3A_52 = arith.constant 0 : i32
          %dma_start3A_53 = tpu.memref_slice %arg9[%scan3A_31, %dma_start3A_52] : memref<124x64xi32, #tpu.memory_space<vmem>> -> memref<1x64xi32, #tpu.memory_space<vmem>>
          %dma_start3A_54 = tpu.memref_squeeze %dma_start3A_53 : memref<1x64xi32, #tpu.memory_space<vmem>> -> memref<64xi32, #tpu.memory_space<vmem>>
          %dma_start3A_55 = arith.constant 0 : i32
          %dma_start3A_56 = arith.constant 0 : i32
          %dma_start3A_57 = tpu.memref_slice %arg7[%dma_start3A_55, %dma_start3A_56] : memref<10016x144xf32, #tpu.memory_space<vmem_shared>> -> memref<10016x144xf32, #tpu.memory_space<vmem_shared>>
          tpu.enqueue_indirect_dma source(%dma_start3A_51 : memref<64x144xf32, #tpu.memory_space<vmem>>) target(%dma_start3A_57 : memref<10016x144xf32, #tpu.memory_space<vmem_shared>>) offsets(%dma_start3A_54 : memref<64xi32, #tpu.memory_space<vmem>>) semaphore(%run_scoped3A : memref<!tpu.dma_semaphore, #tpu.memory_space<semaphore_mem>>) {add = true}
          %dma_wait3A_58 = arith.constant 0 : i32
          %dma_wait3A_59 = arith.constant 0 : i32
          %dma_wait3A_60 = tpu.memref_slice %arg10[%rem3A_32, %dma_wait3A_58, %dma_wait3A_59] : memref<2x64x144xf32, #tpu.memory_space<vmem>> -> memref<1x64x144xf32, #tpu.memory_space<vmem>>
          %dma_wait3A_61 = tpu.memref_squeeze %dma_wait3A_60 : memref<1x64x144xf32, #tpu.memory_space<vmem>> -> memref<64x144xf32, #tpu.memory_space<vmem>>
          %dma_wait3A_62 = arith.constant 0 : i32
          %dma_wait3A_63 = tpu.memref_slice %arg9[%scan3A_31, %dma_wait3A_62] : memref<124x64xi32, #tpu.memory_space<vmem>> -> memref<1x64xi32, #tpu.memory_space<vmem>>
          %dma_wait3A_64 = tpu.memref_squeeze %dma_wait3A_63 : memref<1x64xi32, #tpu.memory_space<vmem>> -> memref<64xi32, #tpu.memory_space<vmem>>
          %dma_wait3A_65 = arith.constant 0 : i32
          %dma_wait3A_66 = arith.constant 0 : i32
          %dma_wait3A_67 = tpu.memref_slice %arg7[%dma_wait3A_65, %dma_wait3A_66] : memref<10016x144xf32, #tpu.memory_space<vmem_shared>> -> memref<10016x144xf32, #tpu.memory_space<vmem_shared>>
          tpu.wait_indirect_dma semaphore(%run_scoped3A : memref<!tpu.dma_semaphore, #tpu.memory_space<semaphore_mem>>) src(%dma_wait3A_61 : memref<64x144xf32, #tpu.memory_space<vmem>>) dst(%dma_wait3A_67 : memref<10016x144xf32, #tpu.memory_space<vmem_shared>>)
          tpu.yield
        }) : () -> ()
      }
      %scan3A_30 = arith.constant 124 : i32
    } else {
    }
    %eq3A_3 = arith.constant 1 : i32
    %eq3A_4 = arith.cmpi eq, %arg0, %eq3A_3 : i32
    %convert_element_type3A_5 = arith.extui %eq3A_4 : i1 to i32
    %cond3A_6 = arith.constant 0 : i32
    %cond3A_7 = arith.cmpi ne, %convert_element_type3A_5, %cond3A_6 : i32
    scf.if %cond3A_7 {
      %mul3A_13 = arith.constant 36 : i32
      %mul3A_14 = arith.muli %arg1, %mul3A_13 : i32
      %add3A_15 = arith.constant 1984 : i32
      %add3A_16 = arith.addi %add3A_15, %mul3A_14 : i32
      "tpu.region"() ({
        %run_scoped3A = tpu.sem_alloc : memref<!tpu.dma_semaphore, #tpu.memory_space<semaphore_mem>>
        %dma_start3A_33 = arith.constant 0 : i32
        %dma_start3A_34 = arith.constant 0 : i32
        %dma_start3A_35 = tpu.memref_slice %arg8[%dma_start3A_33, %dma_start3A_34] : memref<124x64xi32, #tpu.memory_space<vmem>> -> memref<36x64xi32, #tpu.memory_space<vmem>>
        %dma_start3A_36 = arith.constant 0 : i32
        %dma_start3A_37 = tpu.memref_slice %arg3[%add3A_16, %dma_start3A_36] : memref<2560x64xi32, #tpu.memory_space<hbm>> -> memref<36x64xi32, #tpu.memory_space<hbm>>
        %dma_start3A_38 = arith.constant 0 : i32
        %dma_start3A_39 = arith.constant 0 : i32
        %dma_start3A_40 = tpu.memref_slice %arg8[%dma_start3A_38, %dma_start3A_39] : memref<124x64xi32, #tpu.memory_space<vmem>> -> memref<36x64xi32, #tpu.memory_space<vmem>>
        %dma_start3A_41 = arith.constant 0 : i32
        %dma_start3A_42 = tpu.memref_slice %arg3[%add3A_16, %dma_start3A_41] : memref<2560x64xi32, #tpu.memory_space<hbm>> -> memref<36x64xi32, #tpu.memory_space<hbm>>
        tpu.enqueue_dma source(%dma_start3A_42 : memref<36x64xi32, #tpu.memory_space<hbm>>) target(%dma_start3A_40 : memref<36x64xi32, #tpu.memory_space<vmem>>) target_semaphore(%run_scoped3A : memref<!tpu.dma_semaphore, #tpu.memory_space<semaphore_mem>>)
        %dma_wait3A = arith.constant 0 : i32
        %dma_wait3A_43 = arith.constant 0 : i32
        %dma_wait3A_44 = tpu.memref_slice %arg8[%dma_wait3A, %dma_wait3A_43] : memref<124x64xi32, #tpu.memory_space<vmem>> -> memref<36x64xi32, #tpu.memory_space<vmem>>
        %dma_wait3A_45 = arith.constant 0 : i32
        %dma_wait3A_46 = tpu.memref_slice %arg3[%add3A_16, %dma_wait3A_45] : memref<2560x64xi32, #tpu.memory_space<hbm>> -> memref<36x64xi32, #tpu.memory_space<hbm>>
        %dma_wait3A_47 = arith.constant 0 : i32
        %dma_wait3A_48 = arith.constant 0 : i32
        %dma_wait3A_49 = tpu.memref_slice %arg8[%dma_wait3A_47, %dma_wait3A_48] : memref<124x64xi32, #tpu.memory_space<vmem>> -> memref<36x64xi32, #tpu.memory_space<vmem>>
        %dma_wait3A_50 = arith.constant 0 : i32
        %dma_wait3A_51 = tpu.memref_slice %arg3[%add3A_16, %dma_wait3A_50] : memref<2560x64xi32, #tpu.memory_space<hbm>> -> memref<36x64xi32, #tpu.memory_space<hbm>>
        tpu.wait_dma2 semaphore(%run_scoped3A : memref<!tpu.dma_semaphore, #tpu.memory_space<semaphore_mem>>) src(%dma_wait3A_51 : memref<36x64xi32, #tpu.memory_space<hbm>>) dst(%dma_wait3A_49 : memref<36x64xi32, #tpu.memory_space<vmem>>)
        tpu.yield
      }) : () -> ()
      "tpu.region"() ({
        %run_scoped3A = tpu.sem_alloc : memref<!tpu.dma_semaphore, #tpu.memory_space<semaphore_mem>>
        %dma_start3A_33 = arith.constant 0 : i32
        %dma_start3A_34 = arith.constant 0 : i32
        %dma_start3A_35 = tpu.memref_slice %arg9[%dma_start3A_33, %dma_start3A_34] : memref<124x64xi32, #tpu.memory_space<vmem>> -> memref<36x64xi32, #tpu.memory_space<vmem>>
        %dma_start3A_36 = arith.constant 0 : i32
        %dma_start3A_37 = tpu.memref_slice %arg4[%add3A_16, %dma_start3A_36] : memref<2560x64xi32, #tpu.memory_space<hbm>> -> memref<36x64xi32, #tpu.memory_space<hbm>>
        %dma_start3A_38 = arith.constant 0 : i32
        %dma_start3A_39 = arith.constant 0 : i32
        %dma_start3A_40 = tpu.memref_slice %arg9[%dma_start3A_38, %dma_start3A_39] : memref<124x64xi32, #tpu.memory_space<vmem>> -> memref<36x64xi32, #tpu.memory_space<vmem>>
        %dma_start3A_41 = arith.constant 0 : i32
        %dma_start3A_42 = tpu.memref_slice %arg4[%add3A_16, %dma_start3A_41] : memref<2560x64xi32, #tpu.memory_space<hbm>> -> memref<36x64xi32, #tpu.memory_space<hbm>>
        tpu.enqueue_dma source(%dma_start3A_42 : memref<36x64xi32, #tpu.memory_space<hbm>>) target(%dma_start3A_40 : memref<36x64xi32, #tpu.memory_space<vmem>>) target_semaphore(%run_scoped3A : memref<!tpu.dma_semaphore, #tpu.memory_space<semaphore_mem>>)
        %dma_wait3A = arith.constant 0 : i32
        %dma_wait3A_43 = arith.constant 0 : i32
        %dma_wait3A_44 = tpu.memref_slice %arg9[%dma_wait3A, %dma_wait3A_43] : memref<124x64xi32, #tpu.memory_space<vmem>> -> memref<36x64xi32, #tpu.memory_space<vmem>>
        %dma_wait3A_45 = arith.constant 0 : i32
        %dma_wait3A_46 = tpu.memref_slice %arg4[%add3A_16, %dma_wait3A_45] : memref<2560x64xi32, #tpu.memory_space<hbm>> -> memref<36x64xi32, #tpu.memory_space<hbm>>
        %dma_wait3A_47 = arith.constant 0 : i32
        %dma_wait3A_48 = arith.constant 0 : i32
        %dma_wait3A_49 = tpu.memref_slice %arg9[%dma_wait3A_47, %dma_wait3A_48] : memref<124x64xi32, #tpu.memory_space<vmem>> -> memref<36x64xi32, #tpu.memory_space<vmem>>
        %dma_wait3A_50 = arith.constant 0 : i32
        %dma_wait3A_51 = tpu.memref_slice %arg4[%add3A_16, %dma_wait3A_50] : memref<2560x64xi32, #tpu.memory_space<hbm>> -> memref<36x64xi32, #tpu.memory_space<hbm>>
        tpu.wait_dma2 semaphore(%run_scoped3A : memref<!tpu.dma_semaphore, #tpu.memory_space<semaphore_mem>>) src(%dma_wait3A_51 : memref<36x64xi32, #tpu.memory_space<hbm>>) dst(%dma_wait3A_49 : memref<36x64xi32, #tpu.memory_space<vmem>>)
        tpu.yield
      }) : () -> ()
      %dma_start3A = arith.constant 0 : i32
      %dma_start3A_17 = arith.constant 0 : i32
      %dma_start3A_18 = arith.constant 0 : i32
      %dma_start3A_19 = arith.constant 0 : i32
      %dma_start3A_20 = tpu.memref_slice %arg10[%dma_start3A_17, %dma_start3A_18, %dma_start3A_19] : memref<2x64x144xf32, #tpu.memory_space<vmem>> -> memref<1x64x144xf32, #tpu.memory_space<vmem>>
      %dma_start3A_21 = tpu.memref_squeeze %dma_start3A_20 : memref<1x64x144xf32, #tpu.memory_space<vmem>> -> memref<64x144xf32, #tpu.memory_space<vmem>>
      %dma_start3A_22 = arith.constant 0 : i32
      %dma_start3A_23 = tpu.memref_slice %arg8[%dma_start3A, %dma_start3A_22] : memref<124x64xi32, #tpu.memory_space<vmem>> -> memref<1x64xi32, #tpu.memory_space<vmem>>
      %dma_start3A_24 = tpu.memref_squeeze %dma_start3A_23 : memref<1x64xi32, #tpu.memory_space<vmem>> -> memref<64xi32, #tpu.memory_space<vmem>>
      %dma_start3A_25 = arith.constant 0 : i32
      %dma_start3A_26 = arith.constant 0 : i32
      %dma_start3A_27 = tpu.memref_slice %arg2[%dma_start3A_25, %dma_start3A_26] : memref<5000x144xf32, #tpu.memory_space<hbm>> -> memref<5000x144xf32, #tpu.memory_space<hbm>>
      tpu.enqueue_indirect_dma source(%dma_start3A_27 : memref<5000x144xf32, #tpu.memory_space<hbm>>) target(%dma_start3A_21 : memref<64x144xf32, #tpu.memory_space<vmem>>) offsets(%dma_start3A_24 : memref<64xi32, #tpu.memory_space<vmem>>) semaphore(%arg11 : memref<!tpu.dma_semaphore, #tpu.memory_space<semaphore_mem>>)
      %scan3A = arith.constant 0 : i32
      %scan3A_28 = arith.constant 0 : i32
      %scan3A_29 = arith.constant 36 : i32
      %scan3A_30 = arith.addi %scan3A_28, %scan3A_29 : i32
      %scan3A_31 = arith.constant 1 : i32
      scf.for %scan3A_33 = %scan3A_28 to %scan3A_30 step %scan3A_31  : i32 {
        %rem3A = arith.constant 2 : i32
        %rem3A_34 = arith.remsi %scan3A_33, %rem3A : i32
        %dma_wait3A = arith.constant 0 : i32
        %dma_wait3A_35 = arith.constant 0 : i32
        %dma_wait3A_36 = tpu.memref_slice %arg10[%rem3A_34, %dma_wait3A, %dma_wait3A_35] : memref<2x64x144xf32, #tpu.memory_space<vmem>> -> memref<1x64x144xf32, #tpu.memory_space<vmem>>
        %dma_wait3A_37 = tpu.memref_squeeze %dma_wait3A_36 : memref<1x64x144xf32, #tpu.memory_space<vmem>> -> memref<64x144xf32, #tpu.memory_space<vmem>>
        %dma_wait3A_38 = arith.constant 0 : i32
        %dma_wait3A_39 = tpu.memref_slice %arg8[%scan3A_33, %dma_wait3A_38] : memref<124x64xi32, #tpu.memory_space<vmem>> -> memref<1x64xi32, #tpu.memory_space<vmem>>
        %dma_wait3A_40 = tpu.memref_squeeze %dma_wait3A_39 : memref<1x64xi32, #tpu.memory_space<vmem>> -> memref<64xi32, #tpu.memory_space<vmem>>
        %dma_wait3A_41 = arith.constant 0 : i32
        %dma_wait3A_42 = arith.constant 0 : i32
        %dma_wait3A_43 = tpu.memref_slice %arg2[%dma_wait3A_41, %dma_wait3A_42] : memref<5000x144xf32, #tpu.memory_space<hbm>> -> memref<5000x144xf32, #tpu.memory_space<hbm>>
        tpu.wait_indirect_dma semaphore(%arg11 : memref<!tpu.dma_semaphore, #tpu.memory_space<semaphore_mem>>) src(%dma_wait3A_43 : memref<5000x144xf32, #tpu.memory_space<hbm>>) dst(%dma_wait3A_37 : memref<64x144xf32, #tpu.memory_space<vmem>>)
        %add3A_44 = arith.constant 1 : i32
        %add3A_45 = arith.addi %scan3A_33, %add3A_44 : i32
        %lt3A = arith.constant 36 : i32
        %lt3A_46 = arith.cmpi slt, %add3A_45, %lt3A : i32
        %convert_element_type3A_47 = arith.extui %lt3A_46 : i1 to i32
        %cond3A_48 = arith.constant 0 : i32
        %cond3A_49 = arith.cmpi ne, %convert_element_type3A_47, %cond3A_48 : i32
        scf.if %cond3A_49 {
          %add3A_50 = arith.constant 1 : i32
          %add3A_51 = arith.addi %scan3A_33, %add3A_50 : i32
          %sub3A = arith.constant 1 : i32
          %sub3A_52 = arith.subi %sub3A, %rem3A_34 : i32
          %dma_start3A_53 = arith.constant 0 : i32
          %dma_start3A_54 = arith.constant 0 : i32
          %dma_start3A_55 = tpu.memref_slice %arg10[%sub3A_52, %dma_start3A_53, %dma_start3A_54] : memref<2x64x144xf32, #tpu.memory_space<vmem>> -> memref<1x64x144xf32, #tpu.memory_space<vmem>>
          %dma_start3A_56 = tpu.memref_squeeze %dma_start3A_55 : memref<1x64x144xf32, #tpu.memory_space<vmem>> -> memref<64x144xf32, #tpu.memory_space<vmem>>
          %dma_start3A_57 = arith.constant 0 : i32
          %dma_start3A_58 = tpu.memref_slice %arg8[%add3A_51, %dma_start3A_57] : memref<124x64xi32, #tpu.memory_space<vmem>> -> memref<1x64xi32, #tpu.memory_space<vmem>>
          %dma_start3A_59 = tpu.memref_squeeze %dma_start3A_58 : memref<1x64xi32, #tpu.memory_space<vmem>> -> memref<64xi32, #tpu.memory_space<vmem>>
          %dma_start3A_60 = arith.constant 0 : i32
          %dma_start3A_61 = arith.constant 0 : i32
          %dma_start3A_62 = tpu.memref_slice %arg2[%dma_start3A_60, %dma_start3A_61] : memref<5000x144xf32, #tpu.memory_space<hbm>> -> memref<5000x144xf32, #tpu.memory_space<hbm>>
          tpu.enqueue_indirect_dma source(%dma_start3A_62 : memref<5000x144xf32, #tpu.memory_space<hbm>>) target(%dma_start3A_56 : memref<64x144xf32, #tpu.memory_space<vmem>>) offsets(%dma_start3A_59 : memref<64xi32, #tpu.memory_space<vmem>>) semaphore(%arg11 : memref<!tpu.dma_semaphore, #tpu.memory_space<semaphore_mem>>)
        } else {
        }
        "tpu.region"() ({
          %run_scoped3A = tpu.sem_alloc : memref<!tpu.dma_semaphore, #tpu.memory_space<semaphore_mem>>
          %dma_start3A_50 = arith.constant 0 : i32
          %dma_start3A_51 = arith.constant 0 : i32
          %dma_start3A_52 = tpu.memref_slice %arg10[%rem3A_34, %dma_start3A_50, %dma_start3A_51] : memref<2x64x144xf32, #tpu.memory_space<vmem>> -> memref<1x64x144xf32, #tpu.memory_space<vmem>>
          %dma_start3A_53 = tpu.memref_squeeze %dma_start3A_52 : memref<1x64x144xf32, #tpu.memory_space<vmem>> -> memref<64x144xf32, #tpu.memory_space<vmem>>
          %dma_start3A_54 = arith.constant 0 : i32
          %dma_start3A_55 = tpu.memref_slice %arg9[%scan3A_33, %dma_start3A_54] : memref<124x64xi32, #tpu.memory_space<vmem>> -> memref<1x64xi32, #tpu.memory_space<vmem>>
          %dma_start3A_56 = tpu.memref_squeeze %dma_start3A_55 : memref<1x64xi32, #tpu.memory_space<vmem>> -> memref<64xi32, #tpu.memory_space<vmem>>
          %dma_start3A_57 = arith.constant 0 : i32
          %dma_start3A_58 = arith.constant 0 : i32
          %dma_start3A_59 = tpu.memref_slice %arg7[%dma_start3A_57, %dma_start3A_58] : memref<10016x144xf32, #tpu.memory_space<vmem_shared>> -> memref<10016x144xf32, #tpu.memory_space<vmem_shared>>
          tpu.enqueue_indirect_dma source(%dma_start3A_53 : memref<64x144xf32, #tpu.memory_space<vmem>>) target(%dma_start3A_59 : memref<10016x144xf32, #tpu.memory_space<vmem_shared>>) offsets(%dma_start3A_56 : memref<64xi32, #tpu.memory_space<vmem>>) semaphore(%run_scoped3A : memref<!tpu.dma_semaphore, #tpu.memory_space<semaphore_mem>>) {add = true}
          %dma_wait3A_60 = arith.constant 0 : i32
          %dma_wait3A_61 = arith.constant 0 : i32
          %dma_wait3A_62 = tpu.memref_slice %arg10[%rem3A_34, %dma_wait3A_60, %dma_wait3A_61] : memref<2x64x144xf32, #tpu.memory_space<vmem>> -> memref<1x64x144xf32, #tpu.memory_space<vmem>>
          %dma_wait3A_63 = tpu.memref_squeeze %dma_wait3A_62 : memref<1x64x144xf32, #tpu.memory_space<vmem>> -> memref<64x144xf32, #tpu.memory_space<vmem>>
          %dma_wait3A_64 = arith.constant 0 : i32
          %dma_wait3A_65 = tpu.memref_slice %arg9[%scan3A_33, %dma_wait3A_64] : memref<124x64xi32, #tpu.memory_space<vmem>> -> memref<1x64xi32, #tpu.memory_space<vmem>>
          %dma_wait3A_66 = tpu.memref_squeeze %dma_wait3A_65 : memref<1x64xi32, #tpu.memory_space<vmem>> -> memref<64xi32, #tpu.memory_space<vmem>>
          %dma_wait3A_67 = arith.constant 0 : i32
          %dma_wait3A_68 = arith.constant 0 : i32
          %dma_wait3A_69 = tpu.memref_slice %arg7[%dma_wait3A_67, %dma_wait3A_68] : memref<10016x144xf32, #tpu.memory_space<vmem_shared>> -> memref<10016x144xf32, #tpu.memory_space<vmem_shared>>
          tpu.wait_indirect_dma semaphore(%run_scoped3A : memref<!tpu.dma_semaphore, #tpu.memory_space<semaphore_mem>>) src(%dma_wait3A_63 : memref<64x144xf32, #tpu.memory_space<vmem>>) dst(%dma_wait3A_69 : memref<10016x144xf32, #tpu.memory_space<vmem_shared>>)
          tpu.yield
        }) : () -> ()
      }
      %scan3A_32 = arith.constant 36 : i32
    } else {
    }
    %barrier3A_8 = arith.constant 0 : index
    tpu.barrier barrier_id(%barrier3A_8)
    %mul3A_9 = arith.constant 626 : i32
    %mul3A_10 = arith.muli %arg1, %mul3A_9 : i32
    %mul3A_11 = arith.constant 10016 : i32
    %mul3A_12 = arith.muli %arg0, %mul3A_11 : i32
    %add3A = arith.addi %mul3A_12, %mul3A_10 : i32
    "tpu.region"() ({
      %run_scoped3A = tpu.sem_alloc : memref<!tpu.dma_semaphore, #tpu.memory_space<semaphore_mem>>
      %dma_start3A = arith.constant 0 : i32
      %dma_start3A_13 = tpu.memref_slice %arg6[%add3A, %dma_start3A] : memref<20032x144xf32, #tpu.memory_space<hbm>> -> memref<626x144xf32, #tpu.memory_space<hbm>>
      %dma_start3A_14 = arith.constant 0 : i32
      %dma_start3A_15 = tpu.memref_slice %arg7[%mul3A_10, %dma_start3A_14] : memref<10016x144xf32, #tpu.memory_space<vmem_shared>> -> memref<626x144xf32, #tpu.memory_space<vmem_shared>>
      tpu.enqueue_dma source(%dma_start3A_15 : memref<626x144xf32, #tpu.memory_space<vmem_shared>>) target(%dma_start3A_13 : memref<626x144xf32, #tpu.memory_space<hbm>>) target_semaphore(%run_scoped3A : memref<!tpu.dma_semaphore, #tpu.memory_space<semaphore_mem>>)
      %dma_wait3A = arith.constant 0 : i32
      %dma_wait3A_16 = tpu.memref_slice %arg6[%add3A, %dma_wait3A] : memref<20032x144xf32, #tpu.memory_space<hbm>> -> memref<626x144xf32, #tpu.memory_space<hbm>>
      %dma_wait3A_17 = arith.constant 0 : i32
      %dma_wait3A_18 = tpu.memref_slice %arg7[%mul3A_10, %dma_wait3A_17] : memref<10016x144xf32, #tpu.memory_space<vmem_shared>> -> memref<626x144xf32, #tpu.memory_space<vmem_shared>>
      tpu.wait_dma2 semaphore(%run_scoped3A : memref<!tpu.dma_semaphore, #tpu.memory_space<semaphore_mem>>) src(%dma_wait3A_18 : memref<626x144xf32, #tpu.memory_space<vmem_shared>>) dst(%dma_wait3A_16 : memref<626x144xf32, #tpu.memory_space<hbm>>)
      tpu.yield
    }) : () -> ()
    return
  }
}

#map = affine_map<(d0, d1) -> (0, 0)>
module attributes {stable_mosaic.version = 14 : i64} {
  func.func @_seg_sum_body(%arg0: i32, %arg1: i32, %arg2: memref<5000x144xf32, #tpu.memory_space<hbm>>, %arg3: memref<2560x64xi32, #tpu.memory_space<hbm>>, %arg4: memref<2560x64xi32, #tpu.memory_space<hbm>>, %arg5: memref<626x144xf32, #tpu.memory_space<hbm>>, %arg6: memref<20032x144xf32, #tpu.memory_space<hbm>>, %arg7: memref<10016x144xf32, #tpu.memory_space<vmem_shared>>, %arg8: memref<124x64xi32, #tpu.memory_space<vmem>>, %arg9: memref<124x64xi32, #tpu.memory_space<vmem>>, %arg10: memref<2x64x144xf32, #tpu.memory_space<vmem>>, %arg11: memref<!tpu.dma_semaphore, #tpu.memory_space<semaphore_mem>>) attributes {dimension_semantics = [#tpu.dimension_semantics<core_parallel>, #tpu.dimension_semantics<subcore_parallel>], iteration_bounds = array<i64: 2, 16>, scalar_prefetch = 0 : i64, scratch_operands = 5 : i64, tpu.core_type = #tpu.core_type<sc_vector_subcore>, window_params = [{transform_indices = #map}, {transform_indices = #map}, {transform_indices = #map}, {transform_indices = #map}, {transform_indices = #map}]} {
    %mul3A = arith.constant 626 : i32
    %mul3A_0 = arith.muli %arg1, %mul3A : i32
    "tpu.region"() ({
      %run_scoped3A = tpu.sem_alloc : memref<!tpu.dma_semaphore, #tpu.memory_space<semaphore_mem>>
      %dma_start3A = arith.constant 0 : i32
      %dma_start3A_13 = tpu.memref_slice %arg7[%mul3A_0, %dma_start3A] : memref<10016x144xf32, #tpu.memory_space<vmem_shared>> -> memref<626x144xf32, #tpu.memory_space<vmem_shared>>
      %dma_start3A_14 = arith.constant 0 : i32
      %dma_start3A_15 = arith.constant 0 : i32
      %dma_start3A_16 = tpu.memref_slice %arg5[%dma_start3A_14, %dma_start3A_15] : memref<626x144xf32, #tpu.memory_space<hbm>> -> memref<626x144xf32, #tpu.memory_space<hbm>>
      tpu.enqueue_dma source(%dma_start3A_16 : memref<626x144xf32, #tpu.memory_space<hbm>>) target(%dma_start3A_13 : memref<626x144xf32, #tpu.memory_space<vmem_shared>>) target_semaphore(%run_scoped3A : memref<!tpu.dma_semaphore, #tpu.memory_space<semaphore_mem>>)
      %dma_wait3A = arith.constant 0 : i32
      %dma_wait3A_17 = tpu.memref_slice %arg7[%mul3A_0, %dma_wait3A] : memref<10016x144xf32, #tpu.memory_space<vmem_shared>> -> memref<626x144xf32, #tpu.memory_space<vmem_shared>>
      %dma_wait3A_18 = arith.constant 0 : i32
      %dma_wait3A_19 = arith.constant 0 : i32
      %dma_wait3A_20 = tpu.memref_slice %arg5[%dma_wait3A_18, %dma_wait3A_19] : memref<626x144xf32, #tpu.memory_space<hbm>> -> memref<626x144xf32, #tpu.memory_space<hbm>>
      tpu.wait_dma2 semaphore(%run_scoped3A : memref<!tpu.dma_semaphore, #tpu.memory_space<semaphore_mem>>) src(%dma_wait3A_20 : memref<626x144xf32, #tpu.memory_space<hbm>>) dst(%dma_wait3A_17 : memref<626x144xf32, #tpu.memory_space<vmem_shared>>)
      tpu.yield
    }) : () -> ()
    %barrier3A = arith.constant 0 : index
    tpu.barrier barrier_id(%barrier3A)
    %eq3A = arith.constant 0 : i32
    %eq3A_1 = arith.cmpi eq, %arg0, %eq3A : i32
    %convert_element_type3A = arith.extui %eq3A_1 : i1 to i32
    %cond3A = arith.constant 0 : i32
    %cond3A_2 = arith.cmpi ne, %convert_element_type3A, %cond3A : i32
    scf.if %cond3A_2 {
      %mul3A_13 = arith.constant 124 : i32
      %mul3A_14 = arith.muli %arg1, %mul3A_13 : i32
      "tpu.region"() ({
        %run_scoped3A = tpu.sem_alloc : memref<!tpu.dma_semaphore, #tpu.memory_space<semaphore_mem>>
        %dma_start3A_31 = arith.constant 0 : i32
        %dma_start3A_32 = arith.constant 0 : i32
        %dma_start3A_33 = tpu.memref_slice %arg8[%dma_start3A_31, %dma_start3A_32] : memref<124x64xi32, #tpu.memory_space<vmem>> -> memref<124x64xi32, #tpu.memory_space<vmem>>
        %dma_start3A_34 = arith.constant 0 : i32
        %dma_start3A_35 = tpu.memref_slice %arg3[%mul3A_14, %dma_start3A_34] : memref<2560x64xi32, #tpu.memory_space<hbm>> -> memref<124x64xi32, #tpu.memory_space<hbm>>
        %dma_start3A_36 = arith.constant 0 : i32
        %dma_start3A_37 = arith.constant 0 : i32
        %dma_start3A_38 = tpu.memref_slice %arg8[%dma_start3A_36, %dma_start3A_37] : memref<124x64xi32, #tpu.memory_space<vmem>> -> memref<124x64xi32, #tpu.memory_space<vmem>>
        %dma_start3A_39 = arith.constant 0 : i32
        %dma_start3A_40 = tpu.memref_slice %arg3[%mul3A_14, %dma_start3A_39] : memref<2560x64xi32, #tpu.memory_space<hbm>> -> memref<124x64xi32, #tpu.memory_space<hbm>>
        tpu.enqueue_dma source(%dma_start3A_40 : memref<124x64xi32, #tpu.memory_space<hbm>>) target(%dma_start3A_38 : memref<124x64xi32, #tpu.memory_space<vmem>>) target_semaphore(%run_scoped3A : memref<!tpu.dma_semaphore, #tpu.memory_space<semaphore_mem>>)
        %dma_wait3A = arith.constant 0 : i32
        %dma_wait3A_41 = arith.constant 0 : i32
        %dma_wait3A_42 = tpu.memref_slice %arg8[%dma_wait3A, %dma_wait3A_41] : memref<124x64xi32, #tpu.memory_space<vmem>> -> memref<124x64xi32, #tpu.memory_space<vmem>>
        %dma_wait3A_43 = arith.constant 0 : i32
        %dma_wait3A_44 = tpu.memref_slice %arg3[%mul3A_14, %dma_wait3A_43] : memref<2560x64xi32, #tpu.memory_space<hbm>> -> memref<124x64xi32, #tpu.memory_space<hbm>>
        %dma_wait3A_45 = arith.constant 0 : i32
        %dma_wait3A_46 = arith.constant 0 : i32
        %dma_wait3A_47 = tpu.memref_slice %arg8[%dma_wait3A_45, %dma_wait3A_46] : memref<124x64xi32, #tpu.memory_space<vmem>> -> memref<124x64xi32, #tpu.memory_space<vmem>>
        %dma_wait3A_48 = arith.constant 0 : i32
        %dma_wait3A_49 = tpu.memref_slice %arg3[%mul3A_14, %dma_wait3A_48] : memref<2560x64xi32, #tpu.memory_space<hbm>> -> memref<124x64xi32, #tpu.memory_space<hbm>>
        tpu.wait_dma2 semaphore(%run_scoped3A : memref<!tpu.dma_semaphore, #tpu.memory_space<semaphore_mem>>) src(%dma_wait3A_49 : memref<124x64xi32, #tpu.memory_space<hbm>>) dst(%dma_wait3A_47 : memref<124x64xi32, #tpu.memory_space<vmem>>)
        tpu.yield
      }) : () -> ()
      "tpu.region"() ({
        %run_scoped3A = tpu.sem_alloc : memref<!tpu.dma_semaphore, #tpu.memory_space<semaphore_mem>>
        %dma_start3A_31 = arith.constant 0 : i32
        %dma_start3A_32 = arith.constant 0 : i32
        %dma_start3A_33 = tpu.memref_slice %arg9[%dma_start3A_31, %dma_start3A_32] : memref<124x64xi32, #tpu.memory_space<vmem>> -> memref<124x64xi32, #tpu.memory_space<vmem>>
        %dma_start3A_34 = arith.constant 0 : i32
        %dma_start3A_35 = tpu.memref_slice %arg4[%mul3A_14, %dma_start3A_34] : memref<2560x64xi32, #tpu.memory_space<hbm>> -> memref<124x64xi32, #tpu.memory_space<hbm>>
        %dma_start3A_36 = arith.constant 0 : i32
        %dma_start3A_37 = arith.constant 0 : i32
        %dma_start3A_38 = tpu.memref_slice %arg9[%dma_start3A_36, %dma_start3A_37] : memref<124x64xi32, #tpu.memory_space<vmem>> -> memref<124x64xi32, #tpu.memory_space<vmem>>
        %dma_start3A_39 = arith.constant 0 : i32
        %dma_start3A_40 = tpu.memref_slice %arg4[%mul3A_14, %dma_start3A_39] : memref<2560x64xi32, #tpu.memory_space<hbm>> -> memref<124x64xi32, #tpu.memory_space<hbm>>
        tpu.enqueue_dma source(%dma_start3A_40 : memref<124x64xi32, #tpu.memory_space<hbm>>) target(%dma_start3A_38 : memref<124x64xi32, #tpu.memory_space<vmem>>) target_semaphore(%run_scoped3A : memref<!tpu.dma_semaphore, #tpu.memory_space<semaphore_mem>>)
        %dma_wait3A = arith.constant 0 : i32
        %dma_wait3A_41 = arith.constant 0 : i32
        %dma_wait3A_42 = tpu.memref_slice %arg9[%dma_wait3A, %dma_wait3A_41] : memref<124x64xi32, #tpu.memory_space<vmem>> -> memref<124x64xi32, #tpu.memory_space<vmem>>
        %dma_wait3A_43 = arith.constant 0 : i32
        %dma_wait3A_44 = tpu.memref_slice %arg4[%mul3A_14, %dma_wait3A_43] : memref<2560x64xi32, #tpu.memory_space<hbm>> -> memref<124x64xi32, #tpu.memory_space<hbm>>
        %dma_wait3A_45 = arith.constant 0 : i32
        %dma_wait3A_46 = arith.constant 0 : i32
        %dma_wait3A_47 = tpu.memref_slice %arg9[%dma_wait3A_45, %dma_wait3A_46] : memref<124x64xi32, #tpu.memory_space<vmem>> -> memref<124x64xi32, #tpu.memory_space<vmem>>
        %dma_wait3A_48 = arith.constant 0 : i32
        %dma_wait3A_49 = tpu.memref_slice %arg4[%mul3A_14, %dma_wait3A_48] : memref<2560x64xi32, #tpu.memory_space<hbm>> -> memref<124x64xi32, #tpu.memory_space<hbm>>
        tpu.wait_dma2 semaphore(%run_scoped3A : memref<!tpu.dma_semaphore, #tpu.memory_space<semaphore_mem>>) src(%dma_wait3A_49 : memref<124x64xi32, #tpu.memory_space<hbm>>) dst(%dma_wait3A_47 : memref<124x64xi32, #tpu.memory_space<vmem>>)
        tpu.yield
      }) : () -> ()
      %dma_start3A = arith.constant 0 : i32
      %dma_start3A_15 = arith.constant 0 : i32
      %dma_start3A_16 = arith.constant 0 : i32
      %dma_start3A_17 = arith.constant 0 : i32
      %dma_start3A_18 = tpu.memref_slice %arg10[%dma_start3A_15, %dma_start3A_16, %dma_start3A_17] : memref<2x64x144xf32, #tpu.memory_space<vmem>> -> memref<1x64x144xf32, #tpu.memory_space<vmem>>
      %dma_start3A_19 = tpu.memref_squeeze %dma_start3A_18 : memref<1x64x144xf32, #tpu.memory_space<vmem>> -> memref<64x144xf32, #tpu.memory_space<vmem>>
      %dma_start3A_20 = arith.constant 0 : i32
      %dma_start3A_21 = tpu.memref_slice %arg8[%dma_start3A, %dma_start3A_20] : memref<124x64xi32, #tpu.memory_space<vmem>> -> memref<1x64xi32, #tpu.memory_space<vmem>>
      %dma_start3A_22 = tpu.memref_squeeze %dma_start3A_21 : memref<1x64xi32, #tpu.memory_space<vmem>> -> memref<64xi32, #tpu.memory_space<vmem>>
      %dma_start3A_23 = arith.constant 0 : i32
      %dma_start3A_24 = arith.constant 0 : i32
      %dma_start3A_25 = tpu.memref_slice %arg2[%dma_start3A_23, %dma_start3A_24] : memref<5000x144xf32, #tpu.memory_space<hbm>> -> memref<5000x144xf32, #tpu.memory_space<hbm>>
      tpu.enqueue_indirect_dma source(%dma_start3A_25 : memref<5000x144xf32, #tpu.memory_space<hbm>>) target(%dma_start3A_19 : memref<64x144xf32, #tpu.memory_space<vmem>>) offsets(%dma_start3A_22 : memref<64xi32, #tpu.memory_space<vmem>>) semaphore(%arg11 : memref<!tpu.dma_semaphore, #tpu.memory_space<semaphore_mem>>)
      %scan3A = arith.constant 0 : i32
      %scan3A_26 = arith.constant 0 : i32
      %scan3A_27 = arith.constant 124 : i32
      %scan3A_28 = arith.addi %scan3A_26, %scan3A_27 : i32
      %scan3A_29 = arith.constant 1 : i32
      scf.for %scan3A_31 = %scan3A_26 to %scan3A_28 step %scan3A_29  : i32 {
        %rem3A = arith.constant 2 : i32
        %rem3A_32 = arith.remsi %scan3A_31, %rem3A : i32
        %dma_wait3A = arith.constant 0 : i32
        %dma_wait3A_33 = arith.constant 0 : i32
        %dma_wait3A_34 = tpu.memref_slice %arg10[%rem3A_32, %dma_wait3A, %dma_wait3A_33] : memref<2x64x144xf32, #tpu.memory_space<vmem>> -> memref<1x64x144xf32, #tpu.memory_space<vmem>>
        %dma_wait3A_35 = tpu.memref_squeeze %dma_wait3A_34 : memref<1x64x144xf32, #tpu.memory_space<vmem>> -> memref<64x144xf32, #tpu.memory_space<vmem>>
        %dma_wait3A_36 = arith.constant 0 : i32
        %dma_wait3A_37 = tpu.memref_slice %arg8[%scan3A_31, %dma_wait3A_36] : memref<124x64xi32, #tpu.memory_space<vmem>> -> memref<1x64xi32, #tpu.memory_space<vmem>>
        %dma_wait3A_38 = tpu.memref_squeeze %dma_wait3A_37 : memref<1x64xi32, #tpu.memory_space<vmem>> -> memref<64xi32, #tpu.memory_space<vmem>>
        %dma_wait3A_39 = arith.constant 0 : i32
        %dma_wait3A_40 = arith.constant 0 : i32
        %dma_wait3A_41 = tpu.memref_slice %arg2[%dma_wait3A_39, %dma_wait3A_40] : memref<5000x144xf32, #tpu.memory_space<hbm>> -> memref<5000x144xf32, #tpu.memory_space<hbm>>
        tpu.wait_indirect_dma semaphore(%arg11 : memref<!tpu.dma_semaphore, #tpu.memory_space<semaphore_mem>>) src(%dma_wait3A_41 : memref<5000x144xf32, #tpu.memory_space<hbm>>) dst(%dma_wait3A_35 : memref<64x144xf32, #tpu.memory_space<vmem>>)
        %add3A_42 = arith.constant 1 : i32
        %add3A_43 = arith.addi %scan3A_31, %add3A_42 : i32
        %lt3A = arith.constant 124 : i32
        %lt3A_44 = arith.cmpi slt, %add3A_43, %lt3A : i32
        %convert_element_type3A_45 = arith.extui %lt3A_44 : i1 to i32
        %cond3A_46 = arith.constant 0 : i32
        %cond3A_47 = arith.cmpi ne, %convert_element_type3A_45, %cond3A_46 : i32
        scf.if %cond3A_47 {
          %add3A_48 = arith.constant 1 : i32
          %add3A_49 = arith.addi %scan3A_31, %add3A_48 : i32
          %sub3A = arith.constant 1 : i32
          %sub3A_50 = arith.subi %sub3A, %rem3A_32 : i32
          %dma_start3A_51 = arith.constant 0 : i32
          %dma_start3A_52 = arith.constant 0 : i32
          %dma_start3A_53 = tpu.memref_slice %arg10[%sub3A_50, %dma_start3A_51, %dma_start3A_52] : memref<2x64x144xf32, #tpu.memory_space<vmem>> -> memref<1x64x144xf32, #tpu.memory_space<vmem>>
          %dma_start3A_54 = tpu.memref_squeeze %dma_start3A_53 : memref<1x64x144xf32, #tpu.memory_space<vmem>> -> memref<64x144xf32, #tpu.memory_space<vmem>>
          %dma_start3A_55 = arith.constant 0 : i32
          %dma_start3A_56 = tpu.memref_slice %arg8[%add3A_49, %dma_start3A_55] : memref<124x64xi32, #tpu.memory_space<vmem>> -> memref<1x64xi32, #tpu.memory_space<vmem>>
          %dma_start3A_57 = tpu.memref_squeeze %dma_start3A_56 : memref<1x64xi32, #tpu.memory_space<vmem>> -> memref<64xi32, #tpu.memory_space<vmem>>
          %dma_start3A_58 = arith.constant 0 : i32
          %dma_start3A_59 = arith.constant 0 : i32
          %dma_start3A_60 = tpu.memref_slice %arg2[%dma_start3A_58, %dma_start3A_59] : memref<5000x144xf32, #tpu.memory_space<hbm>> -> memref<5000x144xf32, #tpu.memory_space<hbm>>
          tpu.enqueue_indirect_dma source(%dma_start3A_60 : memref<5000x144xf32, #tpu.memory_space<hbm>>) target(%dma_start3A_54 : memref<64x144xf32, #tpu.memory_space<vmem>>) offsets(%dma_start3A_57 : memref<64xi32, #tpu.memory_space<vmem>>) semaphore(%arg11 : memref<!tpu.dma_semaphore, #tpu.memory_space<semaphore_mem>>)
        } else {
        }
        "tpu.region"() ({
          %run_scoped3A = tpu.sem_alloc : memref<!tpu.dma_semaphore, #tpu.memory_space<semaphore_mem>>
          %dma_start3A_48 = arith.constant 0 : i32
          %dma_start3A_49 = arith.constant 0 : i32
          %dma_start3A_50 = tpu.memref_slice %arg10[%rem3A_32, %dma_start3A_48, %dma_start3A_49] : memref<2x64x144xf32, #tpu.memory_space<vmem>> -> memref<1x64x144xf32, #tpu.memory_space<vmem>>
          %dma_start3A_51 = tpu.memref_squeeze %dma_start3A_50 : memref<1x64x144xf32, #tpu.memory_space<vmem>> -> memref<64x144xf32, #tpu.memory_space<vmem>>
          %dma_start3A_52 = arith.constant 0 : i32
          %dma_start3A_53 = tpu.memref_slice %arg9[%scan3A_31, %dma_start3A_52] : memref<124x64xi32, #tpu.memory_space<vmem>> -> memref<1x64xi32, #tpu.memory_space<vmem>>
          %dma_start3A_54 = tpu.memref_squeeze %dma_start3A_53 : memref<1x64xi32, #tpu.memory_space<vmem>> -> memref<64xi32, #tpu.memory_space<vmem>>
          %dma_start3A_55 = arith.constant 0 : i32
          %dma_start3A_56 = arith.constant 0 : i32
          %dma_start3A_57 = tpu.memref_slice %arg7[%dma_start3A_55, %dma_start3A_56] : memref<10016x144xf32, #tpu.memory_space<vmem_shared>> -> memref<10016x144xf32, #tpu.memory_space<vmem_shared>>
          tpu.enqueue_indirect_dma source(%dma_start3A_51 : memref<64x144xf32, #tpu.memory_space<vmem>>) target(%dma_start3A_57 : memref<10016x144xf32, #tpu.memory_space<vmem_shared>>) offsets(%dma_start3A_54 : memref<64xi32, #tpu.memory_space<vmem>>) semaphore(%run_scoped3A : memref<!tpu.dma_semaphore, #tpu.memory_space<semaphore_mem>>) {add = true}
          %dma_wait3A_58 = arith.constant 0 : i32
          %dma_wait3A_59 = arith.constant 0 : i32
          %dma_wait3A_60 = tpu.memref_slice %arg10[%rem3A_32, %dma_wait3A_58, %dma_wait3A_59] : memref<2x64x144xf32, #tpu.memory_space<vmem>> -> memref<1x64x144xf32, #tpu.memory_space<vmem>>
          %dma_wait3A_61 = tpu.memref_squeeze %dma_wait3A_60 : memref<1x64x144xf32, #tpu.memory_space<vmem>> -> memref<64x144xf32, #tpu.memory_space<vmem>>
          %dma_wait3A_62 = arith.constant 0 : i32
          %dma_wait3A_63 = tpu.memref_slice %arg9[%scan3A_31, %dma_wait3A_62] : memref<124x64xi32, #tpu.memory_space<vmem>> -> memref<1x64xi32, #tpu.memory_space<vmem>>
          %dma_wait3A_64 = tpu.memref_squeeze %dma_wait3A_63 : memref<1x64xi32, #tpu.memory_space<vmem>> -> memref<64xi32, #tpu.memory_space<vmem>>
          %dma_wait3A_65 = arith.constant 0 : i32
          %dma_wait3A_66 = arith.constant 0 : i32
          %dma_wait3A_67 = tpu.memref_slice %arg7[%dma_wait3A_65, %dma_wait3A_66] : memref<10016x144xf32, #tpu.memory_space<vmem_shared>> -> memref<10016x144xf32, #tpu.memory_space<vmem_shared>>
          tpu.wait_indirect_dma semaphore(%run_scoped3A : memref<!tpu.dma_semaphore, #tpu.memory_space<semaphore_mem>>) src(%dma_wait3A_61 : memref<64x144xf32, #tpu.memory_space<vmem>>) dst(%dma_wait3A_67 : memref<10016x144xf32, #tpu.memory_space<vmem_shared>>)
          tpu.yield
        }) : () -> ()
      }
      %scan3A_30 = arith.constant 124 : i32
    } else {
    }
    %eq3A_3 = arith.constant 1 : i32
    %eq3A_4 = arith.cmpi eq, %arg0, %eq3A_3 : i32
    %convert_element_type3A_5 = arith.extui %eq3A_4 : i1 to i32
    %cond3A_6 = arith.constant 0 : i32
    %cond3A_7 = arith.cmpi ne, %convert_element_type3A_5, %cond3A_6 : i32
    scf.if %cond3A_7 {
      %mul3A_13 = arith.constant 36 : i32
      %mul3A_14 = arith.muli %arg1, %mul3A_13 : i32
      %add3A_15 = arith.constant 1984 : i32
      %add3A_16 = arith.addi %add3A_15, %mul3A_14 : i32
      "tpu.region"() ({
        %run_scoped3A = tpu.sem_alloc : memref<!tpu.dma_semaphore, #tpu.memory_space<semaphore_mem>>
        %dma_start3A_33 = arith.constant 0 : i32
        %dma_start3A_34 = arith.constant 0 : i32
        %dma_start3A_35 = tpu.memref_slice %arg8[%dma_start3A_33, %dma_start3A_34] : memref<124x64xi32, #tpu.memory_space<vmem>> -> memref<36x64xi32, #tpu.memory_space<vmem>>
        %dma_start3A_36 = arith.constant 0 : i32
        %dma_start3A_37 = tpu.memref_slice %arg3[%add3A_16, %dma_start3A_36] : memref<2560x64xi32, #tpu.memory_space<hbm>> -> memref<36x64xi32, #tpu.memory_space<hbm>>
        %dma_start3A_38 = arith.constant 0 : i32
        %dma_start3A_39 = arith.constant 0 : i32
        %dma_start3A_40 = tpu.memref_slice %arg8[%dma_start3A_38, %dma_start3A_39] : memref<124x64xi32, #tpu.memory_space<vmem>> -> memref<36x64xi32, #tpu.memory_space<vmem>>
        %dma_start3A_41 = arith.constant 0 : i32
        %dma_start3A_42 = tpu.memref_slice %arg3[%add3A_16, %dma_start3A_41] : memref<2560x64xi32, #tpu.memory_space<hbm>> -> memref<36x64xi32, #tpu.memory_space<hbm>>
        tpu.enqueue_dma source(%dma_start3A_42 : memref<36x64xi32, #tpu.memory_space<hbm>>) target(%dma_start3A_40 : memref<36x64xi32, #tpu.memory_space<vmem>>) target_semaphore(%run_scoped3A : memref<!tpu.dma_semaphore, #tpu.memory_space<semaphore_mem>>)
        %dma_wait3A = arith.constant 0 : i32
        %dma_wait3A_43 = arith.constant 0 : i32
        %dma_wait3A_44 = tpu.memref_slice %arg8[%dma_wait3A, %dma_wait3A_43] : memref<124x64xi32, #tpu.memory_space<vmem>> -> memref<36x64xi32, #tpu.memory_space<vmem>>
        %dma_wait3A_45 = arith.constant 0 : i32
        %dma_wait3A_46 = tpu.memref_slice %arg3[%add3A_16, %dma_wait3A_45] : memref<2560x64xi32, #tpu.memory_space<hbm>> -> memref<36x64xi32, #tpu.memory_space<hbm>>
        %dma_wait3A_47 = arith.constant 0 : i32
        %dma_wait3A_48 = arith.constant 0 : i32
        %dma_wait3A_49 = tpu.memref_slice %arg8[%dma_wait3A_47, %dma_wait3A_48] : memref<124x64xi32, #tpu.memory_space<vmem>> -> memref<36x64xi32, #tpu.memory_space<vmem>>
        %dma_wait3A_50 = arith.constant 0 : i32
        %dma_wait3A_51 = tpu.memref_slice %arg3[%add3A_16, %dma_wait3A_50] : memref<2560x64xi32, #tpu.memory_space<hbm>> -> memref<36x64xi32, #tpu.memory_space<hbm>>
        tpu.wait_dma2 semaphore(%run_scoped3A : memref<!tpu.dma_semaphore, #tpu.memory_space<semaphore_mem>>) src(%dma_wait3A_51 : memref<36x64xi32, #tpu.memory_space<hbm>>) dst(%dma_wait3A_49 : memref<36x64xi32, #tpu.memory_space<vmem>>)
        tpu.yield
      }) : () -> ()
      "tpu.region"() ({
        %run_scoped3A = tpu.sem_alloc : memref<!tpu.dma_semaphore, #tpu.memory_space<semaphore_mem>>
        %dma_start3A_33 = arith.constant 0 : i32
        %dma_start3A_34 = arith.constant 0 : i32
        %dma_start3A_35 = tpu.memref_slice %arg9[%dma_start3A_33, %dma_start3A_34] : memref<124x64xi32, #tpu.memory_space<vmem>> -> memref<36x64xi32, #tpu.memory_space<vmem>>
        %dma_start3A_36 = arith.constant 0 : i32
        %dma_start3A_37 = tpu.memref_slice %arg4[%add3A_16, %dma_start3A_36] : memref<2560x64xi32, #tpu.memory_space<hbm>> -> memref<36x64xi32, #tpu.memory_space<hbm>>
        %dma_start3A_38 = arith.constant 0 : i32
        %dma_start3A_39 = arith.constant 0 : i32
        %dma_start3A_40 = tpu.memref_slice %arg9[%dma_start3A_38, %dma_start3A_39] : memref<124x64xi32, #tpu.memory_space<vmem>> -> memref<36x64xi32, #tpu.memory_space<vmem>>
        %dma_start3A_41 = arith.constant 0 : i32
        %dma_start3A_42 = tpu.memref_slice %arg4[%add3A_16, %dma_start3A_41] : memref<2560x64xi32, #tpu.memory_space<hbm>> -> memref<36x64xi32, #tpu.memory_space<hbm>>
        tpu.enqueue_dma source(%dma_start3A_42 : memref<36x64xi32, #tpu.memory_space<hbm>>) target(%dma_start3A_40 : memref<36x64xi32, #tpu.memory_space<vmem>>) target_semaphore(%run_scoped3A : memref<!tpu.dma_semaphore, #tpu.memory_space<semaphore_mem>>)
        %dma_wait3A = arith.constant 0 : i32
        %dma_wait3A_43 = arith.constant 0 : i32
        %dma_wait3A_44 = tpu.memref_slice %arg9[%dma_wait3A, %dma_wait3A_43] : memref<124x64xi32, #tpu.memory_space<vmem>> -> memref<36x64xi32, #tpu.memory_space<vmem>>
        %dma_wait3A_45 = arith.constant 0 : i32
        %dma_wait3A_46 = tpu.memref_slice %arg4[%add3A_16, %dma_wait3A_45] : memref<2560x64xi32, #tpu.memory_space<hbm>> -> memref<36x64xi32, #tpu.memory_space<hbm>>
        %dma_wait3A_47 = arith.constant 0 : i32
        %dma_wait3A_48 = arith.constant 0 : i32
        %dma_wait3A_49 = tpu.memref_slice %arg9[%dma_wait3A_47, %dma_wait3A_48] : memref<124x64xi32, #tpu.memory_space<vmem>> -> memref<36x64xi32, #tpu.memory_space<vmem>>
        %dma_wait3A_50 = arith.constant 0 : i32
        %dma_wait3A_51 = tpu.memref_slice %arg4[%add3A_16, %dma_wait3A_50] : memref<2560x64xi32, #tpu.memory_space<hbm>> -> memref<36x64xi32, #tpu.memory_space<hbm>>
        tpu.wait_dma2 semaphore(%run_scoped3A : memref<!tpu.dma_semaphore, #tpu.memory_space<semaphore_mem>>) src(%dma_wait3A_51 : memref<36x64xi32, #tpu.memory_space<hbm>>) dst(%dma_wait3A_49 : memref<36x64xi32, #tpu.memory_space<vmem>>)
        tpu.yield
      }) : () -> ()
      %dma_start3A = arith.constant 0 : i32
      %dma_start3A_17 = arith.constant 0 : i32
      %dma_start3A_18 = arith.constant 0 : i32
      %dma_start3A_19 = arith.constant 0 : i32
      %dma_start3A_20 = tpu.memref_slice %arg10[%dma_start3A_17, %dma_start3A_18, %dma_start3A_19] : memref<2x64x144xf32, #tpu.memory_space<vmem>> -> memref<1x64x144xf32, #tpu.memory_space<vmem>>
      %dma_start3A_21 = tpu.memref_squeeze %dma_start3A_20 : memref<1x64x144xf32, #tpu.memory_space<vmem>> -> memref<64x144xf32, #tpu.memory_space<vmem>>
      %dma_start3A_22 = arith.constant 0 : i32
      %dma_start3A_23 = tpu.memref_slice %arg8[%dma_start3A, %dma_start3A_22] : memref<124x64xi32, #tpu.memory_space<vmem>> -> memref<1x64xi32, #tpu.memory_space<vmem>>
      %dma_start3A_24 = tpu.memref_squeeze %dma_start3A_23 : memref<1x64xi32, #tpu.memory_space<vmem>> -> memref<64xi32, #tpu.memory_space<vmem>>
      %dma_start3A_25 = arith.constant 0 : i32
      %dma_start3A_26 = arith.constant 0 : i32
      %dma_start3A_27 = tpu.memref_slice %arg2[%dma_start3A_25, %dma_start3A_26] : memref<5000x144xf32, #tpu.memory_space<hbm>> -> memref<5000x144xf32, #tpu.memory_space<hbm>>
      tpu.enqueue_indirect_dma source(%dma_start3A_27 : memref<5000x144xf32, #tpu.memory_space<hbm>>) target(%dma_start3A_21 : memref<64x144xf32, #tpu.memory_space<vmem>>) offsets(%dma_start3A_24 : memref<64xi32, #tpu.memory_space<vmem>>) semaphore(%arg11 : memref<!tpu.dma_semaphore, #tpu.memory_space<semaphore_mem>>)
      %scan3A = arith.constant 0 : i32
      %scan3A_28 = arith.constant 0 : i32
      %scan3A_29 = arith.constant 36 : i32
      %scan3A_30 = arith.addi %scan3A_28, %scan3A_29 : i32
      %scan3A_31 = arith.constant 1 : i32
      scf.for %scan3A_33 = %scan3A_28 to %scan3A_30 step %scan3A_31  : i32 {
        %rem3A = arith.constant 2 : i32
        %rem3A_34 = arith.remsi %scan3A_33, %rem3A : i32
        %dma_wait3A = arith.constant 0 : i32
        %dma_wait3A_35 = arith.constant 0 : i32
        %dma_wait3A_36 = tpu.memref_slice %arg10[%rem3A_34, %dma_wait3A, %dma_wait3A_35] : memref<2x64x144xf32, #tpu.memory_space<vmem>> -> memref<1x64x144xf32, #tpu.memory_space<vmem>>
        %dma_wait3A_37 = tpu.memref_squeeze %dma_wait3A_36 : memref<1x64x144xf32, #tpu.memory_space<vmem>> -> memref<64x144xf32, #tpu.memory_space<vmem>>
        %dma_wait3A_38 = arith.constant 0 : i32
        %dma_wait3A_39 = tpu.memref_slice %arg8[%scan3A_33, %dma_wait3A_38] : memref<124x64xi32, #tpu.memory_space<vmem>> -> memref<1x64xi32, #tpu.memory_space<vmem>>
        %dma_wait3A_40 = tpu.memref_squeeze %dma_wait3A_39 : memref<1x64xi32, #tpu.memory_space<vmem>> -> memref<64xi32, #tpu.memory_space<vmem>>
        %dma_wait3A_41 = arith.constant 0 : i32
        %dma_wait3A_42 = arith.constant 0 : i32
        %dma_wait3A_43 = tpu.memref_slice %arg2[%dma_wait3A_41, %dma_wait3A_42] : memref<5000x144xf32, #tpu.memory_space<hbm>> -> memref<5000x144xf32, #tpu.memory_space<hbm>>
        tpu.wait_indirect_dma semaphore(%arg11 : memref<!tpu.dma_semaphore, #tpu.memory_space<semaphore_mem>>) src(%dma_wait3A_43 : memref<5000x144xf32, #tpu.memory_space<hbm>>) dst(%dma_wait3A_37 : memref<64x144xf32, #tpu.memory_space<vmem>>)
        %add3A_44 = arith.constant 1 : i32
        %add3A_45 = arith.addi %scan3A_33, %add3A_44 : i32
        %lt3A = arith.constant 36 : i32
        %lt3A_46 = arith.cmpi slt, %add3A_45, %lt3A : i32
        %convert_element_type3A_47 = arith.extui %lt3A_46 : i1 to i32
        %cond3A_48 = arith.constant 0 : i32
        %cond3A_49 = arith.cmpi ne, %convert_element_type3A_47, %cond3A_48 : i32
        scf.if %cond3A_49 {
          %add3A_50 = arith.constant 1 : i32
          %add3A_51 = arith.addi %scan3A_33, %add3A_50 : i32
          %sub3A = arith.constant 1 : i32
          %sub3A_52 = arith.subi %sub3A, %rem3A_34 : i32
          %dma_start3A_53 = arith.constant 0 : i32
          %dma_start3A_54 = arith.constant 0 : i32
          %dma_start3A_55 = tpu.memref_slice %arg10[%sub3A_52, %dma_start3A_53, %dma_start3A_54] : memref<2x64x144xf32, #tpu.memory_space<vmem>> -> memref<1x64x144xf32, #tpu.memory_space<vmem>>
          %dma_start3A_56 = tpu.memref_squeeze %dma_start3A_55 : memref<1x64x144xf32, #tpu.memory_space<vmem>> -> memref<64x144xf32, #tpu.memory_space<vmem>>
          %dma_start3A_57 = arith.constant 0 : i32
          %dma_start3A_58 = tpu.memref_slice %arg8[%add3A_51, %dma_start3A_57] : memref<124x64xi32, #tpu.memory_space<vmem>> -> memref<1x64xi32, #tpu.memory_space<vmem>>
          %dma_start3A_59 = tpu.memref_squeeze %dma_start3A_58 : memref<1x64xi32, #tpu.memory_space<vmem>> -> memref<64xi32, #tpu.memory_space<vmem>>
          %dma_start3A_60 = arith.constant 0 : i32
          %dma_start3A_61 = arith.constant 0 : i32
          %dma_start3A_62 = tpu.memref_slice %arg2[%dma_start3A_60, %dma_start3A_61] : memref<5000x144xf32, #tpu.memory_space<hbm>> -> memref<5000x144xf32, #tpu.memory_space<hbm>>
          tpu.enqueue_indirect_dma source(%dma_start3A_62 : memref<5000x144xf32, #tpu.memory_space<hbm>>) target(%dma_start3A_56 : memref<64x144xf32, #tpu.memory_space<vmem>>) offsets(%dma_start3A_59 : memref<64xi32, #tpu.memory_space<vmem>>) semaphore(%arg11 : memref<!tpu.dma_semaphore, #tpu.memory_space<semaphore_mem>>)
        } else {
        }
        "tpu.region"() ({
          %run_scoped3A = tpu.sem_alloc : memref<!tpu.dma_semaphore, #tpu.memory_space<semaphore_mem>>
          %dma_start3A_50 = arith.constant 0 : i32
          %dma_start3A_51 = arith.constant 0 : i32
          %dma_start3A_52 = tpu.memref_slice %arg10[%rem3A_34, %dma_start3A_50, %dma_start3A_51] : memref<2x64x144xf32, #tpu.memory_space<vmem>> -> memref<1x64x144xf32, #tpu.memory_space<vmem>>
          %dma_start3A_53 = tpu.memref_squeeze %dma_start3A_52 : memref<1x64x144xf32, #tpu.memory_space<vmem>> -> memref<64x144xf32, #tpu.memory_space<vmem>>
          %dma_start3A_54 = arith.constant 0 : i32
          %dma_start3A_55 = tpu.memref_slice %arg9[%scan3A_33, %dma_start3A_54] : memref<124x64xi32, #tpu.memory_space<vmem>> -> memref<1x64xi32, #tpu.memory_space<vmem>>
          %dma_start3A_56 = tpu.memref_squeeze %dma_start3A_55 : memref<1x64xi32, #tpu.memory_space<vmem>> -> memref<64xi32, #tpu.memory_space<vmem>>
          %dma_start3A_57 = arith.constant 0 : i32
          %dma_start3A_58 = arith.constant 0 : i32
          %dma_start3A_59 = tpu.memref_slice %arg7[%dma_start3A_57, %dma_start3A_58] : memref<10016x144xf32, #tpu.memory_space<vmem_shared>> -> memref<10016x144xf32, #tpu.memory_space<vmem_shared>>
          tpu.enqueue_indirect_dma source(%dma_start3A_53 : memref<64x144xf32, #tpu.memory_space<vmem>>) target(%dma_start3A_59 : memref<10016x144xf32, #tpu.memory_space<vmem_shared>>) offsets(%dma_start3A_56 : memref<64xi32, #tpu.memory_space<vmem>>) semaphore(%run_scoped3A : memref<!tpu.dma_semaphore, #tpu.memory_space<semaphore_mem>>) {add = true}
          %dma_wait3A_60 = arith.constant 0 : i32
          %dma_wait3A_61 = arith.constant 0 : i32
          %dma_wait3A_62 = tpu.memref_slice %arg10[%rem3A_34, %dma_wait3A_60, %dma_wait3A_61] : memref<2x64x144xf32, #tpu.memory_space<vmem>> -> memref<1x64x144xf32, #tpu.memory_space<vmem>>
          %dma_wait3A_63 = tpu.memref_squeeze %dma_wait3A_62 : memref<1x64x144xf32, #tpu.memory_space<vmem>> -> memref<64x144xf32, #tpu.memory_space<vmem>>
          %dma_wait3A_64 = arith.constant 0 : i32
          %dma_wait3A_65 = tpu.memref_slice %arg9[%scan3A_33, %dma_wait3A_64] : memref<124x64xi32, #tpu.memory_space<vmem>> -> memref<1x64xi32, #tpu.memory_space<vmem>>
          %dma_wait3A_66 = tpu.memref_squeeze %dma_wait3A_65 : memref<1x64xi32, #tpu.memory_space<vmem>> -> memref<64xi32, #tpu.memory_space<vmem>>
          %dma_wait3A_67 = arith.constant 0 : i32
          %dma_wait3A_68 = arith.constant 0 : i32
          %dma_wait3A_69 = tpu.memref_slice %arg7[%dma_wait3A_67, %dma_wait3A_68] : memref<10016x144xf32, #tpu.memory_space<vmem_shared>> -> memref<10016x144xf32, #tpu.memory_space<vmem_shared>>
          tpu.wait_indirect_dma semaphore(%run_scoped3A : memref<!tpu.dma_semaphore, #tpu.memory_space<semaphore_mem>>) src(%dma_wait3A_63 : memref<64x144xf32, #tpu.memory_space<vmem>>) dst(%dma_wait3A_69 : memref<10016x144xf32, #tpu.memory_space<vmem_shared>>)
          tpu.yield
        }) : () -> ()
      }
      %scan3A_32 = arith.constant 36 : i32
    } else {
    }
    %barrier3A_8 = arith.constant 0 : index
    tpu.barrier barrier_id(%barrier3A_8)
    %mul3A_9 = arith.constant 626 : i32
    %mul3A_10 = arith.muli %arg1, %mul3A_9 : i32
    %mul3A_11 = arith.constant 10016 : i32
    %mul3A_12 = arith.muli %arg0, %mul3A_11 : i32
    %add3A = arith.addi %mul3A_12, %mul3A_10 : i32
    "tpu.region"() ({
      %run_scoped3A = tpu.sem_alloc : memref<!tpu.dma_semaphore, #tpu.memory_space<semaphore_mem>>
      %dma_start3A = arith.constant 0 : i32
      %dma_start3A_13 = tpu.memref_slice %arg6[%add3A, %dma_start3A] : memref<20032x144xf32, #tpu.memory_space<hbm>> -> memref<626x144xf32, #tpu.memory_space<hbm>>
      %dma_start3A_14 = arith.constant 0 : i32
      %dma_start3A_15 = tpu.memref_slice %arg7[%mul3A_10, %dma_start3A_14] : memref<10016x144xf32, #tpu.memory_space<vmem_shared>> -> memref<626x144xf32, #tpu.memory_space<vmem_shared>>
      tpu.enqueue_dma source(%dma_start3A_15 : memref<626x144xf32, #tpu.memory_space<vmem_shared>>) target(%dma_start3A_13 : memref<626x144xf32, #tpu.memory_space<hbm>>) target_semaphore(%run_scoped3A : memref<!tpu.dma_semaphore, #tpu.memory_space<semaphore_mem>>)
      %dma_wait3A = arith.constant 0 : i32
      %dma_wait3A_16 = tpu.memref_slice %arg6[%add3A, %dma_wait3A] : memref<20032x144xf32, #tpu.memory_space<hbm>> -> memref<626x144xf32, #tpu.memory_space<hbm>>
      %dma_wait3A_17 = arith.constant 0 : i32
      %dma_wait3A_18 = tpu.memref_slice %arg7[%mul3A_10, %dma_wait3A_17] : memref<10016x144xf32, #tpu.memory_space<vmem_shared>> -> memref<626x144xf32, #tpu.memory_space<vmem_shared>>
      tpu.wait_dma2 semaphore(%run_scoped3A : memref<!tpu.dma_semaphore, #tpu.memory_space<semaphore_mem>>) src(%dma_wait3A_18 : memref<626x144xf32, #tpu.memory_space<vmem_shared>>) dst(%dma_wait3A_16 : memref<626x144xf32, #tpu.memory_space<hbm>>)
      tpu.yield
    }) : () -> ()
    return
  }
}

module attributes {stable_mosaic.version = 14 : i64} {
  func.func @_theta_body(%arg0: i32, %arg1: memref<2000x128xf32, #tpu.memory_space<vmem>>, %arg2: memref<128x128xf32, #tpu.memory_space<vmem>>, %arg3: memref<1x128xf32, #tpu.memory_space<vmem>>, %arg4: memref<2000x144xf32, #tpu.memory_space<vmem>>) attributes {dimension_semantics = [#tpu.dimension_semantics<arbitrary>], iteration_bounds = array<i64: 5>, scalar_prefetch = 0 : i64, scratch_operands = 0 : i64, tpu.core_type = #tpu.core_type<tc>, window_params = [{transform_indices = @transform_0, window_bounds = array<i64: 2000, 128>}, {pipeline_mode = #tpu.pipeline_mode<synchronous>, transform_indices = @transform_1, window_bounds = array<i64: 128, 128>}, {pipeline_mode = #tpu.pipeline_mode<synchronous>, transform_indices = @transform_2, window_bounds = array<i64: 1, 128>}, {transform_indices = @transform_3, window_bounds = array<i64: 2000, 144>}]} {
    %get3A = arith.constant 0 : index
    %get3A_0 = arith.constant 0 : index
    %get3A_1 = vector.load %arg1[%get3A, %get3A_0] : memref<2000x128xf32, #tpu.memory_space<vmem>>, vector<2000x128xf32>
    %get3A_2 = arith.constant 0 : index
    %get3A_3 = arith.constant 0 : index
    %get3A_4 = vector.load %arg2[%get3A_2, %get3A_3] : memref<128x128xf32, #tpu.memory_space<vmem>>, vector<128x128xf32>
    %dot_general3A = arith.constant dense<0.000000e+00> : vector<2000x128xf32>
    %dot_general3A_5 = tpu.matmul %get3A_1, %get3A_4, %dot_general3A {dimension_numbers = #tpu.dot_dimension_numbers<[1], [0], [0], [1], [0, 0, 1, 1], [], []>, transpose_lhs_hint = false} : vector<2000x128xf32>, vector<128x128xf32>, vector<2000x128xf32> -> vector<2000x128xf32>
    %get3A_6 = arith.constant 0 : index
    %get3A_7 = arith.constant 0 : index
    %get3A_8 = vector.load %arg3[%get3A_6, %get3A_7] : memref<1x128xf32, #tpu.memory_space<vmem>>, vector<1x128xf32>
    %add3A = vector.broadcast %get3A_8 : vector<1x128xf32> to vector<2000x128xf32>
    %add3A_9 = arith.addf %dot_general3A_5, %add3A : vector<2000x128xf32>
    %iota3A = tpu.iota {dimensions = array<i32: 1>} : vector<1x16xi32>
    %eq3A = arith.constant 0 : i32
    %eq3A_10 = vector.broadcast %eq3A : i32 to vector<1x16xi32>
    %eq3A_11 = arith.cmpi eq, %iota3A, %eq3A_10 : vector<1x16xi32>
    %convert_element_type3A = arith.extui %eq3A_11 : vector<1x16xi1> to vector<1x16xi32>
    %convert_element_type3A_12 = arith.sitofp %convert_element_type3A : vector<1x16xi32> to vector<1x16xf32>
    %broadcast_in_dim3A = vector.shape_cast %convert_element_type3A_12 : vector<1x16xf32> to vector<1x16xf32>
    %broadcast_in_dim3A_13 = vector.broadcast %broadcast_in_dim3A : vector<1x16xf32> to vector<2000x16xf32>
    %concatenate3A = tpu.concatenate %add3A_9, %broadcast_in_dim3A_13 in 1 : vector<2000x128xf32>, vector<2000x16xf32> -> vector<2000x144xf32>
    %swap3A = arith.constant 0 : index
    %swap3A_14 = arith.constant 0 : index
    %swap3A_15 = vector.load %arg4[%swap3A, %swap3A_14] : memref<2000x144xf32, #tpu.memory_space<vmem>>, vector<2000x144xf32>
    tpu.vector_store %arg4[%swap3A, %swap3A_14], %concatenate3A {strides = array<i32>} : memref<2000x144xf32, #tpu.memory_space<vmem>>, vector<2000x144xf32>,
    return
  }
  func.func @transform_0(%arg0: i32) -> (i32, i32) {
    %c0_i32 = arith.constant 0 : i32
    %c0_i32_0 = arith.constant 0 : i32
    return %arg0, %c0_i32 : i32, i32
  }
  func.func @transform_1(%arg0: i32) -> (i32, i32) {
    %c0_i32 = arith.constant 0 : i32
    %c0_i32_0 = arith.constant 0 : i32
    %c0_i32_1 = arith.constant 0 : i32
    return %c0_i32, %c0_i32_0 : i32, i32
  }
  func.func @transform_2(%arg0: i32) -> (i32, i32) {
    %c0_i32 = arith.constant 0 : i32
    %c0_i32_0 = arith.constant 0 : i32
    %c0_i32_1 = arith.constant 0 : i32
    return %c0_i32, %c0_i32_0 : i32, i32
  }
  func.func @transform_3(%arg0: i32) -> (i32, i32) {
    %c0_i32 = arith.constant 0 : i32
    %c0_i32_0 = arith.constant 0 : i32
    return %arg0, %c0_i32 : i32, i32
  }
}

module attributes {stable_mosaic.version = 14 : i64} {
  func.func @_edge_stage_body(%arg0: memref<2x5000x144xf32, #tpu.memory_space<vmem>>, %arg1: memref<1x128xf32, #tpu.memory_space<vmem>>, %arg2: memref<128x128xf32, #tpu.memory_space<vmem>>, %arg3: memref<128x16xf32, #tpu.memory_space<vmem>>, %arg4: memref<5000x144xf32, #tpu.memory_space<vmem>>) attributes {dimension_semantics = [], scalar_prefetch = 0 : i64, scratch_operands = 0 : i64, tpu.core_type = #tpu.core_type<tc>} {
    %get3A = arith.constant 0 : index
    %get3A_0 = arith.constant 0 : index
    %get3A_1 = arith.constant 0 : index
    %get3A_2 = vector.load %arg0[%get3A, %get3A_0, %get3A_1] : memref<2x5000x144xf32, #tpu.memory_space<vmem>>, vector<1x5000x144xf32>
    %get3A_3 = vector.shape_cast %get3A_2 : vector<1x5000x144xf32> to vector<5000x144xf32>
    %get3A_4 = arith.constant 1 : index
    %get3A_5 = arith.constant 0 : index
    %get3A_6 = arith.constant 0 : index
    %get3A_7 = vector.load %arg0[%get3A_4, %get3A_5, %get3A_6] : memref<2x5000x144xf32, #tpu.memory_space<vmem>>, vector<1x5000x144xf32>
    %get3A_8 = vector.shape_cast %get3A_7 : vector<1x5000x144xf32> to vector<5000x144xf32>
    %add3A = arith.addf %get3A_3, %get3A_8 : vector<5000x144xf32>
    %slice3A = vector.extract_strided_slice %add3A {offsets = [0, 128], sizes = [5000, 1], strides = [1, 1]} : vector<5000x144xf32> to vector<5000x1xf32>
    %max3A = arith.constant 1.000000e+00 : f32
    %max3A_9 = vector.broadcast %max3A : f32 to vector<5000x1xf32>
    %max3A_10 = arith.maximumf %slice3A, %max3A_9 : vector<5000x1xf32>
    %slice3A_11 = vector.extract_strided_slice %add3A {offsets = [0, 0], sizes = [5000, 128], strides = [1, 1]} : vector<5000x144xf32> to vector<5000x128xf32>
    %div3A = vector.broadcast %max3A_10 : vector<5000x1xf32> to vector<5000x128xf32>
    %div3A_12 = arith.divf %slice3A_11, %div3A : vector<5000x128xf32>
    %get3A_13 = arith.constant 0 : index
    %get3A_14 = arith.constant 0 : index
    %get3A_15 = vector.load %arg1[%get3A_13, %get3A_14] : memref<1x128xf32, #tpu.memory_space<vmem>>, vector<1x128xf32>
    %mul3A = vector.broadcast %get3A_15 : vector<1x128xf32> to vector<5000x128xf32>
    %mul3A_16 = arith.mulf %div3A_12, %mul3A : vector<5000x128xf32>
    %get3A_17 = arith.constant 0 : index
    %get3A_18 = arith.constant 0 : index
    %get3A_19 = vector.load %arg2[%get3A_17, %get3A_18] : memref<128x128xf32, #tpu.memory_space<vmem>>, vector<128x128xf32>
    %dot_general3A = arith.constant dense<0.000000e+00> : vector<5000x128xf32>
    %dot_general3A_20 = tpu.matmul %mul3A_16, %get3A_19, %dot_general3A {dimension_numbers = #tpu.dot_dimension_numbers<[1], [0], [0], [1], [0, 0, 1, 1], [], []>, transpose_lhs_hint = false} : vector<5000x128xf32>, vector<128x128xf32>, vector<5000x128xf32> -> vector<5000x128xf32>
    %gt3A = arith.constant 0.000000e+00 : f32
    %gt3A_21 = vector.broadcast %gt3A : f32 to vector<5000x128xf32>
    %gt3A_22 = arith.cmpf ogt, %dot_general3A_20, %gt3A_21 : vector<5000x128xf32>
    %mul3A_23 = arith.constant 2.000000e-01 : f32
    %mul3A_24 = vector.broadcast %mul3A_23 : f32 to vector<5000x128xf32>
    %mul3A_25 = arith.mulf %mul3A_24, %dot_general3A_20 : vector<5000x128xf32>
    %select_n3A = arith.select %gt3A_22, %dot_general3A_20, %mul3A_25 : vector<5000x128xi1>, vector<5000x128xf32>
    %reduce_max3A = arith.constant dense<0xFF800000> : vector<128xf32>
    %reduce_max3A_26 = vector.multi_reduction <maximumf>, %select_n3A, %reduce_max3A [0] : vector<5000x128xf32> to vector<128xf32>
    %broadcast_in_dim3A = vector.shape_cast %reduce_max3A_26 : vector<128xf32> to vector<1x128xf32>
    %sub3A = vector.broadcast %broadcast_in_dim3A : vector<1x128xf32> to vector<5000x128xf32>
    %sub3A_27 = arith.subf %select_n3A, %sub3A : vector<5000x128xf32>
    %exp3A = math.exp %sub3A_27 : vector<5000x128xf32>
    %get3A_28 = arith.constant 0 : index
    %get3A_29 = arith.constant 0 : index
    %get3A_30 = vector.load %arg3[%get3A_28, %get3A_29] : memref<128x16xf32, #tpu.memory_space<vmem>>, vector<128x16xf32>
    %dot_general3A_31 = arith.constant dense<0.000000e+00> : vector<5000x16xf32>
    %dot_general3A_32 = tpu.matmul %exp3A, %get3A_30, %dot_general3A_31 {dimension_numbers = #tpu.dot_dimension_numbers<[1], [0], [0], [1], [0, 0, 1, 1], [], []>, transpose_lhs_hint = false} : vector<5000x128xf32>, vector<128x16xf32>, vector<5000x16xf32> -> vector<5000x16xf32>
    %mul3A_33 = arith.mulf %div3A_12, %exp3A : vector<5000x128xf32>
    %concatenate3A = tpu.concatenate %mul3A_33, %dot_general3A_32 in 1 : vector<5000x128xf32>, vector<5000x16xf32> -> vector<5000x144xf32>
    %swap3A = arith.constant 0 : index
    %swap3A_34 = arith.constant 0 : index
    %swap3A_35 = vector.load %arg4[%swap3A, %swap3A_34] : memref<5000x144xf32, #tpu.memory_space<vmem>>, vector<5000x144xf32>
    tpu.vector_store %arg4[%swap3A, %swap3A_34], %concatenate3A {strides = array<i32>} : memref<5000x144xf32, #tpu.memory_space<vmem>>, vector<5000x144xf32>,
    return
  }
}

module attributes {stable_mosaic.version = 14 : i64} {
  func.func @_vertex_theta_body(%arg0: i32, %arg1: memref<2x2000x144xf32, #tpu.memory_space<vmem>>, %arg2: memref<2000x128xf32, #tpu.memory_space<vmem>>, %arg3: memref<16x128xf32, #tpu.memory_space<vmem>>, %arg4: memref<128x128xf32, #tpu.memory_space<vmem>>, %arg5: memref<1x128xf32, #tpu.memory_space<vmem>>, %arg6: memref<2000x128xf32, #tpu.memory_space<vmem>>, %arg7: memref<2000x144xf32, #tpu.memory_space<vmem>>) attributes {dimension_semantics = [#tpu.dimension_semantics<arbitrary>], iteration_bounds = array<i64: 5>, scalar_prefetch = 0 : i64, scratch_operands = 0 : i64, tpu.core_type = #tpu.core_type<tc>, window_params = [{transform_indices = @transform_0, window_bounds = array<i64: 2, 2000, 144>}, {transform_indices = @transform_1, window_bounds = array<i64: 2000, 128>}, {pipeline_mode = #tpu.pipeline_mode<synchronous>, transform_indices = @transform_2, window_bounds = array<i64: 16, 128>}, {pipeline_mode = #tpu.pipeline_mode<synchronous>, transform_indices = @transform_3, window_bounds = array<i64: 128, 128>}, {pipeline_mode = #tpu.pipeline_mode<synchronous>, transform_indices = @transform_4, window_bounds = array<i64: 1, 128>}, {transform_indices = @transform_5, window_bounds = array<i64: 2000, 128>}, {transform_indices = @transform_6, window_bounds = array<i64: 2000, 144>}]} {
    %get3A = arith.constant 0 : index
    %get3A_0 = arith.constant 0 : index
    %get3A_1 = arith.constant 0 : index
    %get3A_2 = vector.load %arg1[%get3A, %get3A_0, %get3A_1] : memref<2x2000x144xf32, #tpu.memory_space<vmem>>, vector<1x2000x144xf32>
    %get3A_3 = vector.shape_cast %get3A_2 : vector<1x2000x144xf32> to vector<2000x144xf32>
    %get3A_4 = arith.constant 1 : index
    %get3A_5 = arith.constant 0 : index
    %get3A_6 = arith.constant 0 : index
    %get3A_7 = vector.load %arg1[%get3A_4, %get3A_5, %get3A_6] : memref<2x2000x144xf32, #tpu.memory_space<vmem>>, vector<1x2000x144xf32>
    %get3A_8 = vector.shape_cast %get3A_7 : vector<1x2000x144xf32> to vector<2000x144xf32>
    %add3A = arith.addf %get3A_3, %get3A_8 : vector<2000x144xf32>
    %slice3A = vector.extract_strided_slice %add3A {offsets = [0, 128], sizes = [2000, 16], strides = [1, 1]} : vector<2000x144xf32> to vector<2000x16xf32>
    %get3A_9 = arith.constant 0 : index
    %get3A_10 = arith.constant 0 : index
    %get3A_11 = vector.load %arg3[%get3A_9, %get3A_10] : memref<16x128xf32, #tpu.memory_space<vmem>>, vector<16x128xf32>
    %dot_general3A = arith.constant dense<0.000000e+00> : vector<2000x128xf32>
    %dot_general3A_12 = tpu.matmul %slice3A, %get3A_11, %dot_general3A {dimension_numbers = #tpu.dot_dimension_numbers<[1], [0], [0], [1], [0, 0, 1, 1], [], []>, transpose_lhs_hint = false} : vector<2000x16xf32>, vector<16x128xf32>, vector<2000x128xf32> -> vector<2000x128xf32>
    %slice3A_13 = vector.extract_strided_slice %add3A {offsets = [0, 0], sizes = [2000, 128], strides = [1, 1]} : vector<2000x144xf32> to vector<2000x128xf32>
    %max3A = arith.constant 9.99999996E-13 : f32
    %max3A_14 = vector.broadcast %max3A : f32 to vector<2000x128xf32>
    %max3A_15 = arith.maximumf %dot_general3A_12, %max3A_14 : vector<2000x128xf32>
    %div3A = arith.divf %slice3A_13, %max3A_15 : vector<2000x128xf32>
    %gt3A = arith.constant 0.000000e+00 : f32
    %gt3A_16 = vector.broadcast %gt3A : f32 to vector<2000x128xf32>
    %gt3A_17 = arith.cmpf ogt, %div3A, %gt3A_16 : vector<2000x128xf32>
    %exp3A = math.exp %div3A : vector<2000x128xf32>
    %sub3A = arith.constant 1.000000e+00 : f32
    %sub3A_18 = vector.broadcast %sub3A : f32 to vector<2000x128xf32>
    %sub3A_19 = arith.subf %exp3A, %sub3A_18 : vector<2000x128xf32>
    %select_n3A = arith.select %gt3A_17, %div3A, %sub3A_19 : vector<2000x128xi1>, vector<2000x128xf32>
    %get3A_20 = arith.constant 0 : index
    %get3A_21 = arith.constant 0 : index
    %get3A_22 = vector.load %arg2[%get3A_20, %get3A_21] : memref<2000x128xf32, #tpu.memory_space<vmem>>, vector<2000x128xf32>
    %add3A_23 = arith.addf %get3A_22, %select_n3A : vector<2000x128xf32>
    %swap3A = arith.constant 0 : index
    %swap3A_24 = arith.constant 0 : index
    %swap3A_25 = vector.load %arg6[%swap3A, %swap3A_24] : memref<2000x128xf32, #tpu.memory_space<vmem>>, vector<2000x128xf32>
    tpu.vector_store %arg6[%swap3A, %swap3A_24], %add3A_23 {strides = array<i32>} : memref<2000x128xf32, #tpu.memory_space<vmem>>, vector<2000x128xf32>,
    %get3A_26 = arith.constant 0 : index
    %get3A_27 = arith.constant 0 : index
    %get3A_28 = vector.load %arg4[%get3A_26, %get3A_27] : memref<128x128xf32, #tpu.memory_space<vmem>>, vector<128x128xf32>
    %dot_general3A_29 = arith.constant dense<0.000000e+00> : vector<2000x128xf32>
    %dot_general3A_30 = tpu.matmul %add3A_23, %get3A_28, %dot_general3A_29 {dimension_numbers = #tpu.dot_dimension_numbers<[1], [0], [0], [1], [0, 0, 1, 1], [], []>, transpose_lhs_hint = false} : vector<2000x128xf32>, vector<128x128xf32>, vector<2000x128xf32> -> vector<2000x128xf32>
    %get3A_31 = arith.constant 0 : index
    %get3A_32 = arith.constant 0 : index
    %get3A_33 = vector.load %arg5[%get3A_31, %get3A_32] : memref<1x128xf32, #tpu.memory_space<vmem>>, vector<1x128xf32>
    %add3A_34 = vector.broadcast %get3A_33 : vector<1x128xf32> to vector<2000x128xf32>
    %add3A_35 = arith.addf %dot_general3A_30, %add3A_34 : vector<2000x128xf32>
    %iota3A = tpu.iota {dimensions = array<i32: 1>} : vector<1x16xi32>
    %eq3A = arith.constant 0 : i32
    %eq3A_36 = vector.broadcast %eq3A : i32 to vector<1x16xi32>
    %eq3A_37 = arith.cmpi eq, %iota3A, %eq3A_36 : vector<1x16xi32>
    %convert_element_type3A = arith.extui %eq3A_37 : vector<1x16xi1> to vector<1x16xi32>
    %convert_element_type3A_38 = arith.sitofp %convert_element_type3A : vector<1x16xi32> to vector<1x16xf32>
    %broadcast_in_dim3A = vector.shape_cast %convert_element_type3A_38 : vector<1x16xf32> to vector<1x16xf32>
    %broadcast_in_dim3A_39 = vector.broadcast %broadcast_in_dim3A : vector<1x16xf32> to vector<2000x16xf32>
    %concatenate3A = tpu.concatenate %add3A_35, %broadcast_in_dim3A_39 in 1 : vector<2000x128xf32>, vector<2000x16xf32> -> vector<2000x144xf32>
    %swap3A_40 = arith.constant 0 : index
    %swap3A_41 = arith.constant 0 : index
    %swap3A_42 = vector.load %arg7[%swap3A_40, %swap3A_41] : memref<2000x144xf32, #tpu.memory_space<vmem>>, vector<2000x144xf32>
    tpu.vector_store %arg7[%swap3A_40, %swap3A_41], %concatenate3A {strides = array<i32>} : memref<2000x144xf32, #tpu.memory_space<vmem>>, vector<2000x144xf32>,
    return
  }
  func.func @transform_0(%arg0: i32) -> (i32, i32, i32) {
    %c0_i32 = arith.constant 0 : i32
    %c0_i32_0 = arith.constant 0 : i32
    %c0_i32_1 = arith.constant 0 : i32
    return %c0_i32, %arg0, %c0_i32_0 : i32, i32, i32
  }
  func.func @transform_1(%arg0: i32) -> (i32, i32) {
    %c0_i32 = arith.constant 0 : i32
    %c0_i32_0 = arith.constant 0 : i32
    return %arg0, %c0_i32 : i32, i32
  }
  func.func @transform_2(%arg0: i32) -> (i32, i32) {
    %c0_i32 = arith.constant 0 : i32
    %c0_i32_0 = arith.constant 0 : i32
    %c0_i32_1 = arith.constant 0 : i32
    return %c0_i32, %c0_i32_0 : i32, i32
  }
  func.func @transform_3(%arg0: i32) -> (i32, i32) {
    %c0_i32 = arith.constant 0 : i32
    %c0_i32_0 = arith.constant 0 : i32
    %c0_i32_1 = arith.constant 0 : i32
    return %c0_i32, %c0_i32_0 : i32, i32
  }
  func.func @transform_4(%arg0: i32) -> (i32, i32) {
    %c0_i32 = arith.constant 0 : i32
    %c0_i32_0 = arith.constant 0 : i32
    %c0_i32_1 = arith.constant 0 : i32
    return %c0_i32, %c0_i32_0 : i32, i32
  }
  func.func @transform_5(%arg0: i32) -> (i32, i32) {
    %c0_i32 = arith.constant 0 : i32
    %c0_i32_0 = arith.constant 0 : i32
    return %arg0, %c0_i32 : i32, i32
  }
  func.func @transform_6(%arg0: i32) -> (i32, i32) {
    %c0_i32 = arith.constant 0 : i32
    %c0_i32_0 = arith.constant 0 : i32
    return %arg0, %c0_i32 : i32, i32
  }
}

module attributes {stable_mosaic.version = 14 : i64} {
  func.func @_vertex_cat_body(%arg0: i32, %arg1: memref<2x2000x144xf32, #tpu.memory_space<vmem>>, %arg2: memref<2000x128xf32, #tpu.memory_space<vmem>>, %arg3: memref<16x128xf32, #tpu.memory_space<vmem>>, %arg4: memref<2000x128xf32, #tpu.memory_space<vmem>>, %arg5: memref<2000x256xf32, #tpu.memory_space<vmem>>) attributes {dimension_semantics = [#tpu.dimension_semantics<arbitrary>], iteration_bounds = array<i64: 5>, scalar_prefetch = 0 : i64, scratch_operands = 0 : i64, tpu.core_type = #tpu.core_type<tc>, window_params = [{transform_indices = @transform_0, window_bounds = array<i64: 2, 2000, 144>}, {transform_indices = @transform_1, window_bounds = array<i64: 2000, 128>}, {pipeline_mode = #tpu.pipeline_mode<synchronous>, transform_indices = @transform_2, window_bounds = array<i64: 16, 128>}, {transform_indices = @transform_3, window_bounds = array<i64: 2000, 128>}, {transform_indices = @transform_4, window_bounds = array<i64: 2000, 256>}]} {
    %get3A = arith.constant 0 : index
    %get3A_0 = arith.constant 0 : index
    %get3A_1 = arith.constant 0 : index
    %get3A_2 = vector.load %arg1[%get3A, %get3A_0, %get3A_1] : memref<2x2000x144xf32, #tpu.memory_space<vmem>>, vector<1x2000x144xf32>
    %get3A_3 = vector.shape_cast %get3A_2 : vector<1x2000x144xf32> to vector<2000x144xf32>
    %get3A_4 = arith.constant 1 : index
    %get3A_5 = arith.constant 0 : index
    %get3A_6 = arith.constant 0 : index
    %get3A_7 = vector.load %arg1[%get3A_4, %get3A_5, %get3A_6] : memref<2x2000x144xf32, #tpu.memory_space<vmem>>, vector<1x2000x144xf32>
    %get3A_8 = vector.shape_cast %get3A_7 : vector<1x2000x144xf32> to vector<2000x144xf32>
    %add3A = arith.addf %get3A_3, %get3A_8 : vector<2000x144xf32>
    %slice3A = vector.extract_strided_slice %add3A {offsets = [0, 128], sizes = [2000, 16], strides = [1, 1]} : vector<2000x144xf32> to vector<2000x16xf32>
    %get3A_9 = arith.constant 0 : index
    %get3A_10 = arith.constant 0 : index
    %get3A_11 = vector.load %arg3[%get3A_9, %get3A_10] : memref<16x128xf32, #tpu.memory_space<vmem>>, vector<16x128xf32>
    %dot_general3A = arith.constant dense<0.000000e+00> : vector<2000x128xf32>
    %dot_general3A_12 = tpu.matmul %slice3A, %get3A_11, %dot_general3A {dimension_numbers = #tpu.dot_dimension_numbers<[1], [0], [0], [1], [0, 0, 1, 1], [], []>, transpose_lhs_hint = false} : vector<2000x16xf32>, vector<16x128xf32>, vector<2000x128xf32> -> vector<2000x128xf32>
    %slice3A_13 = vector.extract_strided_slice %add3A {offsets = [0, 0], sizes = [2000, 128], strides = [1, 1]} : vector<2000x144xf32> to vector<2000x128xf32>
    %max3A = arith.constant 9.99999996E-13 : f32
    %max3A_14 = vector.broadcast %max3A : f32 to vector<2000x128xf32>
    %max3A_15 = arith.maximumf %dot_general3A_12, %max3A_14 : vector<2000x128xf32>
    %div3A = arith.divf %slice3A_13, %max3A_15 : vector<2000x128xf32>
    %gt3A = arith.constant 0.000000e+00 : f32
    %gt3A_16 = vector.broadcast %gt3A : f32 to vector<2000x128xf32>
    %gt3A_17 = arith.cmpf ogt, %div3A, %gt3A_16 : vector<2000x128xf32>
    %exp3A = math.exp %div3A : vector<2000x128xf32>
    %sub3A = arith.constant 1.000000e+00 : f32
    %sub3A_18 = vector.broadcast %sub3A : f32 to vector<2000x128xf32>
    %sub3A_19 = arith.subf %exp3A, %sub3A_18 : vector<2000x128xf32>
    %select_n3A = arith.select %gt3A_17, %div3A, %sub3A_19 : vector<2000x128xi1>, vector<2000x128xf32>
    %get3A_20 = arith.constant 0 : index
    %get3A_21 = arith.constant 0 : index
    %get3A_22 = vector.load %arg4[%get3A_20, %get3A_21] : memref<2000x128xf32, #tpu.memory_space<vmem>>, vector<2000x128xf32>
    %get3A_23 = arith.constant 0 : index
    %get3A_24 = arith.constant 0 : index
    %get3A_25 = vector.load %arg2[%get3A_23, %get3A_24] : memref<2000x128xf32, #tpu.memory_space<vmem>>, vector<2000x128xf32>
    %add3A_26 = arith.addf %get3A_25, %select_n3A : vector<2000x128xf32>
    %concatenate3A = tpu.concatenate %get3A_22, %add3A_26 in 1 : vector<2000x128xf32>, vector<2000x128xf32> -> vector<2000x256xf32>
    %swap3A = arith.constant 0 : index
    %swap3A_27 = arith.constant 0 : index
    %swap3A_28 = vector.load %arg5[%swap3A, %swap3A_27] : memref<2000x256xf32, #tpu.memory_space<vmem>>, vector<2000x256xf32>
    tpu.vector_store %arg5[%swap3A, %swap3A_27], %concatenate3A {strides = array<i32>} : memref<2000x256xf32, #tpu.memory_space<vmem>>, vector<2000x256xf32>,
    return
  }
  func.func @transform_0(%arg0: i32) -> (i32, i32, i32) {
    %c0_i32 = arith.constant 0 : i32
    %c0_i32_0 = arith.constant 0 : i32
    %c0_i32_1 = arith.constant 0 : i32
    return %c0_i32, %arg0, %c0_i32_0 : i32, i32, i32
  }
  func.func @transform_1(%arg0: i32) -> (i32, i32) {
    %c0_i32 = arith.constant 0 : i32
    %c0_i32_0 = arith.constant 0 : i32
    return %arg0, %c0_i32 : i32, i32
  }
  func.func @transform_2(%arg0: i32) -> (i32, i32) {
    %c0_i32 = arith.constant 0 : i32
    %c0_i32_0 = arith.constant 0 : i32
    %c0_i32_1 = arith.constant 0 : i32
    return %c0_i32, %c0_i32_0 : i32, i32
  }
  func.func @transform_3(%arg0: i32) -> (i32, i32) {
    %c0_i32 = arith.constant 0 : i32
    %c0_i32_0 = arith.constant 0 : i32
    return %arg0, %c0_i32 : i32, i32
  }
  func.func @transform_4(%arg0: i32) -> (i32, i32) {
    %c0_i32 = arith.constant 0 : i32
    %c0_i32_0 = arith.constant 0 : i32
    return %arg0, %c0_i32 : i32, i32
  }
}

</mosaic_0001>

<sc_bundles>
// kernel: kernel.11.cloned.1.call-start
scs
__scs_entry_jumppad:
0x0: {  	(pc) =	sbr.rel $0x88, $3  }
0x1: {  	(tag) =	ssettag $0x0;
	lr =	simm.s32 $0x1  }
0x2: {  	[smem:$0x3F98] =	sst lr;
	_ =	strace $0xD0000000  }
0x3: {  	_ = 	snop  }
0x4: {  	_ = 	snop  }
0x5: {  	_ = 	snop  }
0x6: {  	_ = 	snop  }
0x7: {  	_ = 	snop  }
__scs_overlays_trampoline_lowered:
0x8: {  	[smem:$0x3FA7] =	sst s0  }
0x9: {  	[smem:$0x3FA8] =	sst s1  }
0xa: {  	[smem:$0x3FA9] =	sst s2  }
0xb: {  	[smem:$0x3FAA] =	sst s3  }
0xc: {  	[smem:$0x3FAB] =	sst s4  }
0xd: {  	[smem:$0x3FAC] =	sst s5  }
0xe: {  	[smem:$0x3FAD] =	sst s6  }
0xf: {  	[smem:$0x3FAE] =	sst s7  }
0x10: {  	[smem:$0x3FAF] =	sst s8  }
0x11: {  	[smem:$0x3FB0] =	sst s9;
	s0 =	simm.s32 @!p0 $0x0  }
0x12: {  	s1 =	sld [smem:$0x3F96];
	s0 =	simm.s32 @p0 $0x1  }
0x13: {  	[smem:$0x3FB1] =	sst s0;
	s0 =	simm.s32 @!p1 $0x0  }
0x14: {  	s2 =	sld [smem:$0x3F95];
	s0 =	simm.s32 @p1 $0x1  }
0x15: {  	[smem:$0x3FB2] =	sst s0;
	s0 =	simm.s32 @!p2 $0x0  }
0x16: {  	s3 =	sld [smem:$0x3FDB];
	s0 =	simm.s32 @p2 $0x1  }
0x17: {  	s4 =	simm.s32 $0x1BF5;
	[smem:$0x3FB4] =	sst s0  }
0x18: {  	s0 =	sld [smem:$0x3F97];
	_ =	swait.ge [sflag:s4], $0x0  }
0x19: {  	s7 =	sld [smem:$0x3F98]  }
0x1a: {  	s8 =	sadd.s32 $0xFFFFE003, lr  }
0x1b: {  	s9 =	sadd.s32 $0xFFFFFEF7, lr;
	s5 =	simm.s32 $0xFFFFFFFF;
	p2 =	slt.u32 s8, $0xFFFFF086  }
0x1c: {  	p1 =	slt.u32 s9, $0xF7A;
	s5 =	simm.s32 @!p2 $0x0  }
0x1d: {  	s5 =	simm.s32 @p1 $0x1;
	p0 =	seq.s32 s7, s2  }
0x1e: {  	s7 =	smul.u32 @!p0 $0xF7A, s2;
	p2 =	seq.s32 @!p0 s5, $0x0  }
0x1f: {  	s9 =	smul.u32 $0xF7A, s1;
	s8 =	simm.s32 @!p0 $0x1BF5;
	p2 =	por !p2, p0  }
0x20: {  	[sflag:s8] =	ssyncset.s32 @!p0 $0xFFFFF086;
	s6 =	sadd.s32 @!p0 s3, s7;
	s7 =	simm.s32 @!p0 $0x108  }
0x21: {  	s3 =	sadd.s32 s3, s9;
	s6 =	sadd.s32 @!p0 $0x88, s6;
	s7 =	simm.s32 @p2 $0x1082  }
0x22: {  	[simem:s7], [sflag:s8] =	dma.local @!p0 [hbm:s6], $0xF7A  }
0x23: {  	s9 =	sor.u32 $0xD0000000, s2;
	s6 =	simm.s32 $0x108;
	_ =	swait.ge @!p0 [sflag:s8], $0x0  }
0x24: {  	s3 =	sadd.s32 $0x88, s3;
	s6 =	simm.s32 @!p1 $0x1082;
	[sflag:s4] =	ssyncset.s32 $0xFFFFF086  }
0x25: {  	[simem:s6], [sflag:s4] =	dma.local [hbm:s3], $0xF7A  }
0x26: {  	[smem:$0x3F98] =	sst s1;
	(tag) =	ssettag s2;
	_ =	strace s9  }
0x27: {  	s1 =	sld [smem:$0x3FA8]  }
0x28: {  	s2 =	sld [smem:$0x3FA9]  }
0x29: {  	s4 =	sld [smem:$0x3FAB]  }
0x2a: {  	p0 =	seq.s32 s5, $0x0;
	s5 =	sld [smem:$0x3FAC]  }
0x2b: {  	s6 =	sld [smem:$0x3FAD]  }
0x2c: {  	s7 =	sld [smem:$0x3FAE]  }
0x2d: {  	s3 =	simm.s32 $0x108;
	s8 =	sld [smem:$0x3FAF]  }
0x2e: {  	s3 =	simm.s32 @!p0 $0x1082;
	s9 =	sld [smem:$0x3FB0]  }
0x2f: {  	lr =	sadd.s32 s0, s3;
	s0 =	sld [smem:$0x3FA7]  }
0x30: {  	s3 =	sld [smem:$0x3FAA]  }
0x31: {  	[smem:$0x3FB3] =	sst s10  }
0x32: {  	s10 =	sld [smem:$0x3FB1];
	_ =	sdelay $0x3  }
0x33: {  	p0 =	seq.s32 s10, $0x1;
	s10 =	sld [smem:$0x3FB3];
	_ =	sdelay $0x3  }
0x34: {  	[smem:$0x3FB3] =	sst s10  }
0x35: {  	s10 =	sld [smem:$0x3FB2];
	_ =	sdelay $0x3  }
0x36: {  	p1 =	seq.s32 s10, $0x1;
	s10 =	sld [smem:$0x3FB3];
	_ =	sdelay $0x3  }
0x37: {  	[smem:$0x3FB3] =	sst s10  }
0x38: {  	s10 =	sld [smem:$0x3FB4]  }
0x39: {  	_ = 	snop;
	(pc) =	sbr.ind lr, $3  }
0x3a: {  	_ = 	snop  }
0x3b: {  	_ = 	snop  }
0x3c: {  	p2 =	seq.s32 s10, $0x1;
	s10 =	sld [smem:$0x3FB3]  }
0x3d: {  	_ =	shalt  }
0x3e: {  	_ =	shalt  }
0x3f: {  	_ =	shalt  }
0x40: {  	_ =	shalt  }
0x41: {  	_ =	shalt  }
0x42: {  	_ =	shalt  }
0x43: {  	_ =	shalt  }
0x44: {  	_ =	shalt  }
0x45: {  	_ =	shalt  }
0x46: {  	_ =	shalt  }
0x47: {  	_ =	shalt  }
0x48: {  	_ =	shalt  }
0x49: {  	_ =	shalt  }
0x4a: {  	_ =	shalt  }
0x4b: {  	_ =	shalt  }
0x4c: {  	_ =	shalt  }
0x4d: {  	_ =	shalt  }
0x4e: {  	_ =	shalt  }
0x4f: {  	_ =	shalt  }
0x50: {  	_ =	shalt  }
0x51: {  	_ =	shalt  }
0x52: {  	_ =	shalt  }
0x53: {  	_ =	shalt  }
0x54: {  	_ =	shalt  }
0x55: {  	_ =	shalt  }
0x56: {  	_ =	shalt  }
0x57: {  	_ =	shalt  }
0x58: {  	_ =	shalt  }
0x59: {  	_ =	shalt  }
0x5a: {  	_ =	shalt  }
0x5b: {  	_ =	shalt  }
0x5c: {  	_ =	shalt  }
0x5d: {  	_ =	shalt  }
0x5e: {  	_ =	shalt  }
0x5f: {  	_ =	shalt  }
0x60: {  	_ =	shalt  }
0x61: {  	_ =	shalt  }
0x62: {  	_ =	shalt  }
0x63: {  	_ =	shalt  }
0x64: {  	_ =	shalt  }
0x65: {  	_ =	shalt  }
0x66: {  	_ =	shalt  }
0x67: {  	_ =	shalt  }
0x68: {  	_ =	shalt  }
0x69: {  	_ =	shalt  }
0x6a: {  	_ =	shalt  }
0x6b: {  	_ =	shalt  }
0x6c: {  	_ =	shalt  }
0x6d: {  	_ =	shalt  }
0x6e: {  	_ =	shalt  }
0x6f: {  	_ =	shalt  }
0x70: {  	_ =	shalt  }
0x71: {  	_ =	shalt  }
0x72: {  	_ =	shalt  }
0x73: {  	_ =	shalt  }
0x74: {  	_ =	shalt  }
0x75: {  	_ =	shalt  }
0x76: {  	_ =	shalt  }
0x77: {  	_ =	shalt  }
0x78: {  	_ =	shalt  }
0x79: {  	_ =	shalt  }
0x7a: {  	_ =	shalt  }
0x7b: {  	_ =	shalt  }
0x7c: {  	_ =	shalt  }
0x7d: {  	_ =	shalt  }
0x7e: {  	_ =	shalt  }
0x7f: {  	_ =	shalt  }
0x80: {  	_ =	shalt  }
0x81: {  	_ =	shalt  }
0x82: {  	_ =	shalt  }
0x83: {  	_ =	shalt  }
0x84: {  	_ =	shalt  }
0x85: {  	_ =	shalt  }
0x86: {  	_ =	shalt  }
0x87: {  	_ =	shalt  }
.Lfunc_end0:
.L_simem_size_0:
called_computation_lowered:
.L_overlay_start_0:
0x88: {  	s2 =	sld [smem:$0x3FD9]  }
0x89: {  	s3 =	sld [smem:$0x3FFE];
	_ =	sdelay $0x1  }
0x8a: {  	s1 =	srdreg.scid  }
0x8b: {  	s0 =	sand.u32 $0x1, s1  }
0x8c: {  	s17 =	sshll.u32 s0, $0xA;
	s2 =	sadd.s32 s3, s2  }
0x8d: {  	s2 =	sadd.s32 s2, s17  }
0x8e: {  	[smem:$0x3FBF] =	sst s2  }
0x8f: {  	_ = 	snop  }
0x90: {  	s2 =	sld [smem:$0x3FD0];
	(tm) =	ssettm $0x1  }
0x91: {  	s18 =	sld [smem:$0x3FFB];
	_ =	sdelay $0x3  }
0x92: {  	_ =	strace s18  }
0x93: {  	s3 =	sld [smem:$0x3FFC];
	_ =	sdelay $0x3  }
0x94: {  	_ =	strace s3  }
0x95: {  	s3 =	sld [smem:$0x3FFD];
	_ =	sdelay $0x3  }
0x96: {  	_ =	strace s3  }
0x97: {  	_ =	strace $0x8FFFFFFF  }
0x98: {  	s19 =	sld [smem:$0x3FDB];
	_ =	sdelay $0x1  }
0x99: {  	s4 =	simm.s32 $_scs_section_size  }
0x9a: {  	s5 =	simm.s32 $_size__tile_overlayer_lowered;
	s6 =	simm.s32 $_tile_overlayer_lowered  }
0x9b: {  	s22 =	simm.s32 $0x1BFF;
	s21 =	sshll.u32 s6, $0x1;
	s3 =	sadd.s32 s4, s19  }
0x9c: {  	s7 =	simm.s32 $0x0;
	s20 =	sshll.u32 s5, $0x1;
	s5 =	sadd.s32 s21, s3  }
0x9d: {  	[timem:s7], [sflag:s22] =	dma.local [hbm:s5], s20  }
0x9e: {  	_ =	swait.ge [sflag:s22], s20  }
0x9f: {  	s4 =	ssub.s32 $0x0, s20;
	[sflag:s22] =	ssyncset.done $0x0  }
0xa0: {  	[sflag:s22] =	ssyncadd.s32 s4;
	_ =	sdelay $0x1  }
0xa1: {  	s23 =	simm.s32 $0x1B8B  }
0xa2: {  	_ =	swait.ge [sflag:s23], $0x1  }
0xa3: {  	[sflag:s23] =	ssyncset.done $0x0  }
0xa4: {  	s25 =	simm.s32 $0x1B8E;
	s24 =	sld [smem:$0x3FFE];
	[sflag:s23] =	ssyncadd.s32 $0xFFFFFFFF  }
0xa5: {  	s26 =	simm.s32 $execute0_lowered;
	[smem:$0x3FD2] =	sst s25  }
0xa6: {  	s5 =	sshll.u32 s26, $0x1;
	_ =	strace $0x80000046;
	[dreg:$0x1] =	wrdreg $0xFFFFFFFF  }
0xa7: {  	s28 =	simm.s32 $_size_execute0_lowered;
	s3 =	sadd.s32 s3, s5;
	[dreg:$0x0] =	wrdreg $0x0  }
0xa8: {  	s5 =	sshll.u32 s28, $0x1;
	[dreg:$0x2] =	wrdreg s3  }
0xa9: {  	[dreg:$0x3] =	wrdreg s5  }
0xaa: {  	[dreg:$0x4] =	wrdreg $0xC0  }
0xab: {  	_ =	task [dreg:s7], $0x5FFFF  }
0xac: {  	[dreg:$0x1] =	wrdreg $0xFFFFFFFF  }
0xad: {  	[dreg:$0x0] =	wrdreg $0x60  }
0xae: {  	[dreg:$0x2] =	wrdreg s24  }
0xaf: {  	[dreg:$0x3] =	wrdreg s2  }
0xb0: {  	[dreg:$0x4] =	wrdreg $0x0  }
0xb1: {  	[dreg:$0x5] =	wrdreg $0x9  }
0xb2: {  	_ =	task.clear_ibuf [dreg:s7], $0x6FFFF;
	_ =	strace $0x90000046  }
0xb3: {  	s29 =	simm.s32 $0x9;
	_ =	strace $0x80000048  }
0xb4: {  	_ =	swait.ge [sflag:s29], $0x1  }
0xb5: {  	[sflag:s29] =	ssyncadd.s32 $0xFFFFFFFF  }
0xb6: {  	_ =	strace $0x90000048  }
0xb7: {  	_ =	sfence  }
0xb8: {  	s30 =	sld [smem:$0x0];
	_ =	sdelay $0x2  }
0xb9: {  	s31 =	sshll.u32 s1, $0xD;
	s1 =	sshrl.u32 s1, $0x2  }
0xba: {  	s3 =	sand.u32 $0x4000, s31;
	s1 =	sadd.s32 s1, s30  }
0xbb: {  	s0 =	sor.u32 s3, s0;
	s1 =	sshll.u32 s1, $0x11  }
0xbc: {  	s0 =	sor.u32 s1, s0  }
0xbd: {  	s0 =	sadd.s32 $0x8F2B, s0  }
0xbe: {  	[sflag:s0] =	ssyncadd.remote.s32 $0x1  }
0xbf: {  	_ =	sfence.sel $0xFFFF  }
0xc0: {  	[dreg:$0x0] =	wrdreg $0xFFFFFFFF;
	(pc) =	sbr.abs _section_cstart, $3  }
0xc1: {  	[dreg:$0x1] =	wrdreg $0xFFFFFFFF  }
0xc2: {  	_ =	task.clear_ibuf [dreg:s7], $0x2FFFF;
	_ =	strace $0x9FFFFFFF  }
0xc3: {  	(tm) =	ssettm $0x7FFFFFFF  }
tec
execute0_lowered:
.L_overlay_start_1:
0x0: {  	(tag) =	ssettag $0x1  }
0x1: {  	s5 =	rddreg [dreg:$0x0]  }
0x2: {  	s11 =	rddreg [dreg:$0x1]  }
0x3: {  	s1 =	rddreg [dreg:$0x2]  }
0x4: {  	s0 =	rddreg [dreg:$0x3];
	s2 =	simm.s32 $0x0;
	s6 =	srdreg.scid  }
0x5: {  	s3 =	stileid.u32;
	s17 =	simm.s32 $0xF400;
	s18 =	simm.s32 $0x1  }
0x6: {  	s19 =	simm.s32 $0xDB80;
	s20 =	simm.s32 $0x13C00;
	s21 =	simm.s32 $0xF380  }
0x7: {  	[smem:$0x7FF] =	sst s2;
	s4 =	sadd.s32 $0x2A200, s5;
	s7 =	sand.u32 $0x1, s6  }
0x8: {  	s9 =	sadd.s32 $0x56200, s5;
	s8 =	smul.u32 $0x2D000, s3;
	s10 =	sadd.s32 $0x5B200, s5  }
0x9: {  	s5 =	sadd.s32 $0x6A200, s5;
	s30 =	sshll.u32 s3, $0x6;
	s13 =	smul.u32 $0x1680, s3  }
0xa: {  	s31 =	sshll.u32 s3, $0xA;
	s15 =	sshll.u32 s3, $0x8;
	_ =	strace $0x80000047  }
0xb: {  	s6 =	ssub.s32 $0x2, s7;
	s16 =	smul.u32 $0x16800, s7;
	p0 =	seq.s32 s7, $0x1  }
0xc: {  	s7 =	sadd.s32 s9, s31;
	s15 =	sor.u32 $0x4000, s15;
	s12 =	sshrl.u32 s6, $0x1  }
.Ltmp0:
0xd: {  	s29 =	sshrl.u32 s8, $0x2;
	s8 =	sadd.s32 s10, s31;
	(pc) =	sbr.rel .LBB2_1-.Ltmp0, $4  }
0xe: {  	s9 =	sadd.s32 s9, s15;
	s10 =	sadd.s32 s10, s15;
	s15 =	simm.s32 $0xB400  }
0xf: {  	s12 =	ssub.s32 s6, s12;
	s14 =	sadd.s32 s29, s1;
	s13 =	sadd.s32 s13, s16  }
0x10: {  	s6 =	sor.u32 $0x1C02, s30;
	s16 =	simm.s32 $0x80;
	s11 =	sadd.s32 s11, s13  }
0x11: {  	s12 =	smax.u32 s12, $0x1;
	s13 =	sshrl.u32 s14, $0x3;
	s14 =	simm.s32 $0x2  }
.LBB2_7:
0x12: {  	s25 =	sxor.u32 $0x1, s24;
	[sflag:s14] =	ssyncset.done $0x0  }
0x13: {  	s25 =	smul.u32 $0x12000, s25;
	[sflag:s14] =	ssyncadd.s32 $0xFFFFB800  }
0x14: {  	s30 =	smul.u32 $0x12000, s24;
	_ =	swait.ge [sflag:s18], $0x4800  }
0x15: {  	[sflag:s18] =	ssyncset.done $0x0;
	s25 =	sshrl.u32 s25, $0x2  }
0x16: {  	s31 =	sshrl.u32 s30, $0x2;
	[sflag:s18] =	ssyncadd.s32 $0xFFFFB800;
	s25 =	sadd.s32 $0xF400, s25  }
0x17: {  	[tilespmem:s25], [sflag:$0x1] =	stream.indirect.gather [hbm4b:s4+s16], $0x90, s22, s16, $0xb8;
	[tilespmem:$0x18400] =	vst v63  }
0x18: {  	s22 =	sadd.s32 $0xF400, s31  }
0x19: {  	[spmem:s1] =	stream.indirect.scatter.add.f32 [tilespmem:s22], [sflag:$0x2], $0x90, s23, s16, $0xb8;
	[tilespmem:$0x18400] =	vst v63  }
0x1a: {  	_ =	swait.ge [sflag:s14], $0x4800  }
0x1b: {  	[sflag:s14] =	ssyncset.done $0x0  }
0x1c: {  	[sflag:s14] =	ssyncadd.s32 $0xFFFFB800  }
0x1d: {  	_ =	swait.ge [sflag:s18], $0x4800  }
0x1e: {  	[sflag:s18] =	ssyncset.done $0x0  }
0x1f: {  	[sflag:s18] =	ssyncadd.s32 $0xFFFFB800  }
0x20: {  	[spmem:s1] =	stream.indirect.scatter.add.f32 [tilespmem:s20], [sflag:$0x2], $0x90, s19, s16, $0xb8;
	[tilespmem:$0x18400] =	vst v63  }
.LBB2_8:
0x21: {  	_ =	swait.ge [sflag:s14], $0x4800  }
0x22: {  	s2 =	sadd.s32 $0x1, s2;
	[sflag:s14] =	ssyncset.done $0x0  }
0x23: {  	p1 =	sne.s32 s2, s12;
	[sflag:s14] =	ssyncadd.s32 $0xFFFFB800  }
.Ltmp1:
0x24: {  	[bflag:$0x0] =	sbarrier.arrive $0xFFFF;
	(pc) =	sbr.rel @!p1 .LBB2_9-.Ltmp1, $4  }
0x25: {  	[hbm:s11], [sflag:s6] =	dma.local [spmem:s13], $0x1680  }
0x26: {  	_ =	swait.ge [sflag:s14], $0x1680  }
0x27: {  	[sflag:s14] =	ssyncset.done $0x0  }
0x28: {  	[sflag:s14] =	ssyncadd.s32 $0xFFFFE980  }
.LBB2_1:
0x29: {  	[spmem:s13], [sflag:s6] =	dma.local [hbm:s5], $0x1680  }
.Ltmp2:
0x2a: {  	_ =	swait.ge [sflag:s14], $0x1680;
	(pc) =	sbr.rel @!p0 .LBB2_2-.Ltmp2, $4  }
0x2b: {  	[sflag:s14] =	ssyncset.done $0x0  }
0x2c: {  	[sflag:s14] =	ssyncadd.s32 $0xFFFFE980  }
0x2d: {  	[bflag:$0x0] =	sbarrier.arrive $0xFFFF  }
0x2e: {  	s22 =	simm.s32 $0x0  }
0x2f: {  	[tilespmem:s15], [sflag:$0x2] =	stream.linear.gather [hbm4b:s9+s22], $0x800, $0x38;
	[tilespmem:$0x18400] =	vst v63  }
0x30: {  	_ =	swait.ge [sflag:s14], $0x800  }
0x31: {  	[sflag:s14] =	ssyncset.done $0x0  }
0x32: {  	s23 =	simm.s32 $0xD400;
	[sflag:s14] =	ssyncadd.s32 $0xFFFFF800  }
0x33: {  	[tilespmem:s23], [sflag:$0x2] =	stream.linear.gather [hbm4b:s10+s22], $0x800, $0x38;
	[tilespmem:$0x18400] =	vst v63  }
0x34: {  	s30 =	sand.u32 $0x1, s22;
	_ =	swait.ge [sflag:s14], $0x800  }
0x35: {  	s24 =	sxor.u32 $0x1, s30;
	[sflag:s14] =	ssyncset.done $0x0  }
0x36: {  	s24 =	smul.u32 $0x12000, s24;
	[sflag:s14] =	ssyncadd.s32 $0xFFFFF800  }
0x37: {  	[tilespmem:s17], [sflag:$0x1] =	stream.indirect.gather [hbm4b:s4+s16], $0x90, s15, s16, $0xb8;
	[tilespmem:$0x18400] =	vst v63  }
0x38: {  	s25 =	simm.s32 $0xB480;
	s22 =	smul.u32 $0x12000, s30;
	_ =	swait.ge [sflag:s18], $0x4800  }
0x39: {  	s31 =	simm.s32 $0x1;
	s24 =	sshrl.u32 s24, $0x2;
	[sflag:s18] =	ssyncset.done $0x0  }
0x3a: {  	s24 =	sadd.s32 $0xF400, s24;
	s22 =	sshrl.u32 s22, $0x2;
	[sflag:s18] =	ssyncadd.s32 $0xFFFFB800  }
0x3b: {  	[tilespmem:s24], [sflag:$0x1] =	stream.indirect.gather [hbm4b:s4+s16], $0x90, s25, s16, $0xb8;
	[tilespmem:$0x18400] =	vst v63  }
0x3c: {  	s22 =	sadd.s32 $0xF400, s22;
	s25 =	simm.s32 $0x2;
	s24 =	sand.u32 $0x1, s31  }
0x3d: {  	[spmem:s1] =	stream.indirect.scatter.add.f32 [tilespmem:s22], [sflag:$0x2], $0x90, s23, s16, $0xb8;
	[tilespmem:$0x18400] =	vst v63  }
0x3e: {  	s22 =	simm.s32 $0xB500;
	s23 =	simm.s32 $0xD480;
	_ =	swait.ge [sflag:s14], $0x4800  }
.LBB2_6:
0x3f: {  	s26 =	sxor.u32 $0x1, s24  }
0x40: {  	[sflag:s14] =	ssyncset.done $0x0;
	s28 =	smov.u32 s25;
	s29 =	sadd.s32 $0x1, s25  }
0x41: {  	p1 =	sne.s32 s25, $0xE;
	s25 =	smul.u32 $0x12000, s26;
	[sflag:s14] =	ssyncadd.s32 $0xFFFFB800  }
0x42: {  	_ =	swait.ge [sflag:s18], $0x4800  }
0x43: {  	s24 =	smul.u32 $0x12000, s24;
	[sflag:s18] =	ssyncset.done $0x0;
	s25 =	sshrl.u32 s25, $0x2  }
0x44: {  	[sflag:s18] =	ssyncadd.s32 $0xFFFFB800;
	s25 =	sadd.s32 $0xF400, s25  }
0x45: {  	[tilespmem:s25], [sflag:$0x1] =	stream.indirect.gather [hbm4b:s4+s16], $0x90, s22, s16, $0xb8;
	[tilespmem:$0x18400] =	vst v63  }
.Ltmp3:
0x46: {  	_ = 	snop;
	(pc) =	sbr.rel @p1 .LBB2_6-.Ltmp3, $4  }
0x47: {  	s24 =	sshrl.u32 s24, $0x2  }
0x48: {  	s24 =	sadd.s32 $0xF400, s24;
	s22 =	sadd.s32 $0x80, s22;
	s25 =	smov.u32 s29  }
0x49: {  	[spmem:s1] =	stream.indirect.scatter.add.f32 [tilespmem:s24], [sflag:$0x2], $0x90, s23, s16, $0xb8;
	[tilespmem:$0x18400] =	vst v63  }
0x4a: {  	s24 =	sand.u32 $0x1, s28;
	s23 =	sadd.s32 $0x80, s23;
	_ =	swait.ge [sflag:s14], $0x4800  }
.Ltmp4:
0x4b: {  	_ = 	snop;
	(pc) =	sbr.rel .LBB2_7-.Ltmp4, $1  }
0x4c: {  	_ =	sdelay $0x3  }
.LBB2_2:
0x4d: {  	[tilespmem:s15], [sflag:$0x2] =	stream.linear.gather [hbm4b:s7+s22], $0x2000, $0x38;
	[tilespmem:$0x18400] =	vst v63  }
0x4e: {  	_ =	swait.ge [sflag:s14], $0x2000  }
0x4f: {  	[sflag:s14] =	ssyncset.done $0x0  }
0x50: {  	s23 =	simm.s32 $0xD400;
	[sflag:s14] =	ssyncadd.s32 $0xFFFFE000  }
0x51: {  	[tilespmem:s23], [sflag:$0x2] =	stream.linear.gather [hbm4b:s8+s22], $0x2000, $0x38;
	[tilespmem:$0x18400] =	vst v63  }
0x52: {  	s30 =	sand.u32 $0x1, s22;
	_ =	swait.ge [sflag:s14], $0x2000  }
0x53: {  	s24 =	sxor.u32 $0x1, s30;
	[sflag:s14] =	ssyncset.done $0x0  }
0x54: {  	s24 =	smul.u32 $0x12000, s24;
	[sflag:s14] =	ssyncadd.s32 $0xFFFFE000  }
0x55: {  	[tilespmem:s17], [sflag:$0x1] =	stream.indirect.gather [hbm4b:s4+s16], $0x90, s15, s16, $0xb8;
	[tilespmem:$0x18400] =	vst v63  }
0x56: {  	s25 =	simm.s32 $0xB480;
	s22 =	smul.u32 $0x12000, s30;
	_ =	swait.ge [sflag:s18], $0x4800  }
0x57: {  	s31 =	simm.s32 $0x1;
	s24 =	sshrl.u32 s24, $0x2;
	[sflag:s18] =	ssyncset.done $0x0  }
0x58: {  	s24 =	sadd.s32 $0xF400, s24;
	s22 =	sshrl.u32 s22, $0x2;
	[sflag:s18] =	ssyncadd.s32 $0xFFFFB800  }
0x59: {  	[tilespmem:s24], [sflag:$0x1] =	stream.indirect.gather [hbm4b:s4+s16], $0x90, s25, s16, $0xb8;
	[tilespmem:$0x18400] =	vst v63  }
0x5a: {  	s22 =	sadd.s32 $0xF400, s22;
	s25 =	simm.s32 $0x2;
	s24 =	sand.u32 $0x1, s31  }
0x5b: {  	[spmem:s1] =	stream.indirect.scatter.add.f32 [tilespmem:s22], [sflag:$0x2], $0x90, s23, s16, $0xb8;
	[tilespmem:$0x18400] =	vst v63  }
0x5c: {  	s22 =	simm.s32 $0xB500;
	s23 =	simm.s32 $0xD480;
	_ =	swait.ge [sflag:s14], $0x4800  }
.LBB2_3:
0x5d: {  	s26 =	sxor.u32 $0x1, s24  }
0x5e: {  	[sflag:s14] =	ssyncset.done $0x0;
	s28 =	smov.u32 s25;
	s29 =	sadd.s32 $0x1, s25  }
0x5f: {  	p1 =	seq.s32 s25, $0x3E;
	s25 =	smul.u32 $0x12000, s26;
	[sflag:s14] =	ssyncadd.s32 $0xFFFFB800  }
0x60: {  	_ =	swait.ge [sflag:s18], $0x4800  }
0x61: {  	s24 =	smul.u32 $0x12000, s24;
	[sflag:s18] =	ssyncset.done $0x0;
	s25 =	sshrl.u32 s25, $0x2  }
0x62: {  	[sflag:s18] =	ssyncadd.s32 $0xFFFFB800;
	s25 =	sadd.s32 $0xF400, s25  }
0x63: {  	[tilespmem:s25], [sflag:$0x1] =	stream.indirect.gather [hbm4b:s4+s16], $0x90, s22, s16, $0xb8;
	[tilespmem:$0x18400] =	vst v63  }
.Ltmp5:
0x64: {  	_ = 	snop;
	(pc) =	sbr.rel @!p1 .LBB2_3-.Ltmp5, $4  }
0x65: {  	s24 =	sshrl.u32 s24, $0x2  }
0x66: {  	s24 =	sadd.s32 $0xF400, s24;
	s22 =	sadd.s32 $0x80, s22;
	s25 =	smov.u32 s29  }
0x67: {  	[spmem:s1] =	stream.indirect.scatter.add.f32 [tilespmem:s24], [sflag:$0x2], $0x90, s23, s16, $0xb8;
	[tilespmem:$0x18400] =	vst v63  }
0x68: {  	s24 =	sand.u32 $0x1, s28;
	s23 =	sadd.s32 $0x80, s23;
	_ =	swait.ge [sflag:s14], $0x4800  }
0x69: {  	s25 =	sxor.u32 $0x1, s24;
	[sflag:s14] =	ssyncset.done $0x0  }
0x6a: {  	s25 =	smul.u32 $0x12000, s25;
	[sflag:s14] =	ssyncadd.s32 $0xFFFFB800  }
0x6b: {  	s30 =	smul.u32 $0x12000, s24;
	_ =	swait.ge [sflag:s18], $0x4800  }
0x6c: {  	[sflag:s18] =	ssyncset.done $0x0;
	s25 =	sshrl.u32 s25, $0x2  }
0x6d: {  	s31 =	sshrl.u32 s30, $0x2;
	[sflag:s18] =	ssyncadd.s32 $0xFFFFB800;
	s25 =	sadd.s32 $0xF400, s25  }
0x6e: {  	[tilespmem:s25], [sflag:$0x1] =	stream.indirect.gather [hbm4b:s4+s16], $0x90, s22, s16, $0xb8;
	[tilespmem:$0x18400] =	vst v63  }
0x6f: {  	s22 =	sadd.s32 $0xF400, s31  }
0x70: {  	[spmem:s1] =	stream.indirect.scatter.add.f32 [tilespmem:s22], [sflag:$0x2], $0x90, s23, s16, $0xb8;
	[tilespmem:$0x18400] =	vst v63  }
0x71: {  	_ =	swait.ge [sflag:s14], $0x4800  }
0x72: {  	[sflag:s14] =	ssyncset.done $0x0  }
.Ltmp6:
0x73: {  	[sflag:s14] =	ssyncadd.s32 $0xFFFFB800;
	(pc) =	sbr.rel .LBB2_8-.Ltmp6, $4  }
0x74: {  	_ =	swait.ge [sflag:s18], $0x4800  }
0x75: {  	[sflag:s18] =	ssyncset.done $0x0  }
0x76: {  	[sflag:s18] =	ssyncadd.s32 $0xFFFFB800  }
0x77: {  	[spmem:s1] =	stream.indirect.scatter.add.f32 [tilespmem:s20], [sflag:$0x2], $0x90, s21, s16, $0xb8;
	[tilespmem:$0x18400] =	vst v63  }
.LBB2_9:
0x78: {  	_ =	sfence.sel $0x180000  }
0x79: {  	[bflag:$0x0] =	sbarrier.arrive $0xFFFF  }
0x7a: {  	p0 =	sne.s32 s3, $0x0;
	_ =	strace $0x90000047  }
0x7b: {  	s0 =	sadd.s32 @!p0 $0x100000, s0;
	[bflag:$0x2] =	sbarrier.arrive $0xFFFF  }
0x7c: {  	[sflag:s0] =	ssyncadd.tile.s32 @!p0 $0x1;
	_ =	shalt  }
.Lfunc_end2:
_tile_overlayer_lowered:
.L_overlay_start_2:
0x7d: {  	(tag) =	ssettag $0x2  }
0x7e: {  	s0 =	rddreg [dreg:$0x0];
	s2 =	stileid.u32  }
0x7f: {  	s1 =	rddreg [dreg:$0x1];
	p0 =	sne.s32 s2, $0x0  }
0x80: {  	s3 =	rddreg [dreg:$0x2];
	[bflag:$0x3] =	sbarrier.arrive $0xFFFF;
	s2 =	simm.s32 @!p0 $0x1C02  }
0x81: {  	[timem:s3], [sflag:s2] =	dma.local @!p0 [hbm:s0], s1  }
0x82: {  	s0 =	simm.s32 @!p0 $0x2  }
0x83: {  	_ =	swait.ge @!p0 [sflag:s0], s1  }
0x84: {  	s1 =	ssub.s32 @!p0 $0x0, s1;
	[sflag:s0] =	ssyncset.done @!p0 $0x0  }
0x85: {  	[sflag:s0] =	ssyncadd.s32 @!p0 s1  }
0x86: {  	[bflag:$0x3] =	sbarrier.arrive $0xFFFF  }
0x87: {  	_ =	shalt  }

// kernel: kernel.14.cloned.1.call-start
scs
__scs_entry_jumppad:
0x0: {  	(pc) =	sbr.rel $0x88, $3  }
0x1: {  	(tag) =	ssettag $0x0;
	lr =	simm.s32 $0x1  }
0x2: {  	[smem:$0x3F98] =	sst lr;
	_ =	strace $0xD0000000  }
0x3: {  	_ = 	snop  }
0x4: {  	_ = 	snop  }
0x5: {  	_ = 	snop  }
0x6: {  	_ = 	snop  }
0x7: {  	_ = 	snop  }
__scs_overlays_trampoline_lowered:
0x8: {  	[smem:$0x3FA7] =	sst s0  }
0x9: {  	[smem:$0x3FA8] =	sst s1  }
0xa: {  	[smem:$0x3FA9] =	sst s2  }
0xb: {  	[smem:$0x3FAA] =	sst s3  }
0xc: {  	[smem:$0x3FAB] =	sst s4  }
0xd: {  	[smem:$0x3FAC] =	sst s5  }
0xe: {  	[smem:$0x3FAD] =	sst s6  }
0xf: {  	[smem:$0x3FAE] =	sst s7  }
0x10: {  	[smem:$0x3FAF] =	sst s8  }
0x11: {  	[smem:$0x3FB0] =	sst s9;
	s0 =	simm.s32 @!p0 $0x0  }
0x12: {  	s1 =	sld [smem:$0x3F96];
	s0 =	simm.s32 @p0 $0x1  }
0x13: {  	[smem:$0x3FB1] =	sst s0;
	s0 =	simm.s32 @!p1 $0x0  }
0x14: {  	s2 =	sld [smem:$0x3F95];
	s0 =	simm.s32 @p1 $0x1  }
0x15: {  	[smem:$0x3FB2] =	sst s0;
	s0 =	simm.s32 @!p2 $0x0  }
0x16: {  	s3 =	sld [smem:$0x3FDB];
	s0 =	simm.s32 @p2 $0x1  }
0x17: {  	s4 =	simm.s32 $0x1BF5;
	[smem:$0x3FB4] =	sst s0  }
0x18: {  	s0 =	sld [smem:$0x3F97];
	_ =	swait.ge [sflag:s4], $0x0  }
0x19: {  	s7 =	sld [smem:$0x3F98]  }
0x1a: {  	s8 =	sadd.s32 $0xFFFFE003, lr  }
0x1b: {  	s9 =	sadd.s32 $0xFFFFFEF7, lr;
	s5 =	simm.s32 $0xFFFFFFFF;
	p2 =	slt.u32 s8, $0xFFFFF086  }
0x1c: {  	p1 =	slt.u32 s9, $0xF7A;
	s5 =	simm.s32 @!p2 $0x0  }
0x1d: {  	s5 =	simm.s32 @p1 $0x1;
	p0 =	seq.s32 s7, s2  }
0x1e: {  	s7 =	smul.u32 @!p0 $0xF7A, s2;
	p2 =	seq.s32 @!p0 s5, $0x0  }
0x1f: {  	s9 =	smul.u32 $0xF7A, s1;
	s8 =	simm.s32 @!p0 $0x1BF5;
	p2 =	por !p2, p0  }
0x20: {  	[sflag:s8] =	ssyncset.s32 @!p0 $0xFFFFF086;
	s6 =	sadd.s32 @!p0 s3, s7;
	s7 =	simm.s32 @!p0 $0x108  }
0x21: {  	s3 =	sadd.s32 s3, s9;
	s6 =	sadd.s32 @!p0 $0x88, s6;
	s7 =	simm.s32 @p2 $0x1082  }
0x22: {  	[simem:s7], [sflag:s8] =	dma.local @!p0 [hbm:s6], $0xF7A  }
0x23: {  	s9 =	sor.u32 $0xD0000000, s2;
	s6 =	simm.s32 $0x108;
	_ =	swait.ge @!p0 [sflag:s8], $0x0  }
0x24: {  	s3 =	sadd.s32 $0x88, s3;
	s6 =	simm.s32 @!p1 $0x1082;
	[sflag:s4] =	ssyncset.s32 $0xFFFFF086  }
0x25: {  	[simem:s6], [sflag:s4] =	dma.local [hbm:s3], $0xF7A  }
0x26: {  	[smem:$0x3F98] =	sst s1;
	(tag) =	ssettag s2;
	_ =	strace s9  }
0x27: {  	s1 =	sld [smem:$0x3FA8]  }
0x28: {  	s2 =	sld [smem:$0x3FA9]  }
0x29: {  	s4 =	sld [smem:$0x3FAB]  }
0x2a: {  	p0 =	seq.s32 s5, $0x0;
	s5 =	sld [smem:$0x3FAC]  }
0x2b: {  	s6 =	sld [smem:$0x3FAD]  }
0x2c: {  	s7 =	sld [smem:$0x3FAE]  }
0x2d: {  	s3 =	simm.s32 $0x108;
	s8 =	sld [smem:$0x3FAF]  }
0x2e: {  	s3 =	simm.s32 @!p0 $0x1082;
	s9 =	sld [smem:$0x3FB0]  }
0x2f: {  	lr =	sadd.s32 s0, s3;
	s0 =	sld [smem:$0x3FA7]  }
0x30: {  	s3 =	sld [smem:$0x3FAA]  }
0x31: {  	[smem:$0x3FB3] =	sst s10  }
0x32: {  	s10 =	sld [smem:$0x3FB1];
	_ =	sdelay $0x3  }
0x33: {  	p0 =	seq.s32 s10, $0x1;
	s10 =	sld [smem:$0x3FB3];
	_ =	sdelay $0x3  }
0x34: {  	[smem:$0x3FB3] =	sst s10  }
0x35: {  	s10 =	sld [smem:$0x3FB2];
	_ =	sdelay $0x3  }
0x36: {  	p1 =	seq.s32 s10, $0x1;
	s10 =	sld [smem:$0x3FB3];
	_ =	sdelay $0x3  }
0x37: {  	[smem:$0x3FB3] =	sst s10  }
0x38: {  	s10 =	sld [smem:$0x3FB4]  }
0x39: {  	_ = 	snop;
	(pc) =	sbr.ind lr, $3  }
0x3a: {  	_ = 	snop  }
0x3b: {  	_ = 	snop  }
0x3c: {  	p2 =	seq.s32 s10, $0x1;
	s10 =	sld [smem:$0x3FB3]  }
0x3d: {  	_ =	shalt  }
0x3e: {  	_ =	shalt  }
0x3f: {  	_ =	shalt  }
0x40: {  	_ =	shalt  }
0x41: {  	_ =	shalt  }
0x42: {  	_ =	shalt  }
0x43: {  	_ =	shalt  }
0x44: {  	_ =	shalt  }
0x45: {  	_ =	shalt  }
0x46: {  	_ =	shalt  }
0x47: {  	_ =	shalt  }
0x48: {  	_ =	shalt  }
0x49: {  	_ =	shalt  }
0x4a: {  	_ =	shalt  }
0x4b: {  	_ =	shalt  }
0x4c: {  	_ =	shalt  }
0x4d: {  	_ =	shalt  }
0x4e: {  	_ =	shalt  }
0x4f: {  	_ =	shalt  }
0x50: {  	_ =	shalt  }
0x51: {  	_ =	shalt  }
0x52: {  	_ =	shalt  }
0x53: {  	_ =	shalt  }
0x54: {  	_ =	shalt  }
0x55: {  	_ =	shalt  }
0x56: {  	_ =	shalt  }
0x57: {  	_ =	shalt  }
0x58: {  	_ =	shalt  }
0x59: {  	_ =	shalt  }
0x5a: {  	_ =	shalt  }
0x5b: {  	_ =	shalt  }
0x5c: {  	_ =	shalt  }
0x5d: {  	_ =	shalt  }
0x5e: {  	_ =	shalt  }
0x5f: {  	_ =	shalt  }
0x60: {  	_ =	shalt  }
0x61: {  	_ =	shalt  }
0x62: {  	_ =	shalt  }
0x63: {  	_ =	shalt  }
0x64: {  	_ =	shalt  }
0x65: {  	_ =	shalt  }
0x66: {  	_ =	shalt  }
0x67: {  	_ =	shalt  }
0x68: {  	_ =	shalt  }
0x69: {  	_ =	shalt  }
0x6a: {  	_ =	shalt  }
0x6b: {  	_ =	shalt  }
0x6c: {  	_ =	shalt  }
0x6d: {  	_ =	shalt  }
0x6e: {  	_ =	shalt  }
0x6f: {  	_ =	shalt  }
0x70: {  	_ =	shalt  }
0x71: {  	_ =	shalt  }
0x72: {  	_ =	shalt  }
0x73: {  	_ =	shalt  }
0x74: {  	_ =	shalt  }
0x75: {  	_ =	shalt  }
0x76: {  	_ =	shalt  }
0x77: {  	_ =	shalt  }
0x78: {  	_ =	shalt  }
0x79: {  	_ =	shalt  }
0x7a: {  	_ =	shalt  }
0x7b: {  	_ =	shalt  }
0x7c: {  	_ =	shalt  }
0x7d: {  	_ =	shalt  }
0x7e: {  	_ =	shalt  }
0x7f: {  	_ =	shalt  }
0x80: {  	_ =	shalt  }
0x81: {  	_ =	shalt  }
0x82: {  	_ =	shalt  }
0x83: {  	_ =	shalt  }
0x84: {  	_ =	shalt  }
0x85: {  	_ =	shalt  }
0x86: {  	_ =	shalt  }
0x87: {  	_ =	shalt  }
.Lfunc_end0:
.L_simem_size_0:
called_computation.1_lowered:
.L_overlay_start_0:
0x88: {  	s2 =	sld [smem:$0x3FD9]  }
0x89: {  	s3 =	sld [smem:$0x3FFE];
	_ =	sdelay $0x1  }
0x8a: {  	s1 =	srdreg.scid  }
0x8b: {  	s0 =	sand.u32 $0x1, s1  }
0x8c: {  	s17 =	sshll.u32 s0, $0xA;
	s2 =	sadd.s32 s3, s2  }
0x8d: {  	s2 =	sadd.s32 s2, s17  }
0x8e: {  	[smem:$0x3FBF] =	sst s2  }
0x8f: {  	_ = 	snop  }
0x90: {  	s2 =	sld [smem:$0x3FD0];
	(tm) =	ssettm $0x1  }
0x91: {  	s18 =	sld [smem:$0x3FFB];
	_ =	sdelay $0x3  }
0x92: {  	_ =	strace s18  }
0x93: {  	s3 =	sld [smem:$0x3FFC];
	_ =	sdelay $0x3  }
0x94: {  	_ =	strace s3  }
0x95: {  	s3 =	sld [smem:$0x3FFD];
	_ =	sdelay $0x3  }
0x96: {  	_ =	strace s3  }
0x97: {  	_ =	strace $0x8FFFFFFF  }
0x98: {  	s19 =	sld [smem:$0x3FDB];
	_ =	sdelay $0x1  }
0x99: {  	s4 =	simm.s32 $_scs_section_size  }
0x9a: {  	s5 =	simm.s32 $_size__tile_overlayer_lowered;
	s6 =	simm.s32 $_tile_overlayer_lowered  }
0x9b: {  	s22 =	simm.s32 $0x1BFF;
	s21 =	sshll.u32 s6, $0x1;
	s3 =	sadd.s32 s4, s19  }
0x9c: {  	s7 =	simm.s32 $0x0;
	s20 =	sshll.u32 s5, $0x1;
	s5 =	sadd.s32 s21, s3  }
0x9d: {  	[timem:s7], [sflag:s22] =	dma.local [hbm:s5], s20  }
0x9e: {  	_ =	swait.ge [sflag:s22], s20  }
0x9f: {  	s4 =	ssub.s32 $0x0, s20;
	[sflag:s22] =	ssyncset.done $0x0  }
0xa0: {  	[sflag:s22] =	ssyncadd.s32 s4;
	_ =	sdelay $0x1  }
0xa1: {  	s23 =	simm.s32 $0x1B8B  }
0xa2: {  	_ =	swait.ge [sflag:s23], $0x1  }
0xa3: {  	[sflag:s23] =	ssyncset.done $0x0  }
0xa4: {  	s25 =	simm.s32 $0x1B8E;
	s24 =	sld [smem:$0x3FFE];
	[sflag:s23] =	ssyncadd.s32 $0xFFFFFFFF  }
0xa5: {  	s26 =	simm.s32 $execute0_lowered;
	[smem:$0x3FD2] =	sst s25  }
0xa6: {  	s5 =	sshll.u32 s26, $0x1;
	_ =	strace $0x80000049;
	[dreg:$0x1] =	wrdreg $0xFFFFFFFF  }
0xa7: {  	s28 =	simm.s32 $_size_execute0_lowered;
	s3 =	sadd.s32 s3, s5;
	[dreg:$0x0] =	wrdreg $0x0  }
0xa8: {  	s5 =	sshll.u32 s28, $0x1;
	[dreg:$0x2] =	wrdreg s3  }
0xa9: {  	[dreg:$0x3] =	wrdreg s5  }
0xaa: {  	[dreg:$0x4] =	wrdreg $0xC0  }
0xab: {  	_ =	task [dreg:s7], $0x5FFFF  }
0xac: {  	[dreg:$0x1] =	wrdreg $0xFFFFFFFF  }
0xad: {  	[dreg:$0x0] =	wrdreg $0x60  }
0xae: {  	[dreg:$0x2] =	wrdreg s2  }
0xaf: {  	[dreg:$0x3] =	wrdreg s24  }
0xb0: {  	[dreg:$0x4] =	wrdreg $0x0  }
0xb1: {  	[dreg:$0x5] =	wrdreg $0x9  }
0xb2: {  	_ =	task.clear_ibuf [dreg:s7], $0x6FFFF;
	_ =	strace $0x90000049  }
0xb3: {  	s29 =	simm.s32 $0x9;
	_ =	strace $0x8000004B  }
0xb4: {  	_ =	swait.ge [sflag:s29], $0x1  }
0xb5: {  	[sflag:s29] =	ssyncadd.s32 $0xFFFFFFFF  }
0xb6: {  	_ =	strace $0x9000004B  }
0xb7: {  	_ =	sfence  }
0xb8: {  	s30 =	sld [smem:$0x0];
	_ =	sdelay $0x2  }
0xb9: {  	s31 =	sshll.u32 s1, $0xD;
	s1 =	sshrl.u32 s1, $0x2  }
0xba: {  	s3 =	sand.u32 $0x4000, s31;
	s1 =	sadd.s32 s1, s30  }
0xbb: {  	s0 =	sor.u32 s3, s0;
	s1 =	sshll.u32 s1, $0x11  }
0xbc: {  	s0 =	sor.u32 s1, s0  }
0xbd: {  	s0 =	sadd.s32 $0x8F2B, s0  }
0xbe: {  	[sflag:s0] =	ssyncadd.remote.s32 $0x1  }
0xbf: {  	_ =	sfence.sel $0xFFFF  }
0xc0: {  	[dreg:$0x0] =	wrdreg $0xFFFFFFFF;
	(pc) =	sbr.abs _section_cstart, $3  }
0xc1: {  	[dreg:$0x1] =	wrdreg $0xFFFFFFFF  }
0xc2: {  	_ =	task.clear_ibuf [dreg:s7], $0x2FFFF;
	_ =	strace $0x9FFFFFFF  }
0xc3: {  	(tm) =	ssettm $0x7FFFFFFF  }
tec
execute0_lowered:
.L_overlay_start_1:
0x0: {  	(tag) =	ssettag $0x1  }
0x1: {  	s1 =	rddreg [dreg:$0x0]  }
0x2: {  	s6 =	rddreg [dreg:$0x1]  }
0x3: {  	s3 =	rddreg [dreg:$0x2]  }
0x4: {  	s0 =	rddreg [dreg:$0x3]  }
0x5: {  	s4 =	simm.s32 $0x0;
	s5 =	srdreg.scid;
	s2 =	stileid.u32  }
0x6: {  	s17 =	simm.s32 $0x19E20;
	s18 =	simm.s32 $0x1;
	s19 =	simm.s32 $0x187E0  }
0x7: {  	s20 =	simm.s32 $0x1C220;
	s21 =	simm.s32 $0x19DE0;
	s8 =	smul.u32 $0x2C04, s2  }
0x8: {  	[smem:$0x7FF] =	sst s4;
	s7 =	sand.u32 $0x1, s5;
	s12 =	smul.u32 $0x58080, s2  }
0x9: {  	s10 =	sadd.s32 $0x65200, s6;
	s11 =	sadd.s32 $0x60200, s6;
	s14 =	smul.u32 $0x900, s2  }
0xa: {  	s5 =	sadd.s32 $0x6A200, s6;
	s28 =	sshll.u32 s2, $0x6;
	s29 =	smul.u32 $0x3E0, s2  }
0xb: {  	_ =	strace $0x8000004A;
	s9 =	smul.u32 $0x2C040, s7;
	s26 =	ssub.s32 $0x2, s7  }
0xc: {  	p0 =	seq.s32 s7, $0x1;
	s13 =	sshrl.u32 s26, $0x1;
	s12 =	sshrl.u32 s12, $0x2  }
0xd: {  	s30 =	sshrl.u32 s14, $0x3;
	s7 =	sadd.s32 s10, s29;
	s14 =	simm.s32 $0x2  }
.Ltmp0:
0xe: {  	s8 =	sadd.s32 s8, s9;
	s13 =	ssub.s32 s26, s13;
	(pc) =	sbr.rel .LBB2_1-.Ltmp0, $4  }
0xf: {  	s16 =	sadd.s32 s12, s3;
	s31 =	sadd.s32 $0x3E00, s30;
	s15 =	sadd.s32 s8, s6  }
0x10: {  	s6 =	sor.u32 $0x1C02, s28;
	s8 =	sadd.s32 s11, s29;
	s9 =	sadd.s32 s10, s31  }
0x11: {  	s10 =	sadd.s32 s11, s31;
	s12 =	smax.u32 s13, $0x1;
	s13 =	sshrl.u32 s16, $0x3  }
0x12: {  	s16 =	simm.s32 $0x40;
	s11 =	sadd.s32 $0x6D000, s15;
	s15 =	simm.s32 $0x16020  }
.LBB2_7:
0x13: {  	s25 =	sxor.u32 $0x1, s24;
	[sflag:s14] =	ssyncset.done $0x0  }
0x14: {  	s25 =	smul.u32 $0x9000, s25;
	[sflag:s14] =	ssyncadd.s32 $0xFFFFDC00  }
0x15: {  	s30 =	smul.u32 $0x9000, s24;
	_ =	swait.ge [sflag:s18], $0x2400  }
0x16: {  	[sflag:s18] =	ssyncset.done $0x0;
	s25 =	sshrl.u32 s25, $0x2  }
0x17: {  	s31 =	sshrl.u32 s30, $0x2;
	[sflag:s18] =	ssyncadd.s32 $0xFFFFDC00;
	s25 =	sadd.s32 $0x19E20, s25  }
0x18: {  	[tilespmem:s25], [sflag:$0x1] =	stream.indirect.gather [hbm4b:s1+s16], $0x90, s22, s16, $0xb8;
	[tilespmem:$0x1E620] =	vst v63  }
0x19: {  	s22 =	sadd.s32 $0x19E20, s31  }
0x1a: {  	[spmem:s3] =	stream.indirect.scatter.add.f32 [tilespmem:s22], [sflag:$0x2], $0x90, s23, s16, $0xb8;
	[tilespmem:$0x1E620] =	vst v63  }
0x1b: {  	_ =	swait.ge [sflag:s14], $0x2400  }
0x1c: {  	[sflag:s14] =	ssyncset.done $0x0  }
0x1d: {  	[sflag:s14] =	ssyncadd.s32 $0xFFFFDC00  }
0x1e: {  	_ =	swait.ge [sflag:s18], $0x2400  }
0x1f: {  	[sflag:s18] =	ssyncset.done $0x0  }
0x20: {  	[sflag:s18] =	ssyncadd.s32 $0xFFFFDC00  }
0x21: {  	[spmem:s3] =	stream.indirect.scatter.add.f32 [tilespmem:s20], [sflag:$0x2], $0x90, s19, s16, $0xb8;
	[tilespmem:$0x1E620] =	vst v63  }
.LBB2_8:
0x22: {  	_ =	swait.ge [sflag:s14], $0x2400  }
0x23: {  	s4 =	sadd.s32 $0x1, s4;
	[sflag:s14] =	ssyncset.done $0x0  }
0x24: {  	p1 =	sne.s32 s4, s12;
	[sflag:s14] =	ssyncadd.s32 $0xFFFFDC00  }
.Ltmp1:
0x25: {  	[bflag:$0x0] =	sbarrier.arrive $0xFFFF;
	(pc) =	sbr.rel @!p1 .LBB2_9-.Ltmp1, $4  }
0x26: {  	[hbm:s11], [sflag:s6] =	dma.local [spmem:s13], $0x2C04  }
0x27: {  	_ =	swait.ge [sflag:s14], $0x2C04  }
0x28: {  	[sflag:s14] =	ssyncset.done $0x0  }
0x29: {  	[sflag:s14] =	ssyncadd.s32 $0xFFFFD3FC  }
.LBB2_1:
0x2a: {  	[spmem:s13], [sflag:s6] =	dma.local [hbm:s5], $0x2C04  }
.Ltmp2:
0x2b: {  	_ =	swait.ge [sflag:s14], $0x2C04;
	(pc) =	sbr.rel @!p0 .LBB2_2-.Ltmp2, $4  }
0x2c: {  	[sflag:s14] =	ssyncset.done $0x0  }
0x2d: {  	[sflag:s14] =	ssyncadd.s32 $0xFFFFD3FC  }
0x2e: {  	[bflag:$0x0] =	sbarrier.arrive $0xFFFF  }
0x2f: {  	s22 =	simm.s32 $0x0  }
0x30: {  	[tilespmem:s15], [sflag:$0x2] =	stream.linear.gather [hbm4b:s9+s22], $0x900, $0x38;
	[tilespmem:$0x1E620] =	vst v63  }
0x31: {  	_ =	swait.ge [sflag:s14], $0x900  }
0x32: {  	[sflag:s14] =	ssyncset.done $0x0  }
0x33: {  	s23 =	simm.s32 $0x17F20;
	[sflag:s14] =	ssyncadd.s32 $0xFFFFF700  }
0x34: {  	[tilespmem:s23], [sflag:$0x2] =	stream.linear.gather [hbm4b:s10+s22], $0x900, $0x38;
	[tilespmem:$0x1E620] =	vst v63  }
0x35: {  	s30 =	sand.u32 $0x1, s22;
	_ =	swait.ge [sflag:s14], $0x900  }
0x36: {  	s24 =	sxor.u32 $0x1, s30;
	[sflag:s14] =	ssyncset.done $0x0  }
0x37: {  	s24 =	smul.u32 $0x9000, s24;
	[sflag:s14] =	ssyncadd.s32 $0xFFFFF700  }
0x38: {  	[tilespmem:s17], [sflag:$0x1] =	stream.indirect.gather [hbm4b:s1+s16], $0x90, s15, s16, $0xb8;
	[tilespmem:$0x1E620] =	vst v63  }
0x39: {  	s25 =	simm.s32 $0x16060;
	s22 =	smul.u32 $0x9000, s30;
	_ =	swait.ge [sflag:s18], $0x2400  }
0x3a: {  	s31 =	simm.s32 $0x1;
	s24 =	sshrl.u32 s24, $0x2;
	[sflag:s18] =	ssyncset.done $0x0  }
0x3b: {  	s24 =	sadd.s32 $0x19E20, s24;
	s22 =	sshrl.u32 s22, $0x2;
	[sflag:s18] =	ssyncadd.s32 $0xFFFFDC00  }
0x3c: {  	[tilespmem:s24], [sflag:$0x1] =	stream.indirect.gather [hbm4b:s1+s16], $0x90, s25, s16, $0xb8;
	[tilespmem:$0x1E620] =	vst v63  }
0x3d: {  	s22 =	sadd.s32 $0x19E20, s22;
	s25 =	simm.s32 $0x2;
	s24 =	sand.u32 $0x1, s31  }
0x3e: {  	[spmem:s3] =	stream.indirect.scatter.add.f32 [tilespmem:s22], [sflag:$0x2], $0x90, s23, s16, $0xb8;
	[tilespmem:$0x1E620] =	vst v63  }
0x3f: {  	s22 =	simm.s32 $0x160A0;
	s23 =	simm.s32 $0x17F60;
	_ =	swait.ge [sflag:s14], $0x2400  }
.LBB2_6:
0x40: {  	s26 =	sxor.u32 $0x1, s24  }
0x41: {  	[sflag:s14] =	ssyncset.done $0x0;
	s28 =	smov.u32 s25;
	s29 =	sadd.s32 $0x1, s25  }
0x42: {  	p1 =	sne.s32 s25, $0x22;
	s25 =	smul.u32 $0x9000, s26;
	[sflag:s14] =	ssyncadd.s32 $0xFFFFDC00  }
0x43: {  	_ =	swait.ge [sflag:s18], $0x2400  }
0x44: {  	s24 =	smul.u32 $0x9000, s24;
	[sflag:s18] =	ssyncset.done $0x0;
	s25 =	sshrl.u32 s25, $0x2  }
0x45: {  	[sflag:s18] =	ssyncadd.s32 $0xFFFFDC00;
	s25 =	sadd.s32 $0x19E20, s25  }
0x46: {  	[tilespmem:s25], [sflag:$0x1] =	stream.indirect.gather [hbm4b:s1+s16], $0x90, s22, s16, $0xb8;
	[tilespmem:$0x1E620] =	vst v63  }
.Ltmp3:
0x47: {  	_ = 	snop;
	(pc) =	sbr.rel @p1 .LBB2_6-.Ltmp3, $4  }
0x48: {  	s24 =	sshrl.u32 s24, $0x2  }
0x49: {  	s24 =	sadd.s32 $0x19E20, s24;
	s22 =	sadd.s32 $0x40, s22;
	s25 =	smov.u32 s29  }
0x4a: {  	[spmem:s3] =	stream.indirect.scatter.add.f32 [tilespmem:s24], [sflag:$0x2], $0x90, s23, s16, $0xb8;
	[tilespmem:$0x1E620] =	vst v63  }
0x4b: {  	s24 =	sand.u32 $0x1, s28;
	s23 =	sadd.s32 $0x40, s23;
	_ =	swait.ge [sflag:s14], $0x2400  }
.Ltmp4:
0x4c: {  	_ = 	snop;
	(pc) =	sbr.rel .LBB2_7-.Ltmp4, $1  }
0x4d: {  	_ =	sdelay $0x3  }
.LBB2_2:
0x4e: {  	[tilespmem:s15], [sflag:$0x2] =	stream.linear.gather [hbm4b:s7+s22], $0x1F00, $0x38;
	[tilespmem:$0x1E620] =	vst v63  }
0x4f: {  	_ =	swait.ge [sflag:s14], $0x1F00  }
0x50: {  	[sflag:s14] =	ssyncset.done $0x0  }
0x51: {  	s23 =	simm.s32 $0x17F20;
	[sflag:s14] =	ssyncadd.s32 $0xFFFFE100  }
0x52: {  	[tilespmem:s23], [sflag:$0x2] =	stream.linear.gather [hbm4b:s8+s22], $0x1F00, $0x38;
	[tilespmem:$0x1E620] =	vst v63  }
0x53: {  	s30 =	sand.u32 $0x1, s22;
	_ =	swait.ge [sflag:s14], $0x1F00  }
0x54: {  	s24 =	sxor.u32 $0x1, s30;
	[sflag:s14] =	ssyncset.done $0x0  }
0x55: {  	s24 =	smul.u32 $0x9000, s24;
	[sflag:s14] =	ssyncadd.s32 $0xFFFFE100  }
0x56: {  	[tilespmem:s17], [sflag:$0x1] =	stream.indirect.gather [hbm4b:s1+s16], $0x90, s15, s16, $0xb8;
	[tilespmem:$0x1E620] =	vst v63  }
0x57: {  	s25 =	simm.s32 $0x16060;
	s22 =	smul.u32 $0x9000, s30;
	_ =	swait.ge [sflag:s18], $0x2400  }
0x58: {  	s31 =	simm.s32 $0x1;
	s24 =	sshrl.u32 s24, $0x2;
	[sflag:s18] =	ssyncset.done $0x0  }
0x59: {  	s24 =	sadd.s32 $0x19E20, s24;
	s22 =	sshrl.u32 s22, $0x2;
	[sflag:s18] =	ssyncadd.s32 $0xFFFFDC00  }
0x5a: {  	[tilespmem:s24], [sflag:$0x1] =	stream.indirect.gather [hbm4b:s1+s16], $0x90, s25, s16, $0xb8;
	[tilespmem:$0x1E620] =	vst v63  }
0x5b: {  	s22 =	sadd.s32 $0x19E20, s22;
	s25 =	simm.s32 $0x2;
	s24 =	sand.u32 $0x1, s31  }
0x5c: {  	[spmem:s3] =	stream.indirect.scatter.add.f32 [tilespmem:s22], [sflag:$0x2], $0x90, s23, s16, $0xb8;
	[tilespmem:$0x1E620] =	vst v63  }
0x5d: {  	s22 =	simm.s32 $0x160A0;
	s23 =	simm.s32 $0x17F60;
	_ =	swait.ge [sflag:s14], $0x2400  }
.LBB2_3:
0x5e: {  	s26 =	sxor.u32 $0x1, s24  }
0x5f: {  	[sflag:s14] =	ssyncset.done $0x0;
	s28 =	smov.u32 s25;
	s29 =	sadd.s32 $0x1, s25  }
0x60: {  	p1 =	seq.s32 s25, $0x7A;
	s25 =	smul.u32 $0x9000, s26;
	[sflag:s14] =	ssyncadd.s32 $0xFFFFDC00  }
0x61: {  	_ =	swait.ge [sflag:s18], $0x2400  }
0x62: {  	s24 =	smul.u32 $0x9000, s24;
	[sflag:s18] =	ssyncset.done $0x0;
	s25 =	sshrl.u32 s25, $0x2  }
0x63: {  	[sflag:s18] =	ssyncadd.s32 $0xFFFFDC00;
	s25 =	sadd.s32 $0x19E20, s25  }
0x64: {  	[tilespmem:s25], [sflag:$0x1] =	stream.indirect.gather [hbm4b:s1+s16], $0x90, s22, s16, $0xb8;
	[tilespmem:$0x1E620] =	vst v63  }
.Ltmp5:
0x65: {  	_ = 	snop;
	(pc) =	sbr.rel @!p1 .LBB2_3-.Ltmp5, $4  }
0x66: {  	s24 =	sshrl.u32 s24, $0x2  }
0x67: {  	s24 =	sadd.s32 $0x19E20, s24;
	s22 =	sadd.s32 $0x40, s22;
	s25 =	smov.u32 s29  }
0x68: {  	[spmem:s3] =	stream.indirect.scatter.add.f32 [tilespmem:s24], [sflag:$0x2], $0x90, s23, s16, $0xb8;
	[tilespmem:$0x1E620] =	vst v63  }
0x69: {  	s24 =	sand.u32 $0x1, s28;
	s23 =	sadd.s32 $0x40, s23;
	_ =	swait.ge [sflag:s14], $0x2400  }
0x6a: {  	s25 =	sxor.u32 $0x1, s24;
	[sflag:s14] =	ssyncset.done $0x0  }
0x6b: {  	s25 =	smul.u32 $0x9000, s25;
	[sflag:s14] =	ssyncadd.s32 $0xFFFFDC00  }
0x6c: {  	s30 =	smul.u32 $0x9000, s24;
	_ =	swait.ge [sflag:s18], $0x2400  }
0x6d: {  	[sflag:s18] =	ssyncset.done $0x0;
	s25 =	sshrl.u32 s25, $0x2  }
0x6e: {  	s31 =	sshrl.u32 s30, $0x2;
	[sflag:s18] =	ssyncadd.s32 $0xFFFFDC00;
	s25 =	sadd.s32 $0x19E20, s25  }
0x6f: {  	[tilespmem:s25], [sflag:$0x1] =	stream.indirect.gather [hbm4b:s1+s16], $0x90, s22, s16, $0xb8;
	[tilespmem:$0x1E620] =	vst v63  }
0x70: {  	s22 =	sadd.s32 $0x19E20, s31  }
0x71: {  	[spmem:s3] =	stream.indirect.scatter.add.f32 [tilespmem:s22], [sflag:$0x2], $0x90, s23, s16, $0xb8;
	[tilespmem:$0x1E620] =	vst v63  }
0x72: {  	_ =	swait.ge [sflag:s14], $0x2400  }
0x73: {  	[sflag:s14] =	ssyncset.done $0x0  }
.Ltmp6:
0x74: {  	[sflag:s14] =	ssyncadd.s32 $0xFFFFDC00;
	(pc) =	sbr.rel .LBB2_8-.Ltmp6, $4  }
0x75: {  	_ =	swait.ge [sflag:s18], $0x2400  }
0x76: {  	[sflag:s18] =	ssyncset.done $0x0  }
0x77: {  	[sflag:s18] =	ssyncadd.s32 $0xFFFFDC00  }
0x78: {  	[spmem:s3] =	stream.indirect.scatter.add.f32 [tilespmem:s20], [sflag:$0x2], $0x90, s21, s16, $0xb8;
	[tilespmem:$0x1E620] =	vst v63  }
.LBB2_9:
0x79: {  	_ =	sfence.sel $0x180000  }
0x7a: {  	[bflag:$0x0] =	sbarrier.arrive $0xFFFF  }
0x7b: {  	p0 =	sne.s32 s2, $0x0;
	_ =	strace $0x9000004A  }
0x7c: {  	s0 =	sadd.s32 @!p0 $0x100000, s0;
	[bflag:$0x2] =	sbarrier.arrive $0xFFFF  }
0x7d: {  	[sflag:s0] =	ssyncadd.tile.s32 @!p0 $0x1;
	_ =	shalt  }
.Lfunc_end2:
_tile_overlayer_lowered:
.L_overlay_start_2:
0x7e: {  	(tag) =	ssettag $0x2  }
0x7f: {  	s0 =	rddreg [dreg:$0x0];
	s2 =	stileid.u32  }
0x80: {  	s1 =	rddreg [dreg:$0x1];
	p0 =	sne.s32 s2, $0x0  }
0x81: {  	s3 =	rddreg [dreg:$0x2];
	[bflag:$0x3] =	sbarrier.arrive $0xFFFF;
	s2 =	simm.s32 @!p0 $0x1C02  }
0x82: {  	[timem:s3], [sflag:s2] =	dma.local @!p0 [hbm:s0], s1  }
0x83: {  	s0 =	simm.s32 @!p0 $0x2  }
0x84: {  	_ =	swait.ge @!p0 [sflag:s0], s1  }
0x85: {  	s1 =	ssub.s32 @!p0 $0x0, s1;
	[sflag:s0] =	ssyncset.done @!p0 $0x0  }
0x86: {  	[sflag:s0] =	ssyncadd.s32 @!p0 s1  }
0x87: {  	[bflag:$0x3] =	sbarrier.arrive $0xFFFF  }
0x88: {  	_ =	shalt  }

// kernel: kernel.17.cloned.1.call-start
scs
__scs_entry_jumppad:
0x0: {  	(pc) =	sbr.rel $0x88, $3  }
0x1: {  	(tag) =	ssettag $0x0;
	lr =	simm.s32 $0x1  }
0x2: {  	[smem:$0x3F98] =	sst lr;
	_ =	strace $0xD0000000  }
0x3: {  	_ = 	snop  }
0x4: {  	_ = 	snop  }
0x5: {  	_ = 	snop  }
0x6: {  	_ = 	snop  }
0x7: {  	_ = 	snop  }
__scs_overlays_trampoline_lowered:
0x8: {  	[smem:$0x3FA7] =	sst s0  }
0x9: {  	[smem:$0x3FA8] =	sst s1  }
0xa: {  	[smem:$0x3FA9] =	sst s2  }
0xb: {  	[smem:$0x3FAA] =	sst s3  }
0xc: {  	[smem:$0x3FAB] =	sst s4  }
0xd: {  	[smem:$0x3FAC] =	sst s5  }
0xe: {  	[smem:$0x3FAD] =	sst s6  }
0xf: {  	[smem:$0x3FAE] =	sst s7  }
0x10: {  	[smem:$0x3FAF] =	sst s8  }
0x11: {  	[smem:$0x3FB0] =	sst s9;
	s0 =	simm.s32 @!p0 $0x0  }
0x12: {  	s1 =	sld [smem:$0x3F96];
	s0 =	simm.s32 @p0 $0x1  }
0x13: {  	[smem:$0x3FB1] =	sst s0;
	s0 =	simm.s32 @!p1 $0x0  }
0x14: {  	s2 =	sld [smem:$0x3F95];
	s0 =	simm.s32 @p1 $0x1  }
0x15: {  	[smem:$0x3FB2] =	sst s0;
	s0 =	simm.s32 @!p2 $0x0  }
0x16: {  	s3 =	sld [smem:$0x3FDB];
	s0 =	simm.s32 @p2 $0x1  }
0x17: {  	s4 =	simm.s32 $0x1BF5;
	[smem:$0x3FB4] =	sst s0  }
0x18: {  	s0 =	sld [smem:$0x3F97];
	_ =	swait.ge [sflag:s4], $0x0  }
0x19: {  	s7 =	sld [smem:$0x3F98]  }
0x1a: {  	s8 =	sadd.s32 $0xFFFFE003, lr  }
0x1b: {  	s9 =	sadd.s32 $0xFFFFFEF7, lr;
	s5 =	simm.s32 $0xFFFFFFFF;
	p2 =	slt.u32 s8, $0xFFFFF086  }
0x1c: {  	p1 =	slt.u32 s9, $0xF7A;
	s5 =	simm.s32 @!p2 $0x0  }
0x1d: {  	s5 =	simm.s32 @p1 $0x1;
	p0 =	seq.s32 s7, s2  }
0x1e: {  	s7 =	smul.u32 @!p0 $0xF7A, s2;
	p2 =	seq.s32 @!p0 s5, $0x0  }
0x1f: {  	s9 =	smul.u32 $0xF7A, s1;
	s8 =	simm.s32 @!p0 $0x1BF5;
	p2 =	por !p2, p0  }
0x20: {  	[sflag:s8] =	ssyncset.s32 @!p0 $0xFFFFF086;
	s6 =	sadd.s32 @!p0 s3, s7;
	s7 =	simm.s32 @!p0 $0x108  }
0x21: {  	s3 =	sadd.s32 s3, s9;
	s6 =	sadd.s32 @!p0 $0x88, s6;
	s7 =	simm.s32 @p2 $0x1082  }
0x22: {  	[simem:s7], [sflag:s8] =	dma.local @!p0 [hbm:s6], $0xF7A  }
0x23: {  	s9 =	sor.u32 $0xD0000000, s2;
	s6 =	simm.s32 $0x108;
	_ =	swait.ge @!p0 [sflag:s8], $0x0  }
0x24: {  	s3 =	sadd.s32 $0x88, s3;
	s6 =	simm.s32 @!p1 $0x1082;
	[sflag:s4] =	ssyncset.s32 $0xFFFFF086  }
0x25: {  	[simem:s6], [sflag:s4] =	dma.local [hbm:s3], $0xF7A  }
0x26: {  	[smem:$0x3F98] =	sst s1;
	(tag) =	ssettag s2;
	_ =	strace s9  }
0x27: {  	s1 =	sld [smem:$0x3FA8]  }
0x28: {  	s2 =	sld [smem:$0x3FA9]  }
0x29: {  	s4 =	sld [smem:$0x3FAB]  }
0x2a: {  	p0 =	seq.s32 s5, $0x0;
	s5 =	sld [smem:$0x3FAC]  }
0x2b: {  	s6 =	sld [smem:$0x3FAD]  }
0x2c: {  	s7 =	sld [smem:$0x3FAE]  }
0x2d: {  	s3 =	simm.s32 $0x108;
	s8 =	sld [smem:$0x3FAF]  }
0x2e: {  	s3 =	simm.s32 @!p0 $0x1082;
	s9 =	sld [smem:$0x3FB0]  }
0x2f: {  	lr =	sadd.s32 s0, s3;
	s0 =	sld [smem:$0x3FA7]  }
0x30: {  	s3 =	sld [smem:$0x3FAA]  }
0x31: {  	[smem:$0x3FB3] =	sst s10  }
0x32: {  	s10 =	sld [smem:$0x3FB1];
	_ =	sdelay $0x3  }
0x33: {  	p0 =	seq.s32 s10, $0x1;
	s10 =	sld [smem:$0x3FB3];
	_ =	sdelay $0x3  }
0x34: {  	[smem:$0x3FB3] =	sst s10  }
0x35: {  	s10 =	sld [smem:$0x3FB2];
	_ =	sdelay $0x3  }
0x36: {  	p1 =	seq.s32 s10, $0x1;
	s10 =	sld [smem:$0x3FB3];
	_ =	sdelay $0x3  }
0x37: {  	[smem:$0x3FB3] =	sst s10  }
0x38: {  	s10 =	sld [smem:$0x3FB4]  }
0x39: {  	_ = 	snop;
	(pc) =	sbr.ind lr, $3  }
0x3a: {  	_ = 	snop  }
0x3b: {  	_ = 	snop  }
0x3c: {  	p2 =	seq.s32 s10, $0x1;
	s10 =	sld [smem:$0x3FB3]  }
0x3d: {  	_ =	shalt  }
0x3e: {  	_ =	shalt  }
0x3f: {  	_ =	shalt  }
0x40: {  	_ =	shalt  }
0x41: {  	_ =	shalt  }
0x42: {  	_ =	shalt  }
0x43: {  	_ =	shalt  }
0x44: {  	_ =	shalt  }
0x45: {  	_ =	shalt  }
0x46: {  	_ =	shalt  }
0x47: {  	_ =	shalt  }
0x48: {  	_ =	shalt  }
0x49: {  	_ =	shalt  }
0x4a: {  	_ =	shalt  }
0x4b: {  	_ =	shalt  }
0x4c: {  	_ =	shalt  }
0x4d: {  	_ =	shalt  }
0x4e: {  	_ =	shalt  }
0x4f: {  	_ =	shalt  }
0x50: {  	_ =	shalt  }
0x51: {  	_ =	shalt  }
0x52: {  	_ =	shalt  }
0x53: {  	_ =	shalt  }
0x54: {  	_ =	shalt  }
0x55: {  	_ =	shalt  }
0x56: {  	_ =	shalt  }
0x57: {  	_ =	shalt  }
0x58: {  	_ =	shalt  }
0x59: {  	_ =	shalt  }
0x5a: {  	_ =	shalt  }
0x5b: {  	_ =	shalt  }
0x5c: {  	_ =	shalt  }
0x5d: {  	_ =	shalt  }
0x5e: {  	_ =	shalt  }
0x5f: {  	_ =	shalt  }
0x60: {  	_ =	shalt  }
0x61: {  	_ =	shalt  }
0x62: {  	_ =	shalt  }
0x63: {  	_ =	shalt  }
0x64: {  	_ =	shalt  }
0x65: {  	_ =	shalt  }
0x66: {  	_ =	shalt  }
0x67: {  	_ =	shalt  }
0x68: {  	_ =	shalt  }
0x69: {  	_ =	shalt  }
0x6a: {  	_ =	shalt  }
0x6b: {  	_ =	shalt  }
0x6c: {  	_ =	shalt  }
0x6d: {  	_ =	shalt  }
0x6e: {  	_ =	shalt  }
0x6f: {  	_ =	shalt  }
0x70: {  	_ =	shalt  }
0x71: {  	_ =	shalt  }
0x72: {  	_ =	shalt  }
0x73: {  	_ =	shalt  }
0x74: {  	_ =	shalt  }
0x75: {  	_ =	shalt  }
0x76: {  	_ =	shalt  }
0x77: {  	_ =	shalt  }
0x78: {  	_ =	shalt  }
0x79: {  	_ =	shalt  }
0x7a: {  	_ =	shalt  }
0x7b: {  	_ =	shalt  }
0x7c: {  	_ =	shalt  }
0x7d: {  	_ =	shalt  }
0x7e: {  	_ =	shalt  }
0x7f: {  	_ =	shalt  }
0x80: {  	_ =	shalt  }
0x81: {  	_ =	shalt  }
0x82: {  	_ =	shalt  }
0x83: {  	_ =	shalt  }
0x84: {  	_ =	shalt  }
0x85: {  	_ =	shalt  }
0x86: {  	_ =	shalt  }
0x87: {  	_ =	shalt  }
.Lfunc_end0:
.L_simem_size_0:
called_computation.2_lowered:
.L_overlay_start_0:
0x88: {  	s2 =	sld [smem:$0x3FD9]  }
0x89: {  	s3 =	sld [smem:$0x3FFE];
	_ =	sdelay $0x1  }
0x8a: {  	s1 =	srdreg.scid  }
0x8b: {  	s0 =	sand.u32 $0x1, s1  }
0x8c: {  	s17 =	sshll.u32 s0, $0xA;
	s2 =	sadd.s32 s3, s2  }
0x8d: {  	s2 =	sadd.s32 s2, s17  }
0x8e: {  	[smem:$0x3FBF] =	sst s2  }
0x8f: {  	_ = 	snop  }
0x90: {  	s2 =	sld [smem:$0x3FD0];
	(tm) =	ssettm $0x1  }
0x91: {  	s18 =	sld [smem:$0x3FFB];
	_ =	sdelay $0x3  }
0x92: {  	_ =	strace s18  }
0x93: {  	s3 =	sld [smem:$0x3FFC];
	_ =	sdelay $0x3  }
0x94: {  	_ =	strace s3  }
0x95: {  	s3 =	sld [smem:$0x3FFD];
	_ =	sdelay $0x3  }
0x96: {  	_ =	strace s3  }
0x97: {  	_ =	strace $0x8FFFFFFF  }
0x98: {  	s19 =	sld [smem:$0x3FDB];
	_ =	sdelay $0x1  }
0x99: {  	s4 =	simm.s32 $_scs_section_size  }
0x9a: {  	s5 =	simm.s32 $_size__tile_overlayer_lowered;
	s6 =	simm.s32 $_tile_overlayer_lowered  }
0x9b: {  	s22 =	simm.s32 $0x1BFF;
	s21 =	sshll.u32 s6, $0x1;
	s3 =	sadd.s32 s4, s19  }
0x9c: {  	s7 =	simm.s32 $0x0;
	s20 =	sshll.u32 s5, $0x1;
	s5 =	sadd.s32 s21, s3  }
0x9d: {  	[timem:s7], [sflag:s22] =	dma.local [hbm:s5], s20  }
0x9e: {  	_ =	swait.ge [sflag:s22], s20  }
0x9f: {  	s4 =	ssub.s32 $0x0, s20;
	[sflag:s22] =	ssyncset.done $0x0  }
0xa0: {  	[sflag:s22] =	ssyncadd.s32 s4;
	_ =	sdelay $0x1  }
0xa1: {  	s23 =	simm.s32 $0x1B8B  }
0xa2: {  	_ =	swait.ge [sflag:s23], $0x1  }
0xa3: {  	[sflag:s23] =	ssyncset.done $0x0  }
0xa4: {  	s25 =	simm.s32 $0x1B8E;
	s24 =	sld [smem:$0x3FFE];
	[sflag:s23] =	ssyncadd.s32 $0xFFFFFFFF  }
0xa5: {  	s26 =	simm.s32 $execute0_lowered;
	[smem:$0x3FD2] =	sst s25  }
0xa6: {  	s5 =	sshll.u32 s26, $0x1;
	_ =	strace $0x8000004C;
	[dreg:$0x1] =	wrdreg $0xFFFFFFFF  }
0xa7: {  	s28 =	simm.s32 $_size_execute0_lowered;
	s3 =	sadd.s32 s3, s5;
	[dreg:$0x0] =	wrdreg $0x0  }
0xa8: {  	s5 =	sshll.u32 s28, $0x1;
	[dreg:$0x2] =	wrdreg s3  }
0xa9: {  	[dreg:$0x3] =	wrdreg s5  }
0xaa: {  	[dreg:$0x4] =	wrdreg $0xC0  }
0xab: {  	_ =	task [dreg:s7], $0x5FFFF  }
0xac: {  	[dreg:$0x1] =	wrdreg $0xFFFFFFFF  }
0xad: {  	[dreg:$0x0] =	wrdreg $0x60  }
0xae: {  	[dreg:$0x2] =	wrdreg s24  }
0xaf: {  	[dreg:$0x3] =	wrdreg s2  }
0xb0: {  	[dreg:$0x4] =	wrdreg $0x0  }
0xb1: {  	[dreg:$0x5] =	wrdreg $0x9  }
0xb2: {  	_ =	task.clear_ibuf [dreg:s7], $0x6FFFF;
	_ =	strace $0x9000004C  }
0xb3: {  	s29 =	simm.s32 $0x9;
	_ =	strace $0x8000004E  }
0xb4: {  	_ =	swait.ge [sflag:s29], $0x1  }
0xb5: {  	[sflag:s29] =	ssyncadd.s32 $0xFFFFFFFF  }
0xb6: {  	_ =	strace $0x9000004E  }
0xb7: {  	_ =	sfence  }
0xb8: {  	s30 =	sld [smem:$0x0];
	_ =	sdelay $0x2  }
0xb9: {  	s31 =	sshll.u32 s1, $0xD;
	s1 =	sshrl.u32 s1, $0x2  }
0xba: {  	s3 =	sand.u32 $0x4000, s31;
	s1 =	sadd.s32 s1, s30  }
0xbb: {  	s0 =	sor.u32 s3, s0;
	s1 =	sshll.u32 s1, $0x11  }
0xbc: {  	s0 =	sor.u32 s1, s0  }
0xbd: {  	s0 =	sadd.s32 $0x8F2B, s0  }
0xbe: {  	[sflag:s0] =	ssyncadd.remote.s32 $0x1  }
0xbf: {  	_ =	sfence.sel $0xFFFF  }
0xc0: {  	[dreg:$0x0] =	wrdreg $0xFFFFFFFF;
	(pc) =	sbr.abs _section_cstart, $3  }
0xc1: {  	[dreg:$0x1] =	wrdreg $0xFFFFFFFF  }
0xc2: {  	_ =	task.clear_ibuf [dreg:s7], $0x2FFFF;
	_ =	strace $0x9FFFFFFF  }
0xc3: {  	(tm) =	ssettm $0x7FFFFFFF  }
tec
execute0_lowered:
.L_overlay_start_1:
0x0: {  	(tag) =	ssettag $0x1  }
0x1: {  	s5 =	rddreg [dreg:$0x0]  }
0x2: {  	s11 =	rddreg [dreg:$0x1]  }
0x3: {  	s1 =	rddreg [dreg:$0x2]  }
0x4: {  	s0 =	rddreg [dreg:$0x3];
	s2 =	simm.s32 $0x0;
	s6 =	srdreg.scid  }
0x5: {  	s3 =	stileid.u32;
	s17 =	simm.s32 $0xF400;
	s18 =	simm.s32 $0x1  }
0x6: {  	s19 =	simm.s32 $0xDB80;
	s20 =	simm.s32 $0x13C00;
	s21 =	simm.s32 $0xF380  }
0x7: {  	[smem:$0x7FF] =	sst s2;
	s4 =	sadd.s32 $0x2A200, s5;
	s7 =	sand.u32 $0x1, s6  }
0x8: {  	s9 =	sadd.s32 $0x56200, s5;
	s8 =	smul.u32 $0x2D000, s3;
	s10 =	sadd.s32 $0x5B200, s5  }
0x9: {  	s5 =	sadd.s32 $0x6A200, s5;
	s30 =	sshll.u32 s3, $0x6;
	s13 =	smul.u32 $0x1680, s3  }
0xa: {  	s31 =	sshll.u32 s3, $0xA;
	s15 =	sshll.u32 s3, $0x8;
	_ =	strace $0x8000004D  }
0xb: {  	s6 =	ssub.s32 $0x2, s7;
	s16 =	smul.u32 $0x16800, s7;
	p0 =	seq.s32 s7, $0x1  }
0xc: {  	s7 =	sadd.s32 s9, s31;
	s15 =	sor.u32 $0x4000, s15;
	s12 =	sshrl.u32 s6, $0x1  }
.Ltmp0:
0xd: {  	s29 =	sshrl.u32 s8, $0x2;
	s8 =	sadd.s32 s10, s31;
	(pc) =	sbr.rel .LBB2_1-.Ltmp0, $4  }
0xe: {  	s9 =	sadd.s32 s9, s15;
	s10 =	sadd.s32 s10, s15;
	s15 =	simm.s32 $0xB400  }
0xf: {  	s12 =	ssub.s32 s6, s12;
	s14 =	sadd.s32 s29, s1;
	s13 =	sadd.s32 s13, s16  }
0x10: {  	s6 =	sor.u32 $0x1C02, s30;
	s16 =	simm.s32 $0x80;
	s11 =	sadd.s32 s11, s13  }
0x11: {  	s12 =	smax.u32 s12, $0x1;
	s13 =	sshrl.u32 s14, $0x3;
	s14 =	simm.s32 $0x2  }
.LBB2_7:
0x12: {  	s25 =	sxor.u32 $0x1, s24;
	[sflag:s14] =	ssyncset.done $0x0  }
0x13: {  	s25 =	smul.u32 $0x12000, s25;
	[sflag:s14] =	ssyncadd.s32 $0xFFFFB800  }
0x14: {  	s30 =	smul.u32 $0x12000, s24;
	_ =	swait.ge [sflag:s18], $0x4800  }
0x15: {  	[sflag:s18] =	ssyncset.done $0x0;
	s25 =	sshrl.u32 s25, $0x2  }
0x16: {  	s31 =	sshrl.u32 s30, $0x2;
	[sflag:s18] =	ssyncadd.s32 $0xFFFFB800;
	s25 =	sadd.s32 $0xF400, s25  }
0x17: {  	[tilespmem:s25], [sflag:$0x1] =	stream.indirect.gather [hbm4b:s4+s16], $0x90, s22, s16, $0xb8;
	[tilespmem:$0x18400] =	vst v63  }
0x18: {  	s22 =	sadd.s32 $0xF400, s31  }
0x19: {  	[spmem:s1] =	stream.indirect.scatter.add.f32 [tilespmem:s22], [sflag:$0x2], $0x90, s23, s16, $0xb8;
	[tilespmem:$0x18400] =	vst v63  }
0x1a: {  	_ =	swait.ge [sflag:s14], $0x4800  }
0x1b: {  	[sflag:s14] =	ssyncset.done $0x0  }
0x1c: {  	[sflag:s14] =	ssyncadd.s32 $0xFFFFB800  }
0x1d: {  	_ =	swait.ge [sflag:s18], $0x4800  }
0x1e: {  	[sflag:s18] =	ssyncset.done $0x0  }
0x1f: {  	[sflag:s18] =	ssyncadd.s32 $0xFFFFB800  }
0x20: {  	[spmem:s1] =	stream.indirect.scatter.add.f32 [tilespmem:s20], [sflag:$0x2], $0x90, s19, s16, $0xb8;
	[tilespmem:$0x18400] =	vst v63  }
.LBB2_8:
0x21: {  	_ =	swait.ge [sflag:s14], $0x4800  }
0x22: {  	s2 =	sadd.s32 $0x1, s2;
	[sflag:s14] =	ssyncset.done $0x0  }
0x23: {  	p1 =	sne.s32 s2, s12;
	[sflag:s14] =	ssyncadd.s32 $0xFFFFB800  }
.Ltmp1:
0x24: {  	[bflag:$0x0] =	sbarrier.arrive $0xFFFF;
	(pc) =	sbr.rel @!p1 .LBB2_9-.Ltmp1, $4  }
0x25: {  	[hbm:s11], [sflag:s6] =	dma.local [spmem:s13], $0x1680  }
0x26: {  	_ =	swait.ge [sflag:s14], $0x1680  }
0x27: {  	[sflag:s14] =	ssyncset.done $0x0  }
0x28: {  	[sflag:s14] =	ssyncadd.s32 $0xFFFFE980  }
.LBB2_1:
0x29: {  	[spmem:s13], [sflag:s6] =	dma.local [hbm:s5], $0x1680  }
.Ltmp2:
0x2a: {  	_ =	swait.ge [sflag:s14], $0x1680;
	(pc) =	sbr.rel @!p0 .LBB2_2-.Ltmp2, $4  }
0x2b: {  	[sflag:s14] =	ssyncset.done $0x0  }
0x2c: {  	[sflag:s14] =	ssyncadd.s32 $0xFFFFE980  }
0x2d: {  	[bflag:$0x0] =	sbarrier.arrive $0xFFFF  }
0x2e: {  	s22 =	simm.s32 $0x0  }
0x2f: {  	[tilespmem:s15], [sflag:$0x2] =	stream.linear.gather [hbm4b:s9+s22], $0x800, $0x38;
	[tilespmem:$0x18400] =	vst v63  }
0x30: {  	_ =	swait.ge [sflag:s14], $0x800  }
0x31: {  	[sflag:s14] =	ssyncset.done $0x0  }
0x32: {  	s23 =	simm.s32 $0xD400;
	[sflag:s14] =	ssyncadd.s32 $0xFFFFF800  }
0x33: {  	[tilespmem:s23], [sflag:$0x2] =	stream.linear.gather [hbm4b:s10+s22], $0x800, $0x38;
	[tilespmem:$0x18400] =	vst v63  }
0x34: {  	s30 =	sand.u32 $0x1, s22;
	_ =	swait.ge [sflag:s14], $0x800  }
0x35: {  	s24 =	sxor.u32 $0x1, s30;
	[sflag:s14] =	ssyncset.done $0x0  }
0x36: {  	s24 =	smul.u32 $0x12000, s24;
	[sflag:s14] =	ssyncadd.s32 $0xFFFFF800  }
0x37: {  	[tilespmem:s17], [sflag:$0x1] =	stream.indirect.gather [hbm4b:s4+s16], $0x90, s15, s16, $0xb8;
	[tilespmem:$0x18400] =	vst v63  }
0x38: {  	s25 =	simm.s32 $0xB480;
	s22 =	smul.u32 $0x12000, s30;
	_ =	swait.ge [sflag:s18], $0x4800  }
0x39: {  	s31 =	simm.s32 $0x1;
	s24 =	sshrl.u32 s24, $0x2;
	[sflag:s18] =	ssyncset.done $0x0  }
0x3a: {  	s24 =	sadd.s32 $0xF400, s24;
	s22 =	sshrl.u32 s22, $0x2;
	[sflag:s18] =	ssyncadd.s32 $0xFFFFB800  }
0x3b: {  	[tilespmem:s24], [sflag:$0x1] =	stream.indirect.gather [hbm4b:s4+s16], $0x90, s25, s16, $0xb8;
	[tilespmem:$0x18400] =	vst v63  }
0x3c: {  	s22 =	sadd.s32 $0xF400, s22;
	s25 =	simm.s32 $0x2;
	s24 =	sand.u32 $0x1, s31  }
0x3d: {  	[spmem:s1] =	stream.indirect.scatter.add.f32 [tilespmem:s22], [sflag:$0x2], $0x90, s23, s16, $0xb8;
	[tilespmem:$0x18400] =	vst v63  }
0x3e: {  	s22 =	simm.s32 $0xB500;
	s23 =	simm.s32 $0xD480;
	_ =	swait.ge [sflag:s14], $0x4800  }
.LBB2_6:
0x3f: {  	s26 =	sxor.u32 $0x1, s24  }
0x40: {  	[sflag:s14] =	ssyncset.done $0x0;
	s28 =	smov.u32 s25;
	s29 =	sadd.s32 $0x1, s25  }
0x41: {  	p1 =	sne.s32 s25, $0xE;
	s25 =	smul.u32 $0x12000, s26;
	[sflag:s14] =	ssyncadd.s32 $0xFFFFB800  }
0x42: {  	_ =	swait.ge [sflag:s18], $0x4800  }
0x43: {  	s24 =	smul.u32 $0x12000, s24;
	[sflag:s18] =	ssyncset.done $0x0;
	s25 =	sshrl.u32 s25, $0x2  }
0x44: {  	[sflag:s18] =	ssyncadd.s32 $0xFFFFB800;
	s25 =	sadd.s32 $0xF400, s25  }
0x45: {  	[tilespmem:s25], [sflag:$0x1] =	stream.indirect.gather [hbm4b:s4+s16], $0x90, s22, s16, $0xb8;
	[tilespmem:$0x18400] =	vst v63  }
.Ltmp3:
0x46: {  	_ = 	snop;
	(pc) =	sbr.rel @p1 .LBB2_6-.Ltmp3, $4  }
0x47: {  	s24 =	sshrl.u32 s24, $0x2  }
0x48: {  	s24 =	sadd.s32 $0xF400, s24;
	s22 =	sadd.s32 $0x80, s22;
	s25 =	smov.u32 s29  }
0x49: {  	[spmem:s1] =	stream.indirect.scatter.add.f32 [tilespmem:s24], [sflag:$0x2], $0x90, s23, s16, $0xb8;
	[tilespmem:$0x18400] =	vst v63  }
0x4a: {  	s24 =	sand.u32 $0x1, s28;
	s23 =	sadd.s32 $0x80, s23;
	_ =	swait.ge [sflag:s14], $0x4800  }
.Ltmp4:
0x4b: {  	_ = 	snop;
	(pc) =	sbr.rel .LBB2_7-.Ltmp4, $1  }
0x4c: {  	_ =	sdelay $0x3  }
.LBB2_2:
0x4d: {  	[tilespmem:s15], [sflag:$0x2] =	stream.linear.gather [hbm4b:s7+s22], $0x2000, $0x38;
	[tilespmem:$0x18400] =	vst v63  }
0x4e: {  	_ =	swait.ge [sflag:s14], $0x2000  }
0x4f: {  	[sflag:s14] =	ssyncset.done $0x0  }
0x50: {  	s23 =	simm.s32 $0xD400;
	[sflag:s14] =	ssyncadd.s32 $0xFFFFE000  }
0x51: {  	[tilespmem:s23], [sflag:$0x2] =	stream.linear.gather [hbm4b:s8+s22], $0x2000, $0x38;
	[tilespmem:$0x18400] =	vst v63  }
0x52: {  	s30 =	sand.u32 $0x1, s22;
	_ =	swait.ge [sflag:s14], $0x2000  }
0x53: {  	s24 =	sxor.u32 $0x1, s30;
	[sflag:s14] =	ssyncset.done $0x0  }
0x54: {  	s24 =	smul.u32 $0x12000, s24;
	[sflag:s14] =	ssyncadd.s32 $0xFFFFE000  }
0x55: {  	[tilespmem:s17], [sflag:$0x1] =	stream.indirect.gather [hbm4b:s4+s16], $0x90, s15, s16, $0xb8;
	[tilespmem:$0x18400] =	vst v63  }
0x56: {  	s25 =	simm.s32 $0xB480;
	s22 =	smul.u32 $0x12000, s30;
	_ =	swait.ge [sflag:s18], $0x4800  }
0x57: {  	s31 =	simm.s32 $0x1;
	s24 =	sshrl.u32 s24, $0x2;
	[sflag:s18] =	ssyncset.done $0x0  }
0x58: {  	s24 =	sadd.s32 $0xF400, s24;
	s22 =	sshrl.u32 s22, $0x2;
	[sflag:s18] =	ssyncadd.s32 $0xFFFFB800  }
0x59: {  	[tilespmem:s24], [sflag:$0x1] =	stream.indirect.gather [hbm4b:s4+s16], $0x90, s25, s16, $0xb8;
	[tilespmem:$0x18400] =	vst v63  }
0x5a: {  	s22 =	sadd.s32 $0xF400, s22;
	s25 =	simm.s32 $0x2;
	s24 =	sand.u32 $0x1, s31  }
0x5b: {  	[spmem:s1] =	stream.indirect.scatter.add.f32 [tilespmem:s22], [sflag:$0x2], $0x90, s23, s16, $0xb8;
	[tilespmem:$0x18400] =	vst v63  }
0x5c: {  	s22 =	simm.s32 $0xB500;
	s23 =	simm.s32 $0xD480;
	_ =	swait.ge [sflag:s14], $0x4800  }
.LBB2_3:
0x5d: {  	s26 =	sxor.u32 $0x1, s24  }
0x5e: {  	[sflag:s14] =	ssyncset.done $0x0;
	s28 =	smov.u32 s25;
	s29 =	sadd.s32 $0x1, s25  }
0x5f: {  	p1 =	seq.s32 s25, $0x3E;
	s25 =	smul.u32 $0x12000, s26;
	[sflag:s14] =	ssyncadd.s32 $0xFFFFB800  }
0x60: {  	_ =	swait.ge [sflag:s18], $0x4800  }
0x61: {  	s24 =	smul.u32 $0x12000, s24;
	[sflag:s18] =	ssyncset.done $0x0;
	s25 =	sshrl.u32 s25, $0x2  }
0x62: {  	[sflag:s18] =	ssyncadd.s32 $0xFFFFB800;
	s25 =	sadd.s32 $0xF400, s25  }
0x63: {  	[tilespmem:s25], [sflag:$0x1] =	stream.indirect.gather [hbm4b:s4+s16], $0x90, s22, s16, $0xb8;
	[tilespmem:$0x18400] =	vst v63  }
.Ltmp5:
0x64: {  	_ = 	snop;
	(pc) =	sbr.rel @!p1 .LBB2_3-.Ltmp5, $4  }
0x65: {  	s24 =	sshrl.u32 s24, $0x2  }
0x66: {  	s24 =	sadd.s32 $0xF400, s24;
	s22 =	sadd.s32 $0x80, s22;
	s25 =	smov.u32 s29  }
0x67: {  	[spmem:s1] =	stream.indirect.scatter.add.f32 [tilespmem:s24], [sflag:$0x2], $0x90, s23, s16, $0xb8;
	[tilespmem:$0x18400] =	vst v63  }
0x68: {  	s24 =	sand.u32 $0x1, s28;
	s23 =	sadd.s32 $0x80, s23;
	_ =	swait.ge [sflag:s14], $0x4800  }
0x69: {  	s25 =	sxor.u32 $0x1, s24;
	[sflag:s14] =	ssyncset.done $0x0  }
0x6a: {  	s25 =	smul.u32 $0x12000, s25;
	[sflag:s14] =	ssyncadd.s32 $0xFFFFB800  }
0x6b: {  	s30 =	smul.u32 $0x12000, s24;
	_ =	swait.ge [sflag:s18], $0x4800  }
0x6c: {  	[sflag:s18] =	ssyncset.done $0x0;
	s25 =	sshrl.u32 s25, $0x2  }
0x6d: {  	s31 =	sshrl.u32 s30, $0x2;
	[sflag:s18] =	ssyncadd.s32 $0xFFFFB800;
	s25 =	sadd.s32 $0xF400, s25  }
0x6e: {  	[tilespmem:s25], [sflag:$0x1] =	stream.indirect.gather [hbm4b:s4+s16], $0x90, s22, s16, $0xb8;
	[tilespmem:$0x18400] =	vst v63  }
0x6f: {  	s22 =	sadd.s32 $0xF400, s31  }
0x70: {  	[spmem:s1] =	stream.indirect.scatter.add.f32 [tilespmem:s22], [sflag:$0x2], $0x90, s23, s16, $0xb8;
	[tilespmem:$0x18400] =	vst v63  }
0x71: {  	_ =	swait.ge [sflag:s14], $0x4800  }
0x72: {  	[sflag:s14] =	ssyncset.done $0x0  }
.Ltmp6:
0x73: {  	[sflag:s14] =	ssyncadd.s32 $0xFFFFB800;
	(pc) =	sbr.rel .LBB2_8-.Ltmp6, $4  }
0x74: {  	_ =	swait.ge [sflag:s18], $0x4800  }
0x75: {  	[sflag:s18] =	ssyncset.done $0x0  }
0x76: {  	[sflag:s18] =	ssyncadd.s32 $0xFFFFB800  }
0x77: {  	[spmem:s1] =	stream.indirect.scatter.add.f32 [tilespmem:s20], [sflag:$0x2], $0x90, s21, s16, $0xb8;
	[tilespmem:$0x18400] =	vst v63  }
.LBB2_9:
0x78: {  	_ =	sfence.sel $0x180000  }
0x79: {  	[bflag:$0x0] =	sbarrier.arrive $0xFFFF  }
0x7a: {  	p0 =	sne.s32 s3, $0x0;
	_ =	strace $0x9000004D  }
0x7b: {  	s0 =	sadd.s32 @!p0 $0x100000, s0;
	[bflag:$0x2] =	sbarrier.arrive $0xFFFF  }
0x7c: {  	[sflag:s0] =	ssyncadd.tile.s32 @!p0 $0x1;
	_ =	shalt  }
.Lfunc_end2:
_tile_overlayer_lowered:
.L_overlay_start_2:
0x7d: {  	(tag) =	ssettag $0x2  }
0x7e: {  	s0 =	rddreg [dreg:$0x0];
	s2 =	stileid.u32  }
0x7f: {  	s1 =	rddreg [dreg:$0x1];
	p0 =	sne.s32 s2, $0x0  }
0x80: {  	s3 =	rddreg [dreg:$0x2];
	[bflag:$0x3] =	sbarrier.arrive $0xFFFF;
	s2 =	simm.s32 @!p0 $0x1C02  }
0x81: {  	[timem:s3], [sflag:s2] =	dma.local @!p0 [hbm:s0], s1  }
0x82: {  	s0 =	simm.s32 @!p0 $0x2  }
0x83: {  	_ =	swait.ge @!p0 [sflag:s0], s1  }
0x84: {  	s1 =	ssub.s32 @!p0 $0x0, s1;
	[sflag:s0] =	ssyncset.done @!p0 $0x0  }
0x85: {  	[sflag:s0] =	ssyncadd.s32 @!p0 s1  }
0x86: {  	[bflag:$0x3] =	sbarrier.arrive $0xFFFF  }
0x87: {  	_ =	shalt  }

// kernel: kernel.20.cloned.1.call-start
scs
__scs_entry_jumppad:
0x0: {  	(pc) =	sbr.rel $0x88, $3  }
0x1: {  	(tag) =	ssettag $0x0;
	lr =	simm.s32 $0x1  }
0x2: {  	[smem:$0x3F98] =	sst lr;
	_ =	strace $0xD0000000  }
0x3: {  	_ = 	snop  }
0x4: {  	_ = 	snop  }
0x5: {  	_ = 	snop  }
0x6: {  	_ = 	snop  }
0x7: {  	_ = 	snop  }
__scs_overlays_trampoline_lowered:
0x8: {  	[smem:$0x3FA7] =	sst s0  }
0x9: {  	[smem:$0x3FA8] =	sst s1  }
0xa: {  	[smem:$0x3FA9] =	sst s2  }
0xb: {  	[smem:$0x3FAA] =	sst s3  }
0xc: {  	[smem:$0x3FAB] =	sst s4  }
0xd: {  	[smem:$0x3FAC] =	sst s5  }
0xe: {  	[smem:$0x3FAD] =	sst s6  }
0xf: {  	[smem:$0x3FAE] =	sst s7  }
0x10: {  	[smem:$0x3FAF] =	sst s8  }
0x11: {  	[smem:$0x3FB0] =	sst s9;
	s0 =	simm.s32 @!p0 $0x0  }
0x12: {  	s1 =	sld [smem:$0x3F96];
	s0 =	simm.s32 @p0 $0x1  }
0x13: {  	[smem:$0x3FB1] =	sst s0;
	s0 =	simm.s32 @!p1 $0x0  }
0x14: {  	s2 =	sld [smem:$0x3F95];
	s0 =	simm.s32 @p1 $0x1  }
0x15: {  	[smem:$0x3FB2] =	sst s0;
	s0 =	simm.s32 @!p2 $0x0  }
0x16: {  	s3 =	sld [smem:$0x3FDB];
	s0 =	simm.s32 @p2 $0x1  }
0x17: {  	s4 =	simm.s32 $0x1BF5;
	[smem:$0x3FB4] =	sst s0  }
0x18: {  	s0 =	sld [smem:$0x3F97];
	_ =	swait.ge [sflag:s4], $0x0  }
0x19: {  	s7 =	sld [smem:$0x3F98]  }
0x1a: {  	s8 =	sadd.s32 $0xFFFFE003, lr  }
0x1b: {  	s9 =	sadd.s32 $0xFFFFFEF7, lr;
	s5 =	simm.s32 $0xFFFFFFFF;
	p2 =	slt.u32 s8, $0xFFFFF086  }
0x1c: {  	p1 =	slt.u32 s9, $0xF7A;
	s5 =	simm.s32 @!p2 $0x0  }
0x1d: {  	s5 =	simm.s32 @p1 $0x1;
	p0 =	seq.s32 s7, s2  }
0x1e: {  	s7 =	smul.u32 @!p0 $0xF7A, s2;
	p2 =	seq.s32 @!p0 s5, $0x0  }
0x1f: {  	s9 =	smul.u32 $0xF7A, s1;
	s8 =	simm.s32 @!p0 $0x1BF5;
	p2 =	por !p2, p0  }
0x20: {  	[sflag:s8] =	ssyncset.s32 @!p0 $0xFFFFF086;
	s6 =	sadd.s32 @!p0 s3, s7;
	s7 =	simm.s32 @!p0 $0x108  }
0x21: {  	s3 =	sadd.s32 s3, s9;
	s6 =	sadd.s32 @!p0 $0x88, s6;
	s7 =	simm.s32 @p2 $0x1082  }
0x22: {  	[simem:s7], [sflag:s8] =	dma.local @!p0 [hbm:s6], $0xF7A  }
0x23: {  	s9 =	sor.u32 $0xD0000000, s2;
	s6 =	simm.s32 $0x108;
	_ =	swait.ge @!p0 [sflag:s8], $0x0  }
0x24: {  	s3 =	sadd.s32 $0x88, s3;
	s6 =	simm.s32 @!p1 $0x1082;
	[sflag:s4] =	ssyncset.s32 $0xFFFFF086  }
0x25: {  	[simem:s6], [sflag:s4] =	dma.local [hbm:s3], $0xF7A  }
0x26: {  	[smem:$0x3F98] =	sst s1;
	(tag) =	ssettag s2;
	_ =	strace s9  }
0x27: {  	s1 =	sld [smem:$0x3FA8]  }
0x28: {  	s2 =	sld [smem:$0x3FA9]  }
0x29: {  	s4 =	sld [smem:$0x3FAB]  }
0x2a: {  	p0 =	seq.s32 s5, $0x0;
	s5 =	sld [smem:$0x3FAC]  }
0x2b: {  	s6 =	sld [smem:$0x3FAD]  }
0x2c: {  	s7 =	sld [smem:$0x3FAE]  }
0x2d: {  	s3 =	simm.s32 $0x108;
	s8 =	sld [smem:$0x3FAF]  }
0x2e: {  	s3 =	simm.s32 @!p0 $0x1082;
	s9 =	sld [smem:$0x3FB0]  }
0x2f: {  	lr =	sadd.s32 s0, s3;
	s0 =	sld [smem:$0x3FA7]  }
0x30: {  	s3 =	sld [smem:$0x3FAA]  }
0x31: {  	[smem:$0x3FB3] =	sst s10  }
0x32: {  	s10 =	sld [smem:$0x3FB1];
	_ =	sdelay $0x3  }
0x33: {  	p0 =	seq.s32 s10, $0x1;
	s10 =	sld [smem:$0x3FB3];
	_ =	sdelay $0x3  }
0x34: {  	[smem:$0x3FB3] =	sst s10  }
0x35: {  	s10 =	sld [smem:$0x3FB2];
	_ =	sdelay $0x3  }
0x36: {  	p1 =	seq.s32 s10, $0x1;
	s10 =	sld [smem:$0x3FB3];
	_ =	sdelay $0x3  }
0x37: {  	[smem:$0x3FB3] =	sst s10  }
0x38: {  	s10 =	sld [smem:$0x3FB4]  }
0x39: {  	_ = 	snop;
	(pc) =	sbr.ind lr, $3  }
0x3a: {  	_ = 	snop  }
0x3b: {  	_ = 	snop  }
0x3c: {  	p2 =	seq.s32 s10, $0x1;
	s10 =	sld [smem:$0x3FB3]  }
0x3d: {  	_ =	shalt  }
0x3e: {  	_ =	shalt  }
0x3f: {  	_ =	shalt  }
0x40: {  	_ =	shalt  }
0x41: {  	_ =	shalt  }
0x42: {  	_ =	shalt  }
0x43: {  	_ =	shalt  }
0x44: {  	_ =	shalt  }
0x45: {  	_ =	shalt  }
0x46: {  	_ =	shalt  }
0x47: {  	_ =	shalt  }
0x48: {  	_ =	shalt  }
0x49: {  	_ =	shalt  }
0x4a: {  	_ =	shalt  }
0x4b: {  	_ =	shalt  }
0x4c: {  	_ =	shalt  }
0x4d: {  	_ =	shalt  }
0x4e: {  	_ =	shalt  }
0x4f: {  	_ =	shalt  }
0x50: {  	_ =	shalt  }
0x51: {  	_ =	shalt  }
0x52: {  	_ =	shalt  }
0x53: {  	_ =	shalt  }
0x54: {  	_ =	shalt  }
0x55: {  	_ =	shalt  }
0x56: {  	_ =	shalt  }
0x57: {  	_ =	shalt  }
0x58: {  	_ =	shalt  }
0x59: {  	_ =	shalt  }
0x5a: {  	_ =	shalt  }
0x5b: {  	_ =	shalt  }
0x5c: {  	_ =	shalt  }
0x5d: {  	_ =	shalt  }
0x5e: {  	_ =	shalt  }
0x5f: {  	_ =	shalt  }
0x60: {  	_ =	shalt  }
0x61: {  	_ =	shalt  }
0x62: {  	_ =	shalt  }
0x63: {  	_ =	shalt  }
0x64: {  	_ =	shalt  }
0x65: {  	_ =	shalt  }
0x66: {  	_ =	shalt  }
0x67: {  	_ =	shalt  }
0x68: {  	_ =	shalt  }
0x69: {  	_ =	shalt  }
0x6a: {  	_ =	shalt  }
0x6b: {  	_ =	shalt  }
0x6c: {  	_ =	shalt  }
0x6d: {  	_ =	shalt  }
0x6e: {  	_ =	shalt  }
0x6f: {  	_ =	shalt  }
0x70: {  	_ =	shalt  }
0x71: {  	_ =	shalt  }
0x72: {  	_ =	shalt  }
0x73: {  	_ =	shalt  }
0x74: {  	_ =	shalt  }
0x75: {  	_ =	shalt  }
0x76: {  	_ =	shalt  }
0x77: {  	_ =	shalt  }
0x78: {  	_ =	shalt  }
0x79: {  	_ =	shalt  }
0x7a: {  	_ =	shalt  }
0x7b: {  	_ =	shalt  }
0x7c: {  	_ =	shalt  }
0x7d: {  	_ =	shalt  }
0x7e: {  	_ =	shalt  }
0x7f: {  	_ =	shalt  }
0x80: {  	_ =	shalt  }
0x81: {  	_ =	shalt  }
0x82: {  	_ =	shalt  }
0x83: {  	_ =	shalt  }
0x84: {  	_ =	shalt  }
0x85: {  	_ =	shalt  }
0x86: {  	_ =	shalt  }
0x87: {  	_ =	shalt  }
.Lfunc_end0:
.L_simem_size_0:
called_computation.3_lowered:
.L_overlay_start_0:
0x88: {  	s2 =	sld [smem:$0x3FD9]  }
0x89: {  	s3 =	sld [smem:$0x3FFE];
	_ =	sdelay $0x1  }
0x8a: {  	s1 =	srdreg.scid  }
0x8b: {  	s0 =	sand.u32 $0x1, s1  }
0x8c: {  	s17 =	sshll.u32 s0, $0xA;
	s2 =	sadd.s32 s3, s2  }
0x8d: {  	s2 =	sadd.s32 s2, s17  }
0x8e: {  	[smem:$0x3FBF] =	sst s2  }
0x8f: {  	_ = 	snop  }
0x90: {  	s2 =	sld [smem:$0x3FD0];
	(tm) =	ssettm $0x1  }
0x91: {  	s18 =	sld [smem:$0x3FFB];
	_ =	sdelay $0x3  }
0x92: {  	_ =	strace s18  }
0x93: {  	s3 =	sld [smem:$0x3FFC];
	_ =	sdelay $0x3  }
0x94: {  	_ =	strace s3  }
0x95: {  	s3 =	sld [smem:$0x3FFD];
	_ =	sdelay $0x3  }
0x96: {  	_ =	strace s3  }
0x97: {  	_ =	strace $0x8FFFFFFF  }
0x98: {  	s19 =	sld [smem:$0x3FDB];
	_ =	sdelay $0x1  }
0x99: {  	s4 =	simm.s32 $_scs_section_size  }
0x9a: {  	s5 =	simm.s32 $_size__tile_overlayer_lowered;
	s6 =	simm.s32 $_tile_overlayer_lowered  }
0x9b: {  	s22 =	simm.s32 $0x1BFF;
	s21 =	sshll.u32 s6, $0x1;
	s3 =	sadd.s32 s4, s19  }
0x9c: {  	s7 =	simm.s32 $0x0;
	s20 =	sshll.u32 s5, $0x1;
	s5 =	sadd.s32 s21, s3  }
0x9d: {  	[timem:s7], [sflag:s22] =	dma.local [hbm:s5], s20  }
0x9e: {  	_ =	swait.ge [sflag:s22], s20  }
0x9f: {  	s4 =	ssub.s32 $0x0, s20;
	[sflag:s22] =	ssyncset.done $0x0  }
0xa0: {  	[sflag:s22] =	ssyncadd.s32 s4;
	_ =	sdelay $0x1  }
0xa1: {  	s23 =	simm.s32 $0x1B8B  }
0xa2: {  	_ =	swait.ge [sflag:s23], $0x1  }
0xa3: {  	[sflag:s23] =	ssyncset.done $0x0  }
0xa4: {  	s25 =	simm.s32 $0x1B8E;
	s24 =	sld [smem:$0x3FFE];
	[sflag:s23] =	ssyncadd.s32 $0xFFFFFFFF  }
0xa5: {  	s26 =	simm.s32 $execute0_lowered;
	[smem:$0x3FD2] =	sst s25  }
0xa6: {  	s5 =	sshll.u32 s26, $0x1;
	_ =	strace $0x8000004F;
	[dreg:$0x1] =	wrdreg $0xFFFFFFFF  }
0xa7: {  	s28 =	simm.s32 $_size_execute0_lowered;
	s3 =	sadd.s32 s3, s5;
	[dreg:$0x0] =	wrdreg $0x0  }
0xa8: {  	s5 =	sshll.u32 s28, $0x1;
	[dreg:$0x2] =	wrdreg s3  }
0xa9: {  	[dreg:$0x3] =	wrdreg s5  }
0xaa: {  	[dreg:$0x4] =	wrdreg $0xC0  }
0xab: {  	_ =	task [dreg:s7], $0x5FFFF  }
0xac: {  	[dreg:$0x1] =	wrdreg $0xFFFFFFFF  }
0xad: {  	[dreg:$0x0] =	wrdreg $0x60  }
0xae: {  	[dreg:$0x2] =	wrdreg s2  }
0xaf: {  	[dreg:$0x3] =	wrdreg s24  }
0xb0: {  	[dreg:$0x4] =	wrdreg $0x0  }
0xb1: {  	[dreg:$0x5] =	wrdreg $0x9  }
0xb2: {  	_ =	task.clear_ibuf [dreg:s7], $0x6FFFF;
	_ =	strace $0x9000004F  }
0xb3: {  	s29 =	simm.s32 $0x9;
	_ =	strace $0x80000051  }
0xb4: {  	_ =	swait.ge [sflag:s29], $0x1  }
0xb5: {  	[sflag:s29] =	ssyncadd.s32 $0xFFFFFFFF  }
0xb6: {  	_ =	strace $0x90000051  }
0xb7: {  	_ =	sfence  }
0xb8: {  	s30 =	sld [smem:$0x0];
	_ =	sdelay $0x2  }
0xb9: {  	s31 =	sshll.u32 s1, $0xD;
	s1 =	sshrl.u32 s1, $0x2  }
0xba: {  	s3 =	sand.u32 $0x4000, s31;
	s1 =	sadd.s32 s1, s30  }
0xbb: {  	s0 =	sor.u32 s3, s0;
	s1 =	sshll.u32 s1, $0x11  }
0xbc: {  	s0 =	sor.u32 s1, s0  }
0xbd: {  	s0 =	sadd.s32 $0x8F2B, s0  }
0xbe: {  	[sflag:s0] =	ssyncadd.remote.s32 $0x1  }
0xbf: {  	_ =	sfence.sel $0xFFFF  }
0xc0: {  	[dreg:$0x0] =	wrdreg $0xFFFFFFFF;
	(pc) =	sbr.abs _section_cstart, $3  }
0xc1: {  	[dreg:$0x1] =	wrdreg $0xFFFFFFFF  }
0xc2: {  	_ =	task.clear_ibuf [dreg:s7], $0x2FFFF;
	_ =	strace $0x9FFFFFFF  }
0xc3: {  	(tm) =	ssettm $0x7FFFFFFF  }
tec
execute0_lowered:
.L_overlay_start_1:
0x0: {  	(tag) =	ssettag $0x1  }
0x1: {  	s1 =	rddreg [dreg:$0x0]  }
0x2: {  	s6 =	rddreg [dreg:$0x1]  }
0x3: {  	s3 =	rddreg [dreg:$0x2]  }
0x4: {  	s0 =	rddreg [dreg:$0x3]  }
0x5: {  	s4 =	simm.s32 $0x0;
	s5 =	srdreg.scid;
	s2 =	stileid.u32  }
0x6: {  	s17 =	simm.s32 $0x19E20;
	s18 =	simm.s32 $0x1;
	s19 =	simm.s32 $0x187E0  }
0x7: {  	s20 =	simm.s32 $0x1C220;
	s21 =	simm.s32 $0x19DE0;
	s8 =	smul.u32 $0x2C04, s2  }
0x8: {  	[smem:$0x7FF] =	sst s4;
	s7 =	sand.u32 $0x1, s5;
	s12 =	smul.u32 $0x58080, s2  }
0x9: {  	s10 =	sadd.s32 $0x65200, s6;
	s11 =	sadd.s32 $0x60200, s6;
	s14 =	smul.u32 $0x900, s2  }
0xa: {  	s5 =	sadd.s32 $0x6A200, s6;
	s28 =	sshll.u32 s2, $0x6;
	s29 =	smul.u32 $0x3E0, s2  }
0xb: {  	_ =	strace $0x80000050;
	s9 =	smul.u32 $0x2C040, s7;
	s26 =	ssub.s32 $0x2, s7  }
0xc: {  	p0 =	seq.s32 s7, $0x1;
	s13 =	sshrl.u32 s26, $0x1;
	s12 =	sshrl.u32 s12, $0x2  }
0xd: {  	s30 =	sshrl.u32 s14, $0x3;
	s7 =	sadd.s32 s10, s29;
	s14 =	simm.s32 $0x2  }
.Ltmp0:
0xe: {  	s8 =	sadd.s32 s8, s9;
	s13 =	ssub.s32 s26, s13;
	(pc) =	sbr.rel .LBB2_1-.Ltmp0, $4  }
0xf: {  	s16 =	sadd.s32 s12, s3;
	s31 =	sadd.s32 $0x3E00, s30;
	s15 =	sadd.s32 s8, s6  }
0x10: {  	s6 =	sor.u32 $0x1C02, s28;
	s8 =	sadd.s32 s11, s29;
	s9 =	sadd.s32 s10, s31  }
0x11: {  	s10 =	sadd.s32 s11, s31;
	s12 =	smax.u32 s13, $0x1;
	s13 =	sshrl.u32 s16, $0x3  }
0x12: {  	s16 =	simm.s32 $0x40;
	s11 =	sadd.s32 $0x6D000, s15;
	s15 =	simm.s32 $0x16020  }
.LBB2_7:
0x13: {  	s25 =	sxor.u32 $0x1, s24;
	[sflag:s14] =	ssyncset.done $0x0  }
0x14: {  	s25 =	smul.u32 $0x9000, s25;
	[sflag:s14] =	ssyncadd.s32 $0xFFFFDC00  }
0x15: {  	s30 =	smul.u32 $0x9000, s24;
	_ =	swait.ge [sflag:s18], $0x2400  }
0x16: {  	[sflag:s18] =	ssyncset.done $0x0;
	s25 =	sshrl.u32 s25, $0x2  }
0x17: {  	s31 =	sshrl.u32 s30, $0x2;
	[sflag:s18] =	ssyncadd.s32 $0xFFFFDC00;
	s25 =	sadd.s32 $0x19E20, s25  }
0x18: {  	[tilespmem:s25], [sflag:$0x1] =	stream.indirect.gather [hbm4b:s1+s16], $0x90, s22, s16, $0xb8;
	[tilespmem:$0x1E620] =	vst v63  }
0x19: {  	s22 =	sadd.s32 $0x19E20, s31  }
0x1a: {  	[spmem:s3] =	stream.indirect.scatter.add.f32 [tilespmem:s22], [sflag:$0x2], $0x90, s23, s16, $0xb8;
	[tilespmem:$0x1E620] =	vst v63  }
0x1b: {  	_ =	swait.ge [sflag:s14], $0x2400  }
0x1c: {  	[sflag:s14] =	ssyncset.done $0x0  }
0x1d: {  	[sflag:s14] =	ssyncadd.s32 $0xFFFFDC00  }
0x1e: {  	_ =	swait.ge [sflag:s18], $0x2400  }
0x1f: {  	[sflag:s18] =	ssyncset.done $0x0  }
0x20: {  	[sflag:s18] =	ssyncadd.s32 $0xFFFFDC00  }
0x21: {  	[spmem:s3] =	stream.indirect.scatter.add.f32 [tilespmem:s20], [sflag:$0x2], $0x90, s19, s16, $0xb8;
	[tilespmem:$0x1E620] =	vst v63  }
.LBB2_8:
0x22: {  	_ =	swait.ge [sflag:s14], $0x2400  }
0x23: {  	s4 =	sadd.s32 $0x1, s4;
	[sflag:s14] =	ssyncset.done $0x0  }
0x24: {  	p1 =	sne.s32 s4, s12;
	[sflag:s14] =	ssyncadd.s32 $0xFFFFDC00  }
.Ltmp1:
0x25: {  	[bflag:$0x0] =	sbarrier.arrive $0xFFFF;
	(pc) =	sbr.rel @!p1 .LBB2_9-.Ltmp1, $4  }
0x26: {  	[hbm:s11], [sflag:s6] =	dma.local [spmem:s13], $0x2C04  }
0x27: {  	_ =	swait.ge [sflag:s14], $0x2C04  }
0x28: {  	[sflag:s14] =	ssyncset.done $0x0  }
0x29: {  	[sflag:s14] =	ssyncadd.s32 $0xFFFFD3FC  }
.LBB2_1:
0x2a: {  	[spmem:s13], [sflag:s6] =	dma.local [hbm:s5], $0x2C04  }
.Ltmp2:
0x2b: {  	_ =	swait.ge [sflag:s14], $0x2C04;
	(pc) =	sbr.rel @!p0 .LBB2_2-.Ltmp2, $4  }
0x2c: {  	[sflag:s14] =	ssyncset.done $0x0  }
0x2d: {  	[sflag:s14] =	ssyncadd.s32 $0xFFFFD3FC  }
0x2e: {  	[bflag:$0x0] =	sbarrier.arrive $0xFFFF  }
0x2f: {  	s22 =	simm.s32 $0x0  }
0x30: {  	[tilespmem:s15], [sflag:$0x2] =	stream.linear.gather [hbm4b:s9+s22], $0x900, $0x38;
	[tilespmem:$0x1E620] =	vst v63  }
0x31: {  	_ =	swait.ge [sflag:s14], $0x900  }
0x32: {  	[sflag:s14] =	ssyncset.done $0x0  }
0x33: {  	s23 =	simm.s32 $0x17F20;
	[sflag:s14] =	ssyncadd.s32 $0xFFFFF700  }
0x34: {  	[tilespmem:s23], [sflag:$0x2] =	stream.linear.gather [hbm4b:s10+s22], $0x900, $0x38;
	[tilespmem:$0x1E620] =	vst v63  }
0x35: {  	s30 =	sand.u32 $0x1, s22;
	_ =	swait.ge [sflag:s14], $0x900  }
0x36: {  	s24 =	sxor.u32 $0x1, s30;
	[sflag:s14] =	ssyncset.done $0x0  }
0x37: {  	s24 =	smul.u32 $0x9000, s24;
	[sflag:s14] =	ssyncadd.s32 $0xFFFFF700  }
0x38: {  	[tilespmem:s17], [sflag:$0x1] =	stream.indirect.gather [hbm4b:s1+s16], $0x90, s15, s16, $0xb8;
	[tilespmem:$0x1E620] =	vst v63  }
0x39: {  	s25 =	simm.s32 $0x16060;
	s22 =	smul.u32 $0x9000, s30;
	_ =	swait.ge [sflag:s18], $0x2400  }
0x3a: {  	s31 =	simm.s32 $0x1;
	s24 =	sshrl.u32 s24, $0x2;
	[sflag:s18] =	ssyncset.done $0x0  }
0x3b: {  	s24 =	sadd.s32 $0x19E20, s24;
	s22 =	sshrl.u32 s22, $0x2;
	[sflag:s18] =	ssyncadd.s32 $0xFFFFDC00  }
0x3c: {  	[tilespmem:s24], [sflag:$0x1] =	stream.indirect.gather [hbm4b:s1+s16], $0x90, s25, s16, $0xb8;
	[tilespmem:$0x1E620] =	vst v63  }
0x3d: {  	s22 =	sadd.s32 $0x19E20, s22;
	s25 =	simm.s32 $0x2;
	s24 =	sand.u32 $0x1, s31  }
0x3e: {  	[spmem:s3] =	stream.indirect.scatter.add.f32 [tilespmem:s22], [sflag:$0x2], $0x90, s23, s16, $0xb8;
	[tilespmem:$0x1E620] =	vst v63  }
0x3f: {  	s22 =	simm.s32 $0x160A0;
	s23 =	simm.s32 $0x17F60;
	_ =	swait.ge [sflag:s14], $0x2400  }
.LBB2_6:
0x40: {  	s26 =	sxor.u32 $0x1, s24  }
0x41: {  	[sflag:s14] =	ssyncset.done $0x0;
	s28 =	smov.u32 s25;
	s29 =	sadd.s32 $0x1, s25  }
0x42: {  	p1 =	sne.s32 s25, $0x22;
	s25 =	smul.u32 $0x9000, s26;
	[sflag:s14] =	ssyncadd.s32 $0xFFFFDC00  }
0x43: {  	_ =	swait.ge [sflag:s18], $0x2400  }
0x44: {  	s24 =	smul.u32 $0x9000, s24;
	[sflag:s18] =	ssyncset.done $0x0;
	s25 =	sshrl.u32 s25, $0x2  }
0x45: {  	[sflag:s18] =	ssyncadd.s32 $0xFFFFDC00;
	s25 =	sadd.s32 $0x19E20, s25  }
0x46: {  	[tilespmem:s25], [sflag:$0x1] =	stream.indirect.gather [hbm4b:s1+s16], $0x90, s22, s16, $0xb8;
	[tilespmem:$0x1E620] =	vst v63  }
.Ltmp3:
0x47: {  	_ = 	snop;
	(pc) =	sbr.rel @p1 .LBB2_6-.Ltmp3, $4  }
0x48: {  	s24 =	sshrl.u32 s24, $0x2  }
0x49: {  	s24 =	sadd.s32 $0x19E20, s24;
	s22 =	sadd.s32 $0x40, s22;
	s25 =	smov.u32 s29  }
0x4a: {  	[spmem:s3] =	stream.indirect.scatter.add.f32 [tilespmem:s24], [sflag:$0x2], $0x90, s23, s16, $0xb8;
	[tilespmem:$0x1E620] =	vst v63  }
0x4b: {  	s24 =	sand.u32 $0x1, s28;
	s23 =	sadd.s32 $0x40, s23;
	_ =	swait.ge [sflag:s14], $0x2400  }
.Ltmp4:
0x4c: {  	_ = 	snop;
	(pc) =	sbr.rel .LBB2_7-.Ltmp4, $1  }
0x4d: {  	_ =	sdelay $0x3  }
.LBB2_2:
0x4e: {  	[tilespmem:s15], [sflag:$0x2] =	stream.linear.gather [hbm4b:s7+s22], $0x1F00, $0x38;
	[tilespmem:$0x1E620] =	vst v63  }
0x4f: {  	_ =	swait.ge [sflag:s14], $0x1F00  }
0x50: {  	[sflag:s14] =	ssyncset.done $0x0  }
0x51: {  	s23 =	simm.s32 $0x17F20;
	[sflag:s14] =	ssyncadd.s32 $0xFFFFE100  }
0x52: {  	[tilespmem:s23], [sflag:$0x2] =	stream.linear.gather [hbm4b:s8+s22], $0x1F00, $0x38;
	[tilespmem:$0x1E620] =	vst v63  }
0x53: {  	s30 =	sand.u32 $0x1, s22;
	_ =	swait.ge [sflag:s14], $0x1F00  }
0x54: {  	s24 =	sxor.u32 $0x1, s30;
	[sflag:s14] =	ssyncset.done $0x0  }
0x55: {  	s24 =	smul.u32 $0x9000, s24;
	[sflag:s14] =	ssyncadd.s32 $0xFFFFE100  }
0x56: {  	[tilespmem:s17], [sflag:$0x1] =	stream.indirect.gather [hbm4b:s1+s16], $0x90, s15, s16, $0xb8;
	[tilespmem:$0x1E620] =	vst v63  }
0x57: {  	s25 =	simm.s32 $0x16060;
	s22 =	smul.u32 $0x9000, s30;
	_ =	swait.ge [sflag:s18], $0x2400  }
0x58: {  	s31 =	simm.s32 $0x1;
	s24 =	sshrl.u32 s24, $0x2;
	[sflag:s18] =	ssyncset.done $0x0  }
0x59: {  	s24 =	sadd.s32 $0x19E20, s24;
	s22 =	sshrl.u32 s22, $0x2;
	[sflag:s18] =	ssyncadd.s32 $0xFFFFDC00  }
0x5a: {  	[tilespmem:s24], [sflag:$0x1] =	stream.indirect.gather [hbm4b:s1+s16], $0x90, s25, s16, $0xb8;
	[tilespmem:$0x1E620] =	vst v63  }
0x5b: {  	s22 =	sadd.s32 $0x19E20, s22;
	s25 =	simm.s32 $0x2;
	s24 =	sand.u32 $0x1, s31  }
0x5c: {  	[spmem:s3] =	stream.indirect.scatter.add.f32 [tilespmem:s22], [sflag:$0x2], $0x90, s23, s16, $0xb8;
	[tilespmem:$0x1E620] =	vst v63  }
0x5d: {  	s22 =	simm.s32 $0x160A0;
	s23 =	simm.s32 $0x17F60;
	_ =	swait.ge [sflag:s14], $0x2400  }
.LBB2_3:
0x5e: {  	s26 =	sxor.u32 $0x1, s24  }
0x5f: {  	[sflag:s14] =	ssyncset.done $0x0;
	s28 =	smov.u32 s25;
	s29 =	sadd.s32 $0x1, s25  }
0x60: {  	p1 =	seq.s32 s25, $0x7A;
	s25 =	smul.u32 $0x9000, s26;
	[sflag:s14] =	ssyncadd.s32 $0xFFFFDC00  }
0x61: {  	_ =	swait.ge [sflag:s18], $0x2400  }
0x62: {  	s24 =	smul.u32 $0x9000, s24;
	[sflag:s18] =	ssyncset.done $0x0;
	s25 =	sshrl.u32 s25, $0x2  }
0x63: {  	[sflag:s18] =	ssyncadd.s32 $0xFFFFDC00;
	s25 =	sadd.s32 $0x19E20, s25  }
0x64: {  	[tilespmem:s25], [sflag:$0x1] =	stream.indirect.gather [hbm4b:s1+s16], $0x90, s22, s16, $0xb8;
	[tilespmem:$0x1E620] =	vst v63  }
.Ltmp5:
0x65: {  	_ = 	snop;
	(pc) =	sbr.rel @!p1 .LBB2_3-.Ltmp5, $4  }
0x66: {  	s24 =	sshrl.u32 s24, $0x2  }
0x67: {  	s24 =	sadd.s32 $0x19E20, s24;
	s22 =	sadd.s32 $0x40, s22;
	s25 =	smov.u32 s29  }
0x68: {  	[spmem:s3] =	stream.indirect.scatter.add.f32 [tilespmem:s24], [sflag:$0x2], $0x90, s23, s16, $0xb8;
	[tilespmem:$0x1E620] =	vst v63  }
0x69: {  	s24 =	sand.u32 $0x1, s28;
	s23 =	sadd.s32 $0x40, s23;
	_ =	swait.ge [sflag:s14], $0x2400  }
0x6a: {  	s25 =	sxor.u32 $0x1, s24;
	[sflag:s14] =	ssyncset.done $0x0  }
0x6b: {  	s25 =	smul.u32 $0x9000, s25;
	[sflag:s14] =	ssyncadd.s32 $0xFFFFDC00  }
0x6c: {  	s30 =	smul.u32 $0x9000, s24;
	_ =	swait.ge [sflag:s18], $0x2400  }
0x6d: {  	[sflag:s18] =	ssyncset.done $0x0;
	s25 =	sshrl.u32 s25, $0x2  }
0x6e: {  	s31 =	sshrl.u32 s30, $0x2;
	[sflag:s18] =	ssyncadd.s32 $0xFFFFDC00;
	s25 =	sadd.s32 $0x19E20, s25  }
0x6f: {  	[tilespmem:s25], [sflag:$0x1] =	stream.indirect.gather [hbm4b:s1+s16], $0x90, s22, s16, $0xb8;
	[tilespmem:$0x1E620] =	vst v63  }
0x70: {  	s22 =	sadd.s32 $0x19E20, s31  }
0x71: {  	[spmem:s3] =	stream.indirect.scatter.add.f32 [tilespmem:s22], [sflag:$0x2], $0x90, s23, s16, $0xb8;
	[tilespmem:$0x1E620] =	vst v63  }
0x72: {  	_ =	swait.ge [sflag:s14], $0x2400  }
0x73: {  	[sflag:s14] =	ssyncset.done $0x0  }
.Ltmp6:
0x74: {  	[sflag:s14] =	ssyncadd.s32 $0xFFFFDC00;
	(pc) =	sbr.rel .LBB2_8-.Ltmp6, $4  }
0x75: {  	_ =	swait.ge [sflag:s18], $0x2400  }
0x76: {  	[sflag:s18] =	ssyncset.done $0x0  }
0x77: {  	[sflag:s18] =	ssyncadd.s32 $0xFFFFDC00  }
0x78: {  	[spmem:s3] =	stream.indirect.scatter.add.f32 [tilespmem:s20], [sflag:$0x2], $0x90, s21, s16, $0xb8;
	[tilespmem:$0x1E620] =	vst v63  }
.LBB2_9:
0x79: {  	_ =	sfence.sel $0x180000  }
0x7a: {  	[bflag:$0x0] =	sbarrier.arrive $0xFFFF  }
0x7b: {  	p0 =	sne.s32 s2, $0x0;
	_ =	strace $0x90000050  }
0x7c: {  	s0 =	sadd.s32 @!p0 $0x100000, s0;
	[bflag:$0x2] =	sbarrier.arrive $0xFFFF  }
0x7d: {  	[sflag:s0] =	ssyncadd.tile.s32 @!p0 $0x1;
	_ =	shalt  }
.Lfunc_end2:
_tile_overlayer_lowered:
.L_overlay_start_2:
0x7e: {  	(tag) =	ssettag $0x2  }
0x7f: {  	s0 =	rddreg [dreg:$0x0];
	s2 =	stileid.u32  }
0x80: {  	s1 =	rddreg [dreg:$0x1];
	p0 =	sne.s32 s2, $0x0  }
0x81: {  	s3 =	rddreg [dreg:$0x2];
	[bflag:$0x3] =	sbarrier.arrive $0xFFFF;
	s2 =	simm.s32 @!p0 $0x1C02  }
0x82: {  	[timem:s3], [sflag:s2] =	dma.local @!p0 [hbm:s0], s1  }
0x83: {  	s0 =	simm.s32 @!p0 $0x2  }
0x84: {  	_ =	swait.ge @!p0 [sflag:s0], s1  }
0x85: {  	s1 =	ssub.s32 @!p0 $0x0, s1;
	[sflag:s0] =	ssyncset.done @!p0 $0x0  }
0x86: {  	[sflag:s0] =	ssyncadd.s32 @!p0 s1  }
0x87: {  	[bflag:$0x3] =	sbarrier.arrive $0xFFFF  }
0x88: {  	_ =	shalt  }

</sc_bundles>
